<compile_context>
chip_gen: v7x
topology: tpu7x:2x2x1
jax: 0.10.2.dev20260603
libtpu: 0.0.44.dev20260713+nightly
codegen_flags: <defaults>
</compile_context>

<pallas_src>
import functools

import jax
import jax.numpy as jnp
from jax import lax
from jax.experimental import pallas as pl
from jax.experimental.pallas import tpu as pltpu
from jax.experimental.pallas import tpu_sc as plsc

_NUM_CORES = 2
_NUM_SUBCORES = 16
_LANES = 16
_NUM_WORKERS = _NUM_CORES * _NUM_SUBCORES

_HBLK = 4
_NBUF = 2


@functools.lru_cache(maxsize=None)
def _build_sc_lookup(batch: int, hist: int, emb_dim: int, table_rows: int):
    assert emb_dim == _LANES
    bblk = batch // _NUM_WORKERS
    assert bblk * _NUM_WORKERS == batch and bblk % 128 == 0
    assert hist % (_HBLK * _NBUF) == 0
    n_pairs = hist // (_HBLK * _NBUF)

    mesh = plsc.VectorSubcoreMesh(core_axis_name="c", subcore_axis_name="s")

    @functools.partial(
        pl.kernel,
        out_type=jax.ShapeDtypeStruct((hist, emb_dim, batch), jnp.float32),
        mesh=mesh,
        compiler_params=pltpu.CompilerParams(
            needs_layout_passes=False, use_tc_tiling_on_sc=True
        ),
        scratch_types=[
            pltpu.VMEM((table_rows * emb_dim,), jnp.float32),
            pltpu.VMEM((_HBLK, bblk), jnp.int32),
            pltpu.VMEM((_HBLK, bblk), jnp.int32),
            pltpu.VMEM((_HBLK, emb_dim, bblk), jnp.float32),
            pltpu.VMEM((_HBLK, emb_dim, bblk), jnp.float32),
            pltpu.SemaphoreType.DMA,
            pltpu.SemaphoreType.DMA,
            pltpu.SemaphoreType.DMA,
            pltpu.SemaphoreType.DMA,
        ],
    )
    def emb_lookup(
        idxT_hbm, wt_hbm, x_hbm,
        wt_v, idx_v0, idx_v1, out_v0, out_v1, si0, si1, so0, so1,
    ):
        wid = lax.axis_index("s") * _NUM_CORES + lax.axis_index("c")
        b0 = wid * bblk
        idx_bufs = (idx_v0, idx_v1)
        out_bufs = (out_v0, out_v1)
        sin = (si0, si1)
        sout = (so0, so1)

        for par in range(_NBUF):
            pltpu.async_copy(
                idxT_hbm.at[pl.ds(par * _HBLK, _HBLK), pl.ds(b0, bblk)],
                idx_bufs[par],
                sin[par],
            )

        pltpu.sync_copy(wt_hbm, wt_v)
        lane_row = (
            jnp.minimum(lax.iota(jnp.int32, _LANES), table_rows - 1) * emb_dim
        )
        wcols = [plsc.load_gather(wt_v, [lane_row + e]) for e in range(emb_dim)]

        def chunk_body(hp, carry):
            for par in range(_NBUF):
                h0 = (hp * _NBUF + par) * _HBLK
                in_win = idxT_hbm.at[pl.ds(h0, _HBLK), pl.ds(b0, bblk)]
                out_win = x_hbm.at[pl.ds(h0, _HBLK), :, pl.ds(b0, bblk)]

                @pl.when(hp >= 1)
                def _wait_out():
                    pltpu.make_async_copy(
                        out_bufs[par], out_win, sout[par]
                    ).wait()

                pltpu.make_async_copy(in_win, idx_bufs[par], sin[par]).wait()

                for h in range(_HBLK):
                    def g_body(g, c2, h=h, par=par):
                        idx_vec = idx_bufs[par][h, pl.ds(g * _LANES, _LANES)]
                        for e in range(emb_dim):
                            vals = wcols[e].at[idx_vec].get(
                                mode="promise_in_bounds"
                            )
                            out_bufs[par][h, e, pl.ds(g * _LANES, _LANES)] = (
                                vals
                            )
                        return c2

                    lax.fori_loop(0, bblk // _LANES, g_body, 0, unroll=False)

                pltpu.async_copy(out_bufs[par], out_win, sout[par])

                @pl.when(hp + 1 < n_pairs)
                def _prefetch():
                    pltpu.async_copy(
                        idxT_hbm.at[
                            pl.ds(h0 + _NBUF * _HBLK, _HBLK), pl.ds(b0, bblk)
                        ],
                        idx_bufs[par],
                        sin[par],
                    )

            return carry

        lax.fori_loop(0, n_pairs, chunk_body, 0, unroll=False)

        for par in range(_NBUF):
            h0 = ((n_pairs - 1) * _NBUF + par) * _HBLK
            pltpu.make_async_copy(
                out_bufs[par],
                x_hbm.at[pl.ds(h0, _HBLK), :, pl.ds(b0, bblk)],
                sout[par],
            ).wait()

    return emb_lookup


def kernel(stage_idx, emb_weight):
    batch, hist = stage_idx.shape
    table_rows, emb_dim = emb_weight.shape
    idxT = stage_idx.T.astype(jnp.int32)
    wt = emb_weight.astype(jnp.float32).reshape(-1)
    fn = _build_sc_lookup(batch, hist, emb_dim, table_rows)
    x = fn(idxT, wt)
    return jnp.transpose(x, (2, 0, 1))

# --- scband reference (transcript-rebuilt; emitter-appended) ---
"""Pipeline reference for scband-stage-embedding-9036611191181 (READ-ONLY COPY).

The authoritative reference and input builder live on the scoring server;
editing this copy changes nothing except your own understanding.
"""

import jax, jax.numpy as jnp
import numpy as np

N_STAGES = 6
EMB_DIM = 16
BATCH = 16384
HIST = 200

def setup_inputs(seed: int = 0) -> dict:
    key = jax.random.key(seed)
    k_idx, k_w = jax.random.split(key)
    stage_idx = jax.random.randint(k_idx, (BATCH, HIST), 0, N_STAGES)
    # nn.Embedding default init: N(0, 1)
    emb_weight = jax.random.normal(k_w, (N_STAGES, EMB_DIM), dtype=jnp.float32)
    return {"stage_idx": stage_idx, "emb_weight": emb_weight}

def reference(stage_idx, emb_weight):
    # nn.Embedding forward: row gather from the table
    return jnp.take(emb_weight, stage_idx, axis=0)

if __name__ == "__main__":
    import jax
    _d = setup_inputs()
    print(jax.jit(kernel)(*tuple(_d.values())))

</pallas_src>

<mosaic_0001>
#map = affine_map<(d0, d1) -> (0, 0)>
#map1 = affine_map<(d0, d1) -> (0)>
#map2 = affine_map<(d0, d1) -> (0, 0, 0)>
module attributes {stable_mosaic.version = 14 : i64} {
  func.func @emb_lookup(%arg0: i32, %arg1: i32, %arg2: memref<200x16384xi32, #tpu.memory_space<hbm>>, %arg3: memref<96xf32, #tpu.memory_space<hbm>>, %arg4: memref<200x16x16384xf32, #tpu.memory_space<hbm>>, %arg5: memref<96xf32, #tpu.memory_space<vmem>>, %arg6: memref<4x512xi32, #tpu.memory_space<vmem>>, %arg7: memref<4x512xi32, #tpu.memory_space<vmem>>, %arg8: memref<4x16x512xf32, #tpu.memory_space<vmem>>, %arg9: memref<4x16x512xf32, #tpu.memory_space<vmem>>, %arg10: memref<!tpu.dma_semaphore, #tpu.memory_space<semaphore_mem>>, %arg11: memref<!tpu.dma_semaphore, #tpu.memory_space<semaphore_mem>>, %arg12: memref<!tpu.dma_semaphore, #tpu.memory_space<semaphore_mem>>, %arg13: memref<!tpu.dma_semaphore, #tpu.memory_space<semaphore_mem>>) attributes {dimension_semantics = [#tpu.dimension_semantics<core_parallel>, #tpu.dimension_semantics<subcore_parallel>], iteration_bounds = array<i64: 2, 16>, scalar_prefetch = 0 : i64, scratch_operands = 9 : i64, tpu.core_type = #tpu.core_type<sc_vector_subcore>, window_params = [{transform_indices = #map}, {transform_indices = #map1}, {transform_indices = #map2}]} {
    %mul3A = arith.constant 2 : i32
    %mul3A_0 = arith.muli %arg1, %mul3A : i32
    %add3A = arith.addi %mul3A_0, %arg0 : i32
    %mul3A_1 = arith.constant 512 : i32
    %mul3A_2 = arith.muli %add3A, %mul3A_1 : i32
    %dma_start3A = arith.constant 0 : i32
    %dma_start3A_3 = tpu.memref_slice %arg2[%dma_start3A, %mul3A_2] : memref<200x16384xi32, #tpu.memory_space<hbm>> -> memref<4x512xi32, #tpu.memory_space<hbm>>
    %dma_start3A_4 = arith.constant 0 : i32
    %dma_start3A_5 = tpu.memref_slice %arg2[%dma_start3A_4, %mul3A_2] : memref<200x16384xi32, #tpu.memory_space<hbm>> -> memref<4x512xi32, #tpu.memory_space<hbm>>
    tpu.enqueue_dma source(%dma_start3A_5 : memref<4x512xi32, #tpu.memory_space<hbm>>) target(%arg6 : memref<4x512xi32, #tpu.memory_space<vmem>>) target_semaphore(%arg10 : memref<!tpu.dma_semaphore, #tpu.memory_space<semaphore_mem>>)
    %dma_start3A_6 = arith.constant 4 : i32
    %dma_start3A_7 = tpu.memref_slice %arg2[%dma_start3A_6, %mul3A_2] : memref<200x16384xi32, #tpu.memory_space<hbm>> -> memref<4x512xi32, #tpu.memory_space<hbm>>
    %dma_start3A_8 = arith.constant 4 : i32
    %dma_start3A_9 = tpu.memref_slice %arg2[%dma_start3A_8, %mul3A_2] : memref<200x16384xi32, #tpu.memory_space<hbm>> -> memref<4x512xi32, #tpu.memory_space<hbm>>
    tpu.enqueue_dma source(%dma_start3A_9 : memref<4x512xi32, #tpu.memory_space<hbm>>) target(%arg7 : memref<4x512xi32, #tpu.memory_space<vmem>>) target_semaphore(%arg11 : memref<!tpu.dma_semaphore, #tpu.memory_space<semaphore_mem>>)
    "tpu.region"() ({
      %run_scoped3A = tpu.sem_alloc : memref<!tpu.dma_semaphore, #tpu.memory_space<semaphore_mem>>
      tpu.enqueue_dma source(%arg3 : memref<96xf32, #tpu.memory_space<hbm>>) target(%arg5 : memref<96xf32, #tpu.memory_space<vmem>>) target_semaphore(%run_scoped3A : memref<!tpu.dma_semaphore, #tpu.memory_space<semaphore_mem>>)
      tpu.wait_dma2 semaphore(%run_scoped3A : memref<!tpu.dma_semaphore, #tpu.memory_space<semaphore_mem>>) src(%arg3 : memref<96xf32, #tpu.memory_space<hbm>>) dst(%arg5 : memref<96xf32, #tpu.memory_space<vmem>>)
      tpu.yield
    }) : () -> ()
    %iota3A = tpu.iota {dimensions = array<i32: 0>} : vector<16xi32>
    %min3A = arith.constant 5 : i32
    %min3A_10 = vector.broadcast %min3A : i32 to vector<16xi32>
    %min3A_11 = arith.minsi %iota3A, %min3A_10 : vector<16xi32>
    %mul3A_12 = arith.constant 16 : i32
    %mul3A_13 = vector.broadcast %mul3A_12 : i32 to vector<16xi32>
    %mul3A_14 = arith.muli %min3A_11, %mul3A_13 : vector<16xi32>
    %add3A_15 = arith.constant 0 : i32
    %add3A_16 = vector.broadcast %add3A_15 : i32 to vector<16xi32>
    %add3A_17 = arith.addi %mul3A_14, %add3A_16 : vector<16xi32>
    %gather3A = tpu.vector_load_idx %arg5[%add3A_17] : memref<96xf32, #tpu.memory_space<vmem>>[vector<16xi32>], vector<16xf32>,
    %add3A_18 = arith.constant 1 : i32
    %add3A_19 = vector.broadcast %add3A_18 : i32 to vector<16xi32>
    %add3A_20 = arith.addi %mul3A_14, %add3A_19 : vector<16xi32>
    %gather3A_21 = tpu.vector_load_idx %arg5[%add3A_20] : memref<96xf32, #tpu.memory_space<vmem>>[vector<16xi32>], vector<16xf32>,
    %add3A_22 = arith.constant 2 : i32
    %add3A_23 = vector.broadcast %add3A_22 : i32 to vector<16xi32>
    %add3A_24 = arith.addi %mul3A_14, %add3A_23 : vector<16xi32>
    %gather3A_25 = tpu.vector_load_idx %arg5[%add3A_24] : memref<96xf32, #tpu.memory_space<vmem>>[vector<16xi32>], vector<16xf32>,
    %add3A_26 = arith.constant 3 : i32
    %add3A_27 = vector.broadcast %add3A_26 : i32 to vector<16xi32>
    %add3A_28 = arith.addi %mul3A_14, %add3A_27 : vector<16xi32>
    %gather3A_29 = tpu.vector_load_idx %arg5[%add3A_28] : memref<96xf32, #tpu.memory_space<vmem>>[vector<16xi32>], vector<16xf32>,
    %add3A_30 = arith.constant 4 : i32
    %add3A_31 = vector.broadcast %add3A_30 : i32 to vector<16xi32>
    %add3A_32 = arith.addi %mul3A_14, %add3A_31 : vector<16xi32>
    %gather3A_33 = tpu.vector_load_idx %arg5[%add3A_32] : memref<96xf32, #tpu.memory_space<vmem>>[vector<16xi32>], vector<16xf32>,
    %add3A_34 = arith.constant 5 : i32
    %add3A_35 = vector.broadcast %add3A_34 : i32 to vector<16xi32>
    %add3A_36 = arith.addi %mul3A_14, %add3A_35 : vector<16xi32>
    %gather3A_37 = tpu.vector_load_idx %arg5[%add3A_36] : memref<96xf32, #tpu.memory_space<vmem>>[vector<16xi32>], vector<16xf32>,
    %add3A_38 = arith.constant 6 : i32
    %add3A_39 = vector.broadcast %add3A_38 : i32 to vector<16xi32>
    %add3A_40 = arith.addi %mul3A_14, %add3A_39 : vector<16xi32>
    %gather3A_41 = tpu.vector_load_idx %arg5[%add3A_40] : memref<96xf32, #tpu.memory_space<vmem>>[vector<16xi32>], vector<16xf32>,
    %add3A_42 = arith.constant 7 : i32
    %add3A_43 = vector.broadcast %add3A_42 : i32 to vector<16xi32>
    %add3A_44 = arith.addi %mul3A_14, %add3A_43 : vector<16xi32>
    %gather3A_45 = tpu.vector_load_idx %arg5[%add3A_44] : memref<96xf32, #tpu.memory_space<vmem>>[vector<16xi32>], vector<16xf32>,
    %add3A_46 = arith.constant 8 : i32
    %add3A_47 = vector.broadcast %add3A_46 : i32 to vector<16xi32>
    %add3A_48 = arith.addi %mul3A_14, %add3A_47 : vector<16xi32>
    %gather3A_49 = tpu.vector_load_idx %arg5[%add3A_48] : memref<96xf32, #tpu.memory_space<vmem>>[vector<16xi32>], vector<16xf32>,
    %add3A_50 = arith.constant 9 : i32
    %add3A_51 = vector.broadcast %add3A_50 : i32 to vector<16xi32>
    %add3A_52 = arith.addi %mul3A_14, %add3A_51 : vector<16xi32>
    %gather3A_53 = tpu.vector_load_idx %arg5[%add3A_52] : memref<96xf32, #tpu.memory_space<vmem>>[vector<16xi32>], vector<16xf32>,
    %add3A_54 = arith.constant 10 : i32
    %add3A_55 = vector.broadcast %add3A_54 : i32 to vector<16xi32>
    %add3A_56 = arith.addi %mul3A_14, %add3A_55 : vector<16xi32>
    %gather3A_57 = tpu.vector_load_idx %arg5[%add3A_56] : memref<96xf32, #tpu.memory_space<vmem>>[vector<16xi32>], vector<16xf32>,
    %add3A_58 = arith.constant 11 : i32
    %add3A_59 = vector.broadcast %add3A_58 : i32 to vector<16xi32>
    %add3A_60 = arith.addi %mul3A_14, %add3A_59 : vector<16xi32>
    %gather3A_61 = tpu.vector_load_idx %arg5[%add3A_60] : memref<96xf32, #tpu.memory_space<vmem>>[vector<16xi32>], vector<16xf32>,
    %add3A_62 = arith.constant 12 : i32
    %add3A_63 = vector.broadcast %add3A_62 : i32 to vector<16xi32>
    %add3A_64 = arith.addi %mul3A_14, %add3A_63 : vector<16xi32>
    %gather3A_65 = tpu.vector_load_idx %arg5[%add3A_64] : memref<96xf32, #tpu.memory_space<vmem>>[vector<16xi32>], vector<16xf32>,
    %add3A_66 = arith.constant 13 : i32
    %add3A_67 = vector.broadcast %add3A_66 : i32 to vector<16xi32>
    %add3A_68 = arith.addi %mul3A_14, %add3A_67 : vector<16xi32>
    %gather3A_69 = tpu.vector_load_idx %arg5[%add3A_68] : memref<96xf32, #tpu.memory_space<vmem>>[vector<16xi32>], vector<16xf32>,
    %add3A_70 = arith.constant 14 : i32
    %add3A_71 = vector.broadcast %add3A_70 : i32 to vector<16xi32>
    %add3A_72 = arith.addi %mul3A_14, %add3A_71 : vector<16xi32>
    %gather3A_73 = tpu.vector_load_idx %arg5[%add3A_72] : memref<96xf32, #tpu.memory_space<vmem>>[vector<16xi32>], vector<16xf32>,
    %add3A_74 = arith.constant 15 : i32
    %add3A_75 = vector.broadcast %add3A_74 : i32 to vector<16xi32>
    %add3A_76 = arith.addi %mul3A_14, %add3A_75 : vector<16xi32>
    %gather3A_77 = tpu.vector_load_idx %arg5[%add3A_76] : memref<96xf32, #tpu.memory_space<vmem>>[vector<16xi32>], vector<16xf32>,
    %scan3A = arith.constant 0 : i32
    %scan3A_78 = arith.constant 0 : i32
    %scan3A_79 = arith.constant 25 : i32
    %scan3A_80 = arith.addi %scan3A_78, %scan3A_79 : i32
    %scan3A_81 = arith.constant 1 : i32
    scf.for %scan3A_94 = %scan3A_78 to %scan3A_80 step %scan3A_81  : i32 {
      %mul3A_95 = arith.constant 2 : i32
      %mul3A_96 = arith.muli %scan3A_94, %mul3A_95 : i32
      %add3A_97 = arith.constant 0 : i32
      %add3A_98 = arith.addi %mul3A_96, %add3A_97 : i32
      %mul3A_99 = arith.constant 4 : i32
      %mul3A_100 = arith.muli %add3A_98, %mul3A_99 : i32
      %ge3A = arith.constant 1 : i32
      %ge3A_101 = arith.cmpi sge, %scan3A_94, %ge3A : i32
      %convert_element_type3A = arith.extui %ge3A_101 : i1 to i32
      %cond3A = arith.constant 0 : i32
      %cond3A_102 = arith.cmpi ne, %convert_element_type3A, %cond3A : i32
      scf.if %cond3A_102 {
        %dma_wait3A_187 = arith.constant 0 : i32
        %dma_wait3A_188 = tpu.memref_slice %arg4[%mul3A_100, %dma_wait3A_187, %mul3A_2] : memref<200x16x16384xf32, #tpu.memory_space<hbm>> -> memref<4x16x512xf32, #tpu.memory_space<hbm>>
        %dma_wait3A_189 = arith.constant 0 : i32
        %dma_wait3A_190 = tpu.memref_slice %arg4[%mul3A_100, %dma_wait3A_189, %mul3A_2] : memref<200x16x16384xf32, #tpu.memory_space<hbm>> -> memref<4x16x512xf32, #tpu.memory_space<hbm>>
        tpu.wait_dma2 semaphore(%arg12 : memref<!tpu.dma_semaphore, #tpu.memory_space<semaphore_mem>>) src(%arg8 : memref<4x16x512xf32, #tpu.memory_space<vmem>>) dst(%dma_wait3A_190 : memref<4x16x512xf32, #tpu.memory_space<hbm>>)
      } else {
      }
      %dma_wait3A_103 = tpu.memref_slice %arg2[%mul3A_100, %mul3A_2] : memref<200x16384xi32, #tpu.memory_space<hbm>> -> memref<4x512xi32, #tpu.memory_space<hbm>>
      %dma_wait3A_104 = tpu.memref_slice %arg2[%mul3A_100, %mul3A_2] : memref<200x16384xi32, #tpu.memory_space<hbm>> -> memref<4x512xi32, #tpu.memory_space<hbm>>
      tpu.wait_dma2 semaphore(%arg10 : memref<!tpu.dma_semaphore, #tpu.memory_space<semaphore_mem>>) src(%dma_wait3A_104 : memref<4x512xi32, #tpu.memory_space<hbm>>) dst(%arg6 : memref<4x512xi32, #tpu.memory_space<vmem>>)
      %scan3A_105 = arith.constant 0 : i32
      %scan3A_106 = arith.constant 0 : i32
      %scan3A_107 = arith.constant 32 : i32
      %scan3A_108 = arith.addi %scan3A_106, %scan3A_107 : i32
      %scan3A_109 = arith.constant 1 : i32
      scf.for %scan3A_187 = %scan3A_106 to %scan3A_108 step %scan3A_109  : i32 {
        %mul3A_188 = arith.constant 16 : i32
        %mul3A_189 = arith.muli %scan3A_187, %mul3A_188 : i32
        %get3A = arith.constant 0 : i32
        %get3A_190 = arith.index_cast %get3A : i32 to index
        %get3A_191 = arith.index_cast %mul3A_189 : i32 to index
        %get3A_192 = tpu.vector_load %arg6[%get3A_190, %get3A_191] {strides = array<i32>} : memref<4x512xi32, #tpu.memory_space<vmem>>, vector<16xi32>,
        %lt3A_193 = arith.constant 0 : i32
        %lt3A_194 = vector.broadcast %lt3A_193 : i32 to vector<16xi32>
        %lt3A_195 = arith.cmpi slt, %get3A_192, %lt3A_194 : vector<16xi32>
        %add3A_196 = arith.constant 16 : i32
        %add3A_197 = vector.broadcast %add3A_196 : i32 to vector<16xi32>
        %add3A_198 = arith.addi %get3A_192, %add3A_197 : vector<16xi32>
        %select_n3A = arith.select %lt3A_195, %add3A_198, %get3A_192 : vector<16xi1>, vector<16xi32>
        %broadcast_in_dim3A = vector.shape_cast %select_n3A : vector<16xi32> to vector<16x1xi32>
        %gather3A_199 = vector.shape_cast %broadcast_in_dim3A : vector<16x1xi32> to vector<16xi32>
        %gather3A_200 = tpu.dynamic_gather %gather3A[%gather3A_199] in [0] : vector<16xf32>, vector<16xi32> -> vector<16xf32>
        %mul3A_201 = arith.constant 16 : i32
        %mul3A_202 = arith.muli %scan3A_187, %mul3A_201 : i32
        %swap3A = arith.constant 0 : i32
        %swap3A_203 = arith.constant 0 : i32
        %swap3A_204 = arith.index_cast %swap3A : i32 to index
        %swap3A_205 = arith.index_cast %swap3A_203 : i32 to index
        %swap3A_206 = arith.index_cast %mul3A_202 : i32 to index
        %swap3A_207 = tpu.vector_load %arg8[%swap3A_204, %swap3A_205, %swap3A_206] {strides = array<i32>} : memref<4x16x512xf32, #tpu.memory_space<vmem>>, vector<16xf32>,
        tpu.vector_store %arg8[%swap3A_204, %swap3A_205, %swap3A_206], %gather3A_200 {strides = array<i32>} : memref<4x16x512xf32, #tpu.memory_space<vmem>>, vector<16xf32>,
        %lt3A_208 = arith.constant 0 : i32
        %lt3A_209 = vector.broadcast %lt3A_208 : i32 to vector<16xi32>
        %lt3A_210 = arith.cmpi slt, %get3A_192, %lt3A_209 : vector<16xi32>
        %add3A_211 = arith.constant 16 : i32
        %add3A_212 = vector.broadcast %add3A_211 : i32 to vector<16xi32>
        %add3A_213 = arith.addi %get3A_192, %add3A_212 : vector<16xi32>
        %select_n3A_214 = arith.select %lt3A_210, %add3A_213, %get3A_192 : vector<16xi1>, vector<16xi32>
        %broadcast_in_dim3A_215 = vector.shape_cast %select_n3A_214 : vector<16xi32> to vector<16x1xi32>
        %gather3A_216 = vector.shape_cast %broadcast_in_dim3A_215 : vector<16x1xi32> to vector<16xi32>
        %gather3A_217 = tpu.dynamic_gather %gather3A_21[%gather3A_216] in [0] : vector<16xf32>, vector<16xi32> -> vector<16xf32>
        %mul3A_218 = arith.constant 16 : i32
        %mul3A_219 = arith.muli %scan3A_187, %mul3A_218 : i32
        %swap3A_220 = arith.constant 0 : i32
        %swap3A_221 = arith.constant 1 : i32
        %swap3A_222 = arith.index_cast %swap3A_220 : i32 to index
        %swap3A_223 = arith.index_cast %swap3A_221 : i32 to index
        %swap3A_224 = arith.index_cast %mul3A_219 : i32 to index
        %swap3A_225 = tpu.vector_load %arg8[%swap3A_222, %swap3A_223, %swap3A_224] {strides = array<i32>} : memref<4x16x512xf32, #tpu.memory_space<vmem>>, vector<16xf32>,
        tpu.vector_store %arg8[%swap3A_222, %swap3A_223, %swap3A_224], %gather3A_217 {strides = array<i32>} : memref<4x16x512xf32, #tpu.memory_space<vmem>>, vector<16xf32>,
        %lt3A_226 = arith.constant 0 : i32
        %lt3A_227 = vector.broadcast %lt3A_226 : i32 to vector<16xi32>
        %lt3A_228 = arith.cmpi slt, %get3A_192, %lt3A_227 : vector<16xi32>
        %add3A_229 = arith.constant 16 : i32
        %add3A_230 = vector.broadcast %add3A_229 : i32 to vector<16xi32>
        %add3A_231 = arith.addi %get3A_192, %add3A_230 : vector<16xi32>
        %select_n3A_232 = arith.select %lt3A_228, %add3A_231, %get3A_192 : vector<16xi1>, vector<16xi32>
        %broadcast_in_dim3A_233 = vector.shape_cast %select_n3A_232 : vector<16xi32> to vector<16x1xi32>
        %gather3A_234 = vector.shape_cast %broadcast_in_dim3A_233 : vector<16x1xi32> to vector<16xi32>
        %gather3A_235 = tpu.dynamic_gather %gather3A_25[%gather3A_234] in [0] : vector<16xf32>, vector<16xi32> -> vector<16xf32>
        %mul3A_236 = arith.constant 16 : i32
        %mul3A_237 = arith.muli %scan3A_187, %mul3A_236 : i32
        %swap3A_238 = arith.constant 0 : i32
        %swap3A_239 = arith.constant 2 : i32
        %swap3A_240 = arith.index_cast %swap3A_238 : i32 to index
        %swap3A_241 = arith.index_cast %swap3A_239 : i32 to index
        %swap3A_242 = arith.index_cast %mul3A_237 : i32 to index
        %swap3A_243 = tpu.vector_load %arg8[%swap3A_240, %swap3A_241, %swap3A_242] {strides = array<i32>} : memref<4x16x512xf32, #tpu.memory_space<vmem>>, vector<16xf32>,
        tpu.vector_store %arg8[%swap3A_240, %swap3A_241, %swap3A_242], %gather3A_235 {strides = array<i32>} : memref<4x16x512xf32, #tpu.memory_space<vmem>>, vector<16xf32>,
        %lt3A_244 = arith.constant 0 : i32
        %lt3A_245 = vector.broadcast %lt3A_244 : i32 to vector<16xi32>
        %lt3A_246 = arith.cmpi slt, %get3A_192, %lt3A_245 : vector<16xi32>
        %add3A_247 = arith.constant 16 : i32
        %add3A_248 = vector.broadcast %add3A_247 : i32 to vector<16xi32>
        %add3A_249 = arith.addi %get3A_192, %add3A_248 : vector<16xi32>
        %select_n3A_250 = arith.select %lt3A_246, %add3A_249, %get3A_192 : vector<16xi1>, vector<16xi32>
        %broadcast_in_dim3A_251 = vector.shape_cast %select_n3A_250 : vector<16xi32> to vector<16x1xi32>
        %gather3A_252 = vector.shape_cast %broadcast_in_dim3A_251 : vector<16x1xi32> to vector<16xi32>
        %gather3A_253 = tpu.dynamic_gather %gather3A_29[%gather3A_252] in [0] : vector<16xf32>, vector<16xi32> -> vector<16xf32>
        %mul3A_254 = arith.constant 16 : i32
        %mul3A_255 = arith.muli %scan3A_187, %mul3A_254 : i32
        %swap3A_256 = arith.constant 0 : i32
        %swap3A_257 = arith.constant 3 : i32
        %swap3A_258 = arith.index_cast %swap3A_256 : i32 to index
        %swap3A_259 = arith.index_cast %swap3A_257 : i32 to index
        %swap3A_260 = arith.index_cast %mul3A_255 : i32 to index
        %swap3A_261 = tpu.vector_load %arg8[%swap3A_258, %swap3A_259, %swap3A_260] {strides = array<i32>} : memref<4x16x512xf32, #tpu.memory_space<vmem>>, vector<16xf32>,
        tpu.vector_store %arg8[%swap3A_258, %swap3A_259, %swap3A_260], %gather3A_253 {strides = array<i32>} : memref<4x16x512xf32, #tpu.memory_space<vmem>>, vector<16xf32>,
        %lt3A_262 = arith.constant 0 : i32
        %lt3A_263 = vector.broadcast %lt3A_262 : i32 to vector<16xi32>
        %lt3A_264 = arith.cmpi slt, %get3A_192, %lt3A_263 : vector<16xi32>
        %add3A_265 = arith.constant 16 : i32
        %add3A_266 = vector.broadcast %add3A_265 : i32 to vector<16xi32>
        %add3A_267 = arith.addi %get3A_192, %add3A_266 : vector<16xi32>
        %select_n3A_268 = arith.select %lt3A_264, %add3A_267, %get3A_192 : vector<16xi1>, vector<16xi32>
        %broadcast_in_dim3A_269 = vector.shape_cast %select_n3A_268 : vector<16xi32> to vector<16x1xi32>
        %gather3A_270 = vector.shape_cast %broadcast_in_dim3A_269 : vector<16x1xi32> to vector<16xi32>
        %gather3A_271 = tpu.dynamic_gather %gather3A_33[%gather3A_270] in [0] : vector<16xf32>, vector<16xi32> -> vector<16xf32>
        %mul3A_272 = arith.constant 16 : i32
        %mul3A_273 = arith.muli %scan3A_187, %mul3A_272 : i32
        %swap3A_274 = arith.constant 0 : i32
        %swap3A_275 = arith.constant 4 : i32
        %swap3A_276 = arith.index_cast %swap3A_274 : i32 to index
        %swap3A_277 = arith.index_cast %swap3A_275 : i32 to index
        %swap3A_278 = arith.index_cast %mul3A_273 : i32 to index
        %swap3A_279 = tpu.vector_load %arg8[%swap3A_276, %swap3A_277, %swap3A_278] {strides = array<i32>} : memref<4x16x512xf32, #tpu.memory_space<vmem>>, vector<16xf32>,
        tpu.vector_store %arg8[%swap3A_276, %swap3A_277, %swap3A_278], %gather3A_271 {strides = array<i32>} : memref<4x16x512xf32, #tpu.memory_space<vmem>>, vector<16xf32>,
        %lt3A_280 = arith.constant 0 : i32
        %lt3A_281 = vector.broadcast %lt3A_280 : i32 to vector<16xi32>
        %lt3A_282 = arith.cmpi slt, %get3A_192, %lt3A_281 : vector<16xi32>
        %add3A_283 = arith.constant 16 : i32
        %add3A_284 = vector.broadcast %add3A_283 : i32 to vector<16xi32>
        %add3A_285 = arith.addi %get3A_192, %add3A_284 : vector<16xi32>
        %select_n3A_286 = arith.select %lt3A_282, %add3A_285, %get3A_192 : vector<16xi1>, vector<16xi32>
        %broadcast_in_dim3A_287 = vector.shape_cast %select_n3A_286 : vector<16xi32> to vector<16x1xi32>
        %gather3A_288 = vector.shape_cast %broadcast_in_dim3A_287 : vector<16x1xi32> to vector<16xi32>
        %gather3A_289 = tpu.dynamic_gather %gather3A_37[%gather3A_288] in [0] : vector<16xf32>, vector<16xi32> -> vector<16xf32>
        %mul3A_290 = arith.constant 16 : i32
        %mul3A_291 = arith.muli %scan3A_187, %mul3A_290 : i32
        %swap3A_292 = arith.constant 0 : i32
        %swap3A_293 = arith.constant 5 : i32
        %swap3A_294 = arith.index_cast %swap3A_292 : i32 to index
        %swap3A_295 = arith.index_cast %swap3A_293 : i32 to index
        %swap3A_296 = arith.index_cast %mul3A_291 : i32 to index
        %swap3A_297 = tpu.vector_load %arg8[%swap3A_294, %swap3A_295, %swap3A_296] {strides = array<i32>} : memref<4x16x512xf32, #tpu.memory_space<vmem>>, vector<16xf32>,
        tpu.vector_store %arg8[%swap3A_294, %swap3A_295, %swap3A_296], %gather3A_289 {strides = array<i32>} : memref<4x16x512xf32, #tpu.memory_space<vmem>>, vector<16xf32>,
        %lt3A_298 = arith.constant 0 : i32
        %lt3A_299 = vector.broadcast %lt3A_298 : i32 to vector<16xi32>
        %lt3A_300 = arith.cmpi slt, %get3A_192, %lt3A_299 : vector<16xi32>
        %add3A_301 = arith.constant 16 : i32
        %add3A_302 = vector.broadcast %add3A_301 : i32 to vector<16xi32>
        %add3A_303 = arith.addi %get3A_192, %add3A_302 : vector<16xi32>
        %select_n3A_304 = arith.select %lt3A_300, %add3A_303, %get3A_192 : vector<16xi1>, vector<16xi32>
        %broadcast_in_dim3A_305 = vector.shape_cast %select_n3A_304 : vector<16xi32> to vector<16x1xi32>
        %gather3A_306 = vector.shape_cast %broadcast_in_dim3A_305 : vector<16x1xi32> to vector<16xi32>
        %gather3A_307 = tpu.dynamic_gather %gather3A_41[%gather3A_306] in [0] : vector<16xf32>, vector<16xi32> -> vector<16xf32>
        %mul3A_308 = arith.constant 16 : i32
        %mul3A_309 = arith.muli %scan3A_187, %mul3A_308 : i32
        %swap3A_310 = arith.constant 0 : i32
        %swap3A_311 = arith.constant 6 : i32
        %swap3A_312 = arith.index_cast %swap3A_310 : i32 to index
        %swap3A_313 = arith.index_cast %swap3A_311 : i32 to index
        %swap3A_314 = arith.index_cast %mul3A_309 : i32 to index
        %swap3A_315 = tpu.vector_load %arg8[%swap3A_312, %swap3A_313, %swap3A_314] {strides = array<i32>} : memref<4x16x512xf32, #tpu.memory_space<vmem>>, vector<16xf32>,
        tpu.vector_store %arg8[%swap3A_312, %swap3A_313, %swap3A_314], %gather3A_307 {strides = array<i32>} : memref<4x16x512xf32, #tpu.memory_space<vmem>>, vector<16xf32>,
        %lt3A_316 = arith.constant 0 : i32
        %lt3A_317 = vector.broadcast %lt3A_316 : i32 to vector<16xi32>
        %lt3A_318 = arith.cmpi slt, %get3A_192, %lt3A_317 : vector<16xi32>
        %add3A_319 = arith.constant 16 : i32
        %add3A_320 = vector.broadcast %add3A_319 : i32 to vector<16xi32>
        %add3A_321 = arith.addi %get3A_192, %add3A_320 : vector<16xi32>
        %select_n3A_322 = arith.select %lt3A_318, %add3A_321, %get3A_192 : vector<16xi1>, vector<16xi32>
        %broadcast_in_dim3A_323 = vector.shape_cast %select_n3A_322 : vector<16xi32> to vector<16x1xi32>
        %gather3A_324 = vector.shape_cast %broadcast_in_dim3A_323 : vector<16x1xi32> to vector<16xi32>
        %gather3A_325 = tpu.dynamic_gather %gather3A_45[%gather3A_324] in [0] : vector<16xf32>, vector<16xi32> -> vector<16xf32>
        %mul3A_326 = arith.constant 16 : i32
        %mul3A_327 = arith.muli %scan3A_187, %mul3A_326 : i32
        %swap3A_328 = arith.constant 0 : i32
        %swap3A_329 = arith.constant 7 : i32
        %swap3A_330 = arith.index_cast %swap3A_328 : i32 to index
        %swap3A_331 = arith.index_cast %swap3A_329 : i32 to index
        %swap3A_332 = arith.index_cast %mul3A_327 : i32 to index
        %swap3A_333 = tpu.vector_load %arg8[%swap3A_330, %swap3A_331, %swap3A_332] {strides = array<i32>} : memref<4x16x512xf32, #tpu.memory_space<vmem>>, vector<16xf32>,
        tpu.vector_store %arg8[%swap3A_330, %swap3A_331, %swap3A_332], %gather3A_325 {strides = array<i32>} : memref<4x16x512xf32, #tpu.memory_space<vmem>>, vector<16xf32>,
        %lt3A_334 = arith.constant 0 : i32
        %lt3A_335 = vector.broadcast %lt3A_334 : i32 to vector<16xi32>
        %lt3A_336 = arith.cmpi slt, %get3A_192, %lt3A_335 : vector<16xi32>
        %add3A_337 = arith.constant 16 : i32
        %add3A_338 = vector.broadcast %add3A_337 : i32 to vector<16xi32>
        %add3A_339 = arith.addi %get3A_192, %add3A_338 : vector<16xi32>
        %select_n3A_340 = arith.select %lt3A_336, %add3A_339, %get3A_192 : vector<16xi1>, vector<16xi32>
        %broadcast_in_dim3A_341 = vector.shape_cast %select_n3A_340 : vector<16xi32> to vector<16x1xi32>
        %gather3A_342 = vector.shape_cast %broadcast_in_dim3A_341 : vector<16x1xi32> to vector<16xi32>
        %gather3A_343 = tpu.dynamic_gather %gather3A_49[%gather3A_342] in [0] : vector<16xf32>, vector<16xi32> -> vector<16xf32>
        %mul3A_344 = arith.constant 16 : i32
        %mul3A_345 = arith.muli %scan3A_187, %mul3A_344 : i32
        %swap3A_346 = arith.constant 0 : i32
        %swap3A_347 = arith.constant 8 : i32
        %swap3A_348 = arith.index_cast %swap3A_346 : i32 to index
        %swap3A_349 = arith.index_cast %swap3A_347 : i32 to index
        %swap3A_350 = arith.index_cast %mul3A_345 : i32 to index
        %swap3A_351 = tpu.vector_load %arg8[%swap3A_348, %swap3A_349, %swap3A_350] {strides = array<i32>} : memref<4x16x512xf32, #tpu.memory_space<vmem>>, vector<16xf32>,
        tpu.vector_store %arg8[%swap3A_348, %swap3A_349, %swap3A_350], %gather3A_343 {strides = array<i32>} : memref<4x16x512xf32, #tpu.memory_space<vmem>>, vector<16xf32>,
        %lt3A_352 = arith.constant 0 : i32
        %lt3A_353 = vector.broadcast %lt3A_352 : i32 to vector<16xi32>
        %lt3A_354 = arith.cmpi slt, %get3A_192, %lt3A_353 : vector<16xi32>
        %add3A_355 = arith.constant 16 : i32
        %add3A_356 = vector.broadcast %add3A_355 : i32 to vector<16xi32>
        %add3A_357 = arith.addi %get3A_192, %add3A_356 : vector<16xi32>
        %select_n3A_358 = arith.select %lt3A_354, %add3A_357, %get3A_192 : vector<16xi1>, vector<16xi32>
        %broadcast_in_dim3A_359 = vector.shape_cast %select_n3A_358 : vector<16xi32> to vector<16x1xi32>
        %gather3A_360 = vector.shape_cast %broadcast_in_dim3A_359 : vector<16x1xi32> to vector<16xi32>
        %gather3A_361 = tpu.dynamic_gather %gather3A_53[%gather3A_360] in [0] : vector<16xf32>, vector<16xi32> -> vector<16xf32>
        %mul3A_362 = arith.constant 16 : i32
        %mul3A_363 = arith.muli %scan3A_187, %mul3A_362 : i32
        %swap3A_364 = arith.constant 0 : i32
        %swap3A_365 = arith.constant 9 : i32
        %swap3A_366 = arith.index_cast %swap3A_364 : i32 to index
        %swap3A_367 = arith.index_cast %swap3A_365 : i32 to index
        %swap3A_368 = arith.index_cast %mul3A_363 : i32 to index
        %swap3A_369 = tpu.vector_load %arg8[%swap3A_366, %swap3A_367, %swap3A_368] {strides = array<i32>} : memref<4x16x512xf32, #tpu.memory_space<vmem>>, vector<16xf32>,
        tpu.vector_store %arg8[%swap3A_366, %swap3A_367, %swap3A_368], %gather3A_361 {strides = array<i32>} : memref<4x16x512xf32, #tpu.memory_space<vmem>>, vector<16xf32>,
        %lt3A_370 = arith.constant 0 : i32
        %lt3A_371 = vector.broadcast %lt3A_370 : i32 to vector<16xi32>
        %lt3A_372 = arith.cmpi slt, %get3A_192, %lt3A_371 : vector<16xi32>
        %add3A_373 = arith.constant 16 : i32
        %add3A_374 = vector.broadcast %add3A_373 : i32 to vector<16xi32>
        %add3A_375 = arith.addi %get3A_192, %add3A_374 : vector<16xi32>
        %select_n3A_376 = arith.select %lt3A_372, %add3A_375, %get3A_192 : vector<16xi1>, vector<16xi32>
        %broadcast_in_dim3A_377 = vector.shape_cast %select_n3A_376 : vector<16xi32> to vector<16x1xi32>
        %gather3A_378 = vector.shape_cast %broadcast_in_dim3A_377 : vector<16x1xi32> to vector<16xi32>
        %gather3A_379 = tpu.dynamic_gather %gather3A_57[%gather3A_378] in [0] : vector<16xf32>, vector<16xi32> -> vector<16xf32>
        %mul3A_380 = arith.constant 16 : i32
        %mul3A_381 = arith.muli %scan3A_187, %mul3A_380 : i32
        %swap3A_382 = arith.constant 0 : i32
        %swap3A_383 = arith.constant 10 : i32
        %swap3A_384 = arith.index_cast %swap3A_382 : i32 to index
        %swap3A_385 = arith.index_cast %swap3A_383 : i32 to index
        %swap3A_386 = arith.index_cast %mul3A_381 : i32 to index
        %swap3A_387 = tpu.vector_load %arg8[%swap3A_384, %swap3A_385, %swap3A_386] {strides = array<i32>} : memref<4x16x512xf32, #tpu.memory_space<vmem>>, vector<16xf32>,
        tpu.vector_store %arg8[%swap3A_384, %swap3A_385, %swap3A_386], %gather3A_379 {strides = array<i32>} : memref<4x16x512xf32, #tpu.memory_space<vmem>>, vector<16xf32>,
        %lt3A_388 = arith.constant 0 : i32
        %lt3A_389 = vector.broadcast %lt3A_388 : i32 to vector<16xi32>
        %lt3A_390 = arith.cmpi slt, %get3A_192, %lt3A_389 : vector<16xi32>
        %add3A_391 = arith.constant 16 : i32
        %add3A_392 = vector.broadcast %add3A_391 : i32 to vector<16xi32>
        %add3A_393 = arith.addi %get3A_192, %add3A_392 : vector<16xi32>
        %select_n3A_394 = arith.select %lt3A_390, %add3A_393, %get3A_192 : vector<16xi1>, vector<16xi32>
        %broadcast_in_dim3A_395 = vector.shape_cast %select_n3A_394 : vector<16xi32> to vector<16x1xi32>
        %gather3A_396 = vector.shape_cast %broadcast_in_dim3A_395 : vector<16x1xi32> to vector<16xi32>
        %gather3A_397 = tpu.dynamic_gather %gather3A_61[%gather3A_396] in [0] : vector<16xf32>, vector<16xi32> -> vector<16xf32>
        %mul3A_398 = arith.constant 16 : i32
        %mul3A_399 = arith.muli %scan3A_187, %mul3A_398 : i32
        %swap3A_400 = arith.constant 0 : i32
        %swap3A_401 = arith.constant 11 : i32
        %swap3A_402 = arith.index_cast %swap3A_400 : i32 to index
        %swap3A_403 = arith.index_cast %swap3A_401 : i32 to index
        %swap3A_404 = arith.index_cast %mul3A_399 : i32 to index
        %swap3A_405 = tpu.vector_load %arg8[%swap3A_402, %swap3A_403, %swap3A_404] {strides = array<i32>} : memref<4x16x512xf32, #tpu.memory_space<vmem>>, vector<16xf32>,
        tpu.vector_store %arg8[%swap3A_402, %swap3A_403, %swap3A_404], %gather3A_397 {strides = array<i32>} : memref<4x16x512xf32, #tpu.memory_space<vmem>>, vector<16xf32>,
        %lt3A_406 = arith.constant 0 : i32
        %lt3A_407 = vector.broadcast %lt3A_406 : i32 to vector<16xi32>
        %lt3A_408 = arith.cmpi slt, %get3A_192, %lt3A_407 : vector<16xi32>
        %add3A_409 = arith.constant 16 : i32
        %add3A_410 = vector.broadcast %add3A_409 : i32 to vector<16xi32>
        %add3A_411 = arith.addi %get3A_192, %add3A_410 : vector<16xi32>
        %select_n3A_412 = arith.select %lt3A_408, %add3A_411, %get3A_192 : vector<16xi1>, vector<16xi32>
        %broadcast_in_dim3A_413 = vector.shape_cast %select_n3A_412 : vector<16xi32> to vector<16x1xi32>
        %gather3A_414 = vector.shape_cast %broadcast_in_dim3A_413 : vector<16x1xi32> to vector<16xi32>
        %gather3A_415 = tpu.dynamic_gather %gather3A_65[%gather3A_414] in [0] : vector<16xf32>, vector<16xi32> -> vector<16xf32>
        %mul3A_416 = arith.constant 16 : i32
        %mul3A_417 = arith.muli %scan3A_187, %mul3A_416 : i32
        %swap3A_418 = arith.constant 0 : i32
        %swap3A_419 = arith.constant 12 : i32
        %swap3A_420 = arith.index_cast %swap3A_418 : i32 to index
        %swap3A_421 = arith.index_cast %swap3A_419 : i32 to index
        %swap3A_422 = arith.index_cast %mul3A_417 : i32 to index
        %swap3A_423 = tpu.vector_load %arg8[%swap3A_420, %swap3A_421, %swap3A_422] {strides = array<i32>} : memref<4x16x512xf32, #tpu.memory_space<vmem>>, vector<16xf32>,
        tpu.vector_store %arg8[%swap3A_420, %swap3A_421, %swap3A_422], %gather3A_415 {strides = array<i32>} : memref<4x16x512xf32, #tpu.memory_space<vmem>>, vector<16xf32>,
        %lt3A_424 = arith.constant 0 : i32
        %lt3A_425 = vector.broadcast %lt3A_424 : i32 to vector<16xi32>
        %lt3A_426 = arith.cmpi slt, %get3A_192, %lt3A_425 : vector<16xi32>
        %add3A_427 = arith.constant 16 : i32
        %add3A_428 = vector.broadcast %add3A_427 : i32 to vector<16xi32>
        %add3A_429 = arith.addi %get3A_192, %add3A_428 : vector<16xi32>
        %select_n3A_430 = arith.select %lt3A_426, %add3A_429, %get3A_192 : vector<16xi1>, vector<16xi32>
        %broadcast_in_dim3A_431 = vector.shape_cast %select_n3A_430 : vector<16xi32> to vector<16x1xi32>
        %gather3A_432 = vector.shape_cast %broadcast_in_dim3A_431 : vector<16x1xi32> to vector<16xi32>
        %gather3A_433 = tpu.dynamic_gather %gather3A_69[%gather3A_432] in [0] : vector<16xf32>, vector<16xi32> -> vector<16xf32>
        %mul3A_434 = arith.constant 16 : i32
        %mul3A_435 = arith.muli %scan3A_187, %mul3A_434 : i32
        %swap3A_436 = arith.constant 0 : i32
        %swap3A_437 = arith.constant 13 : i32
        %swap3A_438 = arith.index_cast %swap3A_436 : i32 to index
        %swap3A_439 = arith.index_cast %swap3A_437 : i32 to index
        %swap3A_440 = arith.index_cast %mul3A_435 : i32 to index
        %swap3A_441 = tpu.vector_load %arg8[%swap3A_438, %swap3A_439, %swap3A_440] {strides = array<i32>} : memref<4x16x512xf32, #tpu.memory_space<vmem>>, vector<16xf32>,
        tpu.vector_store %arg8[%swap3A_438, %swap3A_439, %swap3A_440], %gather3A_433 {strides = array<i32>} : memref<4x16x512xf32, #tpu.memory_space<vmem>>, vector<16xf32>,
        %lt3A_442 = arith.constant 0 : i32
        %lt3A_443 = vector.broadcast %lt3A_442 : i32 to vector<16xi32>
        %lt3A_444 = arith.cmpi slt, %get3A_192, %lt3A_443 : vector<16xi32>
        %add3A_445 = arith.constant 16 : i32
        %add3A_446 = vector.broadcast %add3A_445 : i32 to vector<16xi32>
        %add3A_447 = arith.addi %get3A_192, %add3A_446 : vector<16xi32>
        %select_n3A_448 = arith.select %lt3A_444, %add3A_447, %get3A_192 : vector<16xi1>, vector<16xi32>
        %broadcast_in_dim3A_449 = vector.shape_cast %select_n3A_448 : vector<16xi32> to vector<16x1xi32>
        %gather3A_450 = vector.shape_cast %broadcast_in_dim3A_449 : vector<16x1xi32> to vector<16xi32>
        %gather3A_451 = tpu.dynamic_gather %gather3A_73[%gather3A_450] in [0] : vector<16xf32>, vector<16xi32> -> vector<16xf32>
        %mul3A_452 = arith.constant 16 : i32
        %mul3A_453 = arith.muli %scan3A_187, %mul3A_452 : i32
        %swap3A_454 = arith.constant 0 : i32
        %swap3A_455 = arith.constant 14 : i32
        %swap3A_456 = arith.index_cast %swap3A_454 : i32 to index
        %swap3A_457 = arith.index_cast %swap3A_455 : i32 to index
        %swap3A_458 = arith.index_cast %mul3A_453 : i32 to index
        %swap3A_459 = tpu.vector_load %arg8[%swap3A_456, %swap3A_457, %swap3A_458] {strides = array<i32>} : memref<4x16x512xf32, #tpu.memory_space<vmem>>, vector<16xf32>,
        tpu.vector_store %arg8[%swap3A_456, %swap3A_457, %swap3A_458], %gather3A_451 {strides = array<i32>} : memref<4x16x512xf32, #tpu.memory_space<vmem>>, vector<16xf32>,
        %lt3A_460 = arith.constant 0 : i32
        %lt3A_461 = vector.broadcast %lt3A_460 : i32 to vector<16xi32>
        %lt3A_462 = arith.cmpi slt, %get3A_192, %lt3A_461 : vector<16xi32>
        %add3A_463 = arith.constant 16 : i32
        %add3A_464 = vector.broadcast %add3A_463 : i32 to vector<16xi32>
        %add3A_465 = arith.addi %get3A_192, %add3A_464 : vector<16xi32>
        %select_n3A_466 = arith.select %lt3A_462, %add3A_465, %get3A_192 : vector<16xi1>, vector<16xi32>
        %broadcast_in_dim3A_467 = vector.shape_cast %select_n3A_466 : vector<16xi32> to vector<16x1xi32>
        %gather3A_468 = vector.shape_cast %broadcast_in_dim3A_467 : vector<16x1xi32> to vector<16xi32>
        %gather3A_469 = tpu.dynamic_gather %gather3A_77[%gather3A_468] in [0] : vector<16xf32>, vector<16xi32> -> vector<16xf32>
        %mul3A_470 = arith.constant 16 : i32
        %mul3A_471 = arith.muli %scan3A_187, %mul3A_470 : i32
        %swap3A_472 = arith.constant 0 : i32
        %swap3A_473 = arith.constant 15 : i32
        %swap3A_474 = arith.index_cast %swap3A_472 : i32 to index
        %swap3A_475 = arith.index_cast %swap3A_473 : i32 to index
        %swap3A_476 = arith.index_cast %mul3A_471 : i32 to index
        %swap3A_477 = tpu.vector_load %arg8[%swap3A_474, %swap3A_475, %swap3A_476] {strides = array<i32>} : memref<4x16x512xf32, #tpu.memory_space<vmem>>, vector<16xf32>,
        tpu.vector_store %arg8[%swap3A_474, %swap3A_475, %swap3A_476], %gather3A_469 {strides = array<i32>} : memref<4x16x512xf32, #tpu.memory_space<vmem>>, vector<16xf32>,
      }
      %scan3A_110 = arith.constant 32 : i32
      %scan3A_111 = arith.constant 0 : i32
      %scan3A_112 = arith.constant 0 : i32
      %scan3A_113 = arith.constant 32 : i32
      %scan3A_114 = arith.addi %scan3A_112, %scan3A_113 : i32
      %scan3A_115 = arith.constant 1 : i32
      scf.for %scan3A_187 = %scan3A_112 to %scan3A_114 step %scan3A_115  : i32 {
        %mul3A_188 = arith.constant 16 : i32
        %mul3A_189 = arith.muli %scan3A_187, %mul3A_188 : i32
        %get3A = arith.constant 1 : i32
        %get3A_190 = arith.index_cast %get3A : i32 to index
        %get3A_191 = arith.index_cast %mul3A_189 : i32 to index
        %get3A_192 = tpu.vector_load %arg6[%get3A_190, %get3A_191] {strides = array<i32>} : memref<4x512xi32, #tpu.memory_space<vmem>>, vector<16xi32>,
        %lt3A_193 = arith.constant 0 : i32
        %lt3A_194 = vector.broadcast %lt3A_193 : i32 to vector<16xi32>
        %lt3A_195 = arith.cmpi slt, %get3A_192, %lt3A_194 : vector<16xi32>
        %add3A_196 = arith.constant 16 : i32
        %add3A_197 = vector.broadcast %add3A_196 : i32 to vector<16xi32>
        %add3A_198 = arith.addi %get3A_192, %add3A_197 : vector<16xi32>
        %select_n3A = arith.select %lt3A_195, %add3A_198, %get3A_192 : vector<16xi1>, vector<16xi32>
        %broadcast_in_dim3A = vector.shape_cast %select_n3A : vector<16xi32> to vector<16x1xi32>
        %gather3A_199 = vector.shape_cast %broadcast_in_dim3A : vector<16x1xi32> to vector<16xi32>
        %gather3A_200 = tpu.dynamic_gather %gather3A[%gather3A_199] in [0] : vector<16xf32>, vector<16xi32> -> vector<16xf32>
        %mul3A_201 = arith.constant 16 : i32
        %mul3A_202 = arith.muli %scan3A_187, %mul3A_201 : i32
        %swap3A = arith.constant 1 : i32
        %swap3A_203 = arith.constant 0 : i32
        %swap3A_204 = arith.index_cast %swap3A : i32 to index
        %swap3A_205 = arith.index_cast %swap3A_203 : i32 to index
        %swap3A_206 = arith.index_cast %mul3A_202 : i32 to index
        %swap3A_207 = tpu.vector_load %arg8[%swap3A_204, %swap3A_205, %swap3A_206] {strides = array<i32>} : memref<4x16x512xf32, #tpu.memory_space<vmem>>, vector<16xf32>,
        tpu.vector_store %arg8[%swap3A_204, %swap3A_205, %swap3A_206], %gather3A_200 {strides = array<i32>} : memref<4x16x512xf32, #tpu.memory_space<vmem>>, vector<16xf32>,
        %lt3A_208 = arith.constant 0 : i32
        %lt3A_209 = vector.broadcast %lt3A_208 : i32 to vector<16xi32>
        %lt3A_210 = arith.cmpi slt, %get3A_192, %lt3A_209 : vector<16xi32>
        %add3A_211 = arith.constant 16 : i32
        %add3A_212 = vector.broadcast %add3A_211 : i32 to vector<16xi32>
        %add3A_213 = arith.addi %get3A_192, %add3A_212 : vector<16xi32>
        %select_n3A_214 = arith.select %lt3A_210, %add3A_213, %get3A_192 : vector<16xi1>, vector<16xi32>
        %broadcast_in_dim3A_215 = vector.shape_cast %select_n3A_214 : vector<16xi32> to vector<16x1xi32>
        %gather3A_216 = vector.shape_cast %broadcast_in_dim3A_215 : vector<16x1xi32> to vector<16xi32>
        %gather3A_217 = tpu.dynamic_gather %gather3A_21[%gather3A_216] in [0] : vector<16xf32>, vector<16xi32> -> vector<16xf32>
        %mul3A_218 = arith.constant 16 : i32
        %mul3A_219 = arith.muli %scan3A_187, %mul3A_218 : i32
        %swap3A_220 = arith.constant 1 : i32
        %swap3A_221 = arith.constant 1 : i32
        %swap3A_222 = arith.index_cast %swap3A_220 : i32 to index
        %swap3A_223 = arith.index_cast %swap3A_221 : i32 to index
        %swap3A_224 = arith.index_cast %mul3A_219 : i32 to index
        %swap3A_225 = tpu.vector_load %arg8[%swap3A_222, %swap3A_223, %swap3A_224] {strides = array<i32>} : memref<4x16x512xf32, #tpu.memory_space<vmem>>, vector<16xf32>,
        tpu.vector_store %arg8[%swap3A_222, %swap3A_223, %swap3A_224], %gather3A_217 {strides = array<i32>} : memref<4x16x512xf32, #tpu.memory_space<vmem>>, vector<16xf32>,
        %lt3A_226 = arith.constant 0 : i32
        %lt3A_227 = vector.broadcast %lt3A_226 : i32 to vector<16xi32>
        %lt3A_228 = arith.cmpi slt, %get3A_192, %lt3A_227 : vector<16xi32>
        %add3A_229 = arith.constant 16 : i32
        %add3A_230 = vector.broadcast %add3A_229 : i32 to vector<16xi32>
        %add3A_231 = arith.addi %get3A_192, %add3A_230 : vector<16xi32>
        %select_n3A_232 = arith.select %lt3A_228, %add3A_231, %get3A_192 : vector<16xi1>, vector<16xi32>
        %broadcast_in_dim3A_233 = vector.shape_cast %select_n3A_232 : vector<16xi32> to vector<16x1xi32>
        %gather3A_234 = vector.shape_cast %broadcast_in_dim3A_233 : vector<16x1xi32> to vector<16xi32>
        %gather3A_235 = tpu.dynamic_gather %gather3A_25[%gather3A_234] in [0] : vector<16xf32>, vector<16xi32> -> vector<16xf32>
        %mul3A_236 = arith.constant 16 : i32
        %mul3A_237 = arith.muli %scan3A_187, %mul3A_236 : i32
        %swap3A_238 = arith.constant 1 : i32
        %swap3A_239 = arith.constant 2 : i32
        %swap3A_240 = arith.index_cast %swap3A_238 : i32 to index
        %swap3A_241 = arith.index_cast %swap3A_239 : i32 to index
        %swap3A_242 = arith.index_cast %mul3A_237 : i32 to index
        %swap3A_243 = tpu.vector_load %arg8[%swap3A_240, %swap3A_241, %swap3A_242] {strides = array<i32>} : memref<4x16x512xf32, #tpu.memory_space<vmem>>, vector<16xf32>,
        tpu.vector_store %arg8[%swap3A_240, %swap3A_241, %swap3A_242], %gather3A_235 {strides = array<i32>} : memref<4x16x512xf32, #tpu.memory_space<vmem>>, vector<16xf32>,
        %lt3A_244 = arith.constant 0 : i32
        %lt3A_245 = vector.broadcast %lt3A_244 : i32 to vector<16xi32>
        %lt3A_246 = arith.cmpi slt, %get3A_192, %lt3A_245 : vector<16xi32>
        %add3A_247 = arith.constant 16 : i32
        %add3A_248 = vector.broadcast %add3A_247 : i32 to vector<16xi32>
        %add3A_249 = arith.addi %get3A_192, %add3A_248 : vector<16xi32>
        %select_n3A_250 = arith.select %lt3A_246, %add3A_249, %get3A_192 : vector<16xi1>, vector<16xi32>
        %broadcast_in_dim3A_251 = vector.shape_cast %select_n3A_250 : vector<16xi32> to vector<16x1xi32>
        %gather3A_252 = vector.shape_cast %broadcast_in_dim3A_251 : vector<16x1xi32> to vector<16xi32>
        %gather3A_253 = tpu.dynamic_gather %gather3A_29[%gather3A_252] in [0] : vector<16xf32>, vector<16xi32> -> vector<16xf32>
        %mul3A_254 = arith.constant 16 : i32
        %mul3A_255 = arith.muli %scan3A_187, %mul3A_254 : i32
        %swap3A_256 = arith.constant 1 : i32
        %swap3A_257 = arith.constant 3 : i32
        %swap3A_258 = arith.index_cast %swap3A_256 : i32 to index
        %swap3A_259 = arith.index_cast %swap3A_257 : i32 to index
        %swap3A_260 = arith.index_cast %mul3A_255 : i32 to index
        %swap3A_261 = tpu.vector_load %arg8[%swap3A_258, %swap3A_259, %swap3A_260] {strides = array<i32>} : memref<4x16x512xf32, #tpu.memory_space<vmem>>, vector<16xf32>,
        tpu.vector_store %arg8[%swap3A_258, %swap3A_259, %swap3A_260], %gather3A_253 {strides = array<i32>} : memref<4x16x512xf32, #tpu.memory_space<vmem>>, vector<16xf32>,
        %lt3A_262 = arith.constant 0 : i32
        %lt3A_263 = vector.broadcast %lt3A_262 : i32 to vector<16xi32>
        %lt3A_264 = arith.cmpi slt, %get3A_192, %lt3A_263 : vector<16xi32>
        %add3A_265 = arith.constant 16 : i32
        %add3A_266 = vector.broadcast %add3A_265 : i32 to vector<16xi32>
        %add3A_267 = arith.addi %get3A_192, %add3A_266 : vector<16xi32>
        %select_n3A_268 = arith.select %lt3A_264, %add3A_267, %get3A_192 : vector<16xi1>, vector<16xi32>
        %broadcast_in_dim3A_269 = vector.shape_cast %select_n3A_268 : vector<16xi32> to vector<16x1xi32>
        %gather3A_270 = vector.shape_cast %broadcast_in_dim3A_269 : vector<16x1xi32> to vector<16xi32>
        %gather3A_271 = tpu.dynamic_gather %gather3A_33[%gather3A_270] in [0] : vector<16xf32>, vector<16xi32> -> vector<16xf32>
        %mul3A_272 = arith.constant 16 : i32
        %mul3A_273 = arith.muli %scan3A_187, %mul3A_272 : i32
        %swap3A_274 = arith.constant 1 : i32
        %swap3A_275 = arith.constant 4 : i32
        %swap3A_276 = arith.index_cast %swap3A_274 : i32 to index
        %swap3A_277 = arith.index_cast %swap3A_275 : i32 to index
        %swap3A_278 = arith.index_cast %mul3A_273 : i32 to index
        %swap3A_279 = tpu.vector_load %arg8[%swap3A_276, %swap3A_277, %swap3A_278] {strides = array<i32>} : memref<4x16x512xf32, #tpu.memory_space<vmem>>, vector<16xf32>,
        tpu.vector_store %arg8[%swap3A_276, %swap3A_277, %swap3A_278], %gather3A_271 {strides = array<i32>} : memref<4x16x512xf32, #tpu.memory_space<vmem>>, vector<16xf32>,
        %lt3A_280 = arith.constant 0 : i32
        %lt3A_281 = vector.broadcast %lt3A_280 : i32 to vector<16xi32>
        %lt3A_282 = arith.cmpi slt, %get3A_192, %lt3A_281 : vector<16xi32>
        %add3A_283 = arith.constant 16 : i32
        %add3A_284 = vector.broadcast %add3A_283 : i32 to vector<16xi32>
        %add3A_285 = arith.addi %get3A_192, %add3A_284 : vector<16xi32>
        %select_n3A_286 = arith.select %lt3A_282, %add3A_285, %get3A_192 : vector<16xi1>, vector<16xi32>
        %broadcast_in_dim3A_287 = vector.shape_cast %select_n3A_286 : vector<16xi32> to vector<16x1xi32>
        %gather3A_288 = vector.shape_cast %broadcast_in_dim3A_287 : vector<16x1xi32> to vector<16xi32>
        %gather3A_289 = tpu.dynamic_gather %gather3A_37[%gather3A_288] in [0] : vector<16xf32>, vector<16xi32> -> vector<16xf32>
        %mul3A_290 = arith.constant 16 : i32
        %mul3A_291 = arith.muli %scan3A_187, %mul3A_290 : i32
        %swap3A_292 = arith.constant 1 : i32
        %swap3A_293 = arith.constant 5 : i32
        %swap3A_294 = arith.index_cast %swap3A_292 : i32 to index
        %swap3A_295 = arith.index_cast %swap3A_293 : i32 to index
        %swap3A_296 = arith.index_cast %mul3A_291 : i32 to index
        %swap3A_297 = tpu.vector_load %arg8[%swap3A_294, %swap3A_295, %swap3A_296] {strides = array<i32>} : memref<4x16x512xf32, #tpu.memory_space<vmem>>, vector<16xf32>,
        tpu.vector_store %arg8[%swap3A_294, %swap3A_295, %swap3A_296], %gather3A_289 {strides = array<i32>} : memref<4x16x512xf32, #tpu.memory_space<vmem>>, vector<16xf32>,
        %lt3A_298 = arith.constant 0 : i32
        %lt3A_299 = vector.broadcast %lt3A_298 : i32 to vector<16xi32>
        %lt3A_300 = arith.cmpi slt, %get3A_192, %lt3A_299 : vector<16xi32>
        %add3A_301 = arith.constant 16 : i32
        %add3A_302 = vector.broadcast %add3A_301 : i32 to vector<16xi32>
        %add3A_303 = arith.addi %get3A_192, %add3A_302 : vector<16xi32>
        %select_n3A_304 = arith.select %lt3A_300, %add3A_303, %get3A_192 : vector<16xi1>, vector<16xi32>
        %broadcast_in_dim3A_305 = vector.shape_cast %select_n3A_304 : vector<16xi32> to vector<16x1xi32>
        %gather3A_306 = vector.shape_cast %broadcast_in_dim3A_305 : vector<16x1xi32> to vector<16xi32>
        %gather3A_307 = tpu.dynamic_gather %gather3A_41[%gather3A_306] in [0] : vector<16xf32>, vector<16xi32> -> vector<16xf32>
        %mul3A_308 = arith.constant 16 : i32
        %mul3A_309 = arith.muli %scan3A_187, %mul3A_308 : i32
        %swap3A_310 = arith.constant 1 : i32
        %swap3A_311 = arith.constant 6 : i32
        %swap3A_312 = arith.index_cast %swap3A_310 : i32 to index
        %swap3A_313 = arith.index_cast %swap3A_311 : i32 to index
        %swap3A_314 = arith.index_cast %mul3A_309 : i32 to index
        %swap3A_315 = tpu.vector_load %arg8[%swap3A_312, %swap3A_313, %swap3A_314] {strides = array<i32>} : memref<4x16x512xf32, #tpu.memory_space<vmem>>, vector<16xf32>,
        tpu.vector_store %arg8[%swap3A_312, %swap3A_313, %swap3A_314], %gather3A_307 {strides = array<i32>} : memref<4x16x512xf32, #tpu.memory_space<vmem>>, vector<16xf32>,
        %lt3A_316 = arith.constant 0 : i32
        %lt3A_317 = vector.broadcast %lt3A_316 : i32 to vector<16xi32>
        %lt3A_318 = arith.cmpi slt, %get3A_192, %lt3A_317 : vector<16xi32>
        %add3A_319 = arith.constant 16 : i32
        %add3A_320 = vector.broadcast %add3A_319 : i32 to vector<16xi32>
        %add3A_321 = arith.addi %get3A_192, %add3A_320 : vector<16xi32>
        %select_n3A_322 = arith.select %lt3A_318, %add3A_321, %get3A_192 : vector<16xi1>, vector<16xi32>
        %broadcast_in_dim3A_323 = vector.shape_cast %select_n3A_322 : vector<16xi32> to vector<16x1xi32>
        %gather3A_324 = vector.shape_cast %broadcast_in_dim3A_323 : vector<16x1xi32> to vector<16xi32>
        %gather3A_325 = tpu.dynamic_gather %gather3A_45[%gather3A_324] in [0] : vector<16xf32>, vector<16xi32> -> vector<16xf32>
        %mul3A_326 = arith.constant 16 : i32
        %mul3A_327 = arith.muli %scan3A_187, %mul3A_326 : i32
        %swap3A_328 = arith.constant 1 : i32
        %swap3A_329 = arith.constant 7 : i32
        %swap3A_330 = arith.index_cast %swap3A_328 : i32 to index
        %swap3A_331 = arith.index_cast %swap3A_329 : i32 to index
        %swap3A_332 = arith.index_cast %mul3A_327 : i32 to index
        %swap3A_333 = tpu.vector_load %arg8[%swap3A_330, %swap3A_331, %swap3A_332] {strides = array<i32>} : memref<4x16x512xf32, #tpu.memory_space<vmem>>, vector<16xf32>,
        tpu.vector_store %arg8[%swap3A_330, %swap3A_331, %swap3A_332], %gather3A_325 {strides = array<i32>} : memref<4x16x512xf32, #tpu.memory_space<vmem>>, vector<16xf32>,
        %lt3A_334 = arith.constant 0 : i32
        %lt3A_335 = vector.broadcast %lt3A_334 : i32 to vector<16xi32>
        %lt3A_336 = arith.cmpi slt, %get3A_192, %lt3A_335 : vector<16xi32>
        %add3A_337 = arith.constant 16 : i32
        %add3A_338 = vector.broadcast %add3A_337 : i32 to vector<16xi32>
        %add3A_339 = arith.addi %get3A_192, %add3A_338 : vector<16xi32>
        %select_n3A_340 = arith.select %lt3A_336, %add3A_339, %get3A_192 : vector<16xi1>, vector<16xi32>
        %broadcast_in_dim3A_341 = vector.shape_cast %select_n3A_340 : vector<16xi32> to vector<16x1xi32>
        %gather3A_342 = vector.shape_cast %broadcast_in_dim3A_341 : vector<16x1xi32> to vector<16xi32>
        %gather3A_343 = tpu.dynamic_gather %gather3A_49[%gather3A_342] in [0] : vector<16xf32>, vector<16xi32> -> vector<16xf32>
        %mul3A_344 = arith.constant 16 : i32
        %mul3A_345 = arith.muli %scan3A_187, %mul3A_344 : i32
        %swap3A_346 = arith.constant 1 : i32
        %swap3A_347 = arith.constant 8 : i32
        %swap3A_348 = arith.index_cast %swap3A_346 : i32 to index
        %swap3A_349 = arith.index_cast %swap3A_347 : i32 to index
        %swap3A_350 = arith.index_cast %mul3A_345 : i32 to index
        %swap3A_351 = tpu.vector_load %arg8[%swap3A_348, %swap3A_349, %swap3A_350] {strides = array<i32>} : memref<4x16x512xf32, #tpu.memory_space<vmem>>, vector<16xf32>,
        tpu.vector_store %arg8[%swap3A_348, %swap3A_349, %swap3A_350], %gather3A_343 {strides = array<i32>} : memref<4x16x512xf32, #tpu.memory_space<vmem>>, vector<16xf32>,
        %lt3A_352 = arith.constant 0 : i32
        %lt3A_353 = vector.broadcast %lt3A_352 : i32 to vector<16xi32>
        %lt3A_354 = arith.cmpi slt, %get3A_192, %lt3A_353 : vector<16xi32>
        %add3A_355 = arith.constant 16 : i32
        %add3A_356 = vector.broadcast %add3A_355 : i32 to vector<16xi32>
        %add3A_357 = arith.addi %get3A_192, %add3A_356 : vector<16xi32>
        %select_n3A_358 = arith.select %lt3A_354, %add3A_357, %get3A_192 : vector<16xi1>, vector<16xi32>
        %broadcast_in_dim3A_359 = vector.shape_cast %select_n3A_358 : vector<16xi32> to vector<16x1xi32>
        %gather3A_360 = vector.shape_cast %broadcast_in_dim3A_359 : vector<16x1xi32> to vector<16xi32>
        %gather3A_361 = tpu.dynamic_gather %gather3A_53[%gather3A_360] in [0] : vector<16xf32>, vector<16xi32> -> vector<16xf32>
        %mul3A_362 = arith.constant 16 : i32
        %mul3A_363 = arith.muli %scan3A_187, %mul3A_362 : i32
        %swap3A_364 = arith.constant 1 : i32
        %swap3A_365 = arith.constant 9 : i32
        %swap3A_366 = arith.index_cast %swap3A_364 : i32 to index
        %swap3A_367 = arith.index_cast %swap3A_365 : i32 to index
        %swap3A_368 = arith.index_cast %mul3A_363 : i32 to index
        %swap3A_369 = tpu.vector_load %arg8[%swap3A_366, %swap3A_367, %swap3A_368] {strides = array<i32>} : memref<4x16x512xf32, #tpu.memory_space<vmem>>, vector<16xf32>,
        tpu.vector_store %arg8[%swap3A_366, %swap3A_367, %swap3A_368], %gather3A_361 {strides = array<i32>} : memref<4x16x512xf32, #tpu.memory_space<vmem>>, vector<16xf32>,
        %lt3A_370 = arith.constant 0 : i32
        %lt3A_371 = vector.broadcast %lt3A_370 : i32 to vector<16xi32>
        %lt3A_372 = arith.cmpi slt, %get3A_192, %lt3A_371 : vector<16xi32>
        %add3A_373 = arith.constant 16 : i32
        %add3A_374 = vector.broadcast %add3A_373 : i32 to vector<16xi32>
        %add3A_375 = arith.addi %get3A_192, %add3A_374 : vector<16xi32>
        %select_n3A_376 = arith.select %lt3A_372, %add3A_375, %get3A_192 : vector<16xi1>, vector<16xi32>
        %broadcast_in_dim3A_377 = vector.shape_cast %select_n3A_376 : vector<16xi32> to vector<16x1xi32>
        %gather3A_378 = vector.shape_cast %broadcast_in_dim3A_377 : vector<16x1xi32> to vector<16xi32>
        %gather3A_379 = tpu.dynamic_gather %gather3A_57[%gather3A_378] in [0] : vector<16xf32>, vector<16xi32> -> vector<16xf32>
        %mul3A_380 = arith.constant 16 : i32
        %mul3A_381 = arith.muli %scan3A_187, %mul3A_380 : i32
        %swap3A_382 = arith.constant 1 : i32
        %swap3A_383 = arith.constant 10 : i32
        %swap3A_384 = arith.index_cast %swap3A_382 : i32 to index
        %swap3A_385 = arith.index_cast %swap3A_383 : i32 to index
        %swap3A_386 = arith.index_cast %mul3A_381 : i32 to index
        %swap3A_387 = tpu.vector_load %arg8[%swap3A_384, %swap3A_385, %swap3A_386] {strides = array<i32>} : memref<4x16x512xf32, #tpu.memory_space<vmem>>, vector<16xf32>,
        tpu.vector_store %arg8[%swap3A_384, %swap3A_385, %swap3A_386], %gather3A_379 {strides = array<i32>} : memref<4x16x512xf32, #tpu.memory_space<vmem>>, vector<16xf32>,
        %lt3A_388 = arith.constant 0 : i32
        %lt3A_389 = vector.broadcast %lt3A_388 : i32 to vector<16xi32>
        %lt3A_390 = arith.cmpi slt, %get3A_192, %lt3A_389 : vector<16xi32>
        %add3A_391 = arith.constant 16 : i32
        %add3A_392 = vector.broadcast %add3A_391 : i32 to vector<16xi32>
        %add3A_393 = arith.addi %get3A_192, %add3A_392 : vector<16xi32>
        %select_n3A_394 = arith.select %lt3A_390, %add3A_393, %get3A_192 : vector<16xi1>, vector<16xi32>
        %broadcast_in_dim3A_395 = vector.shape_cast %select_n3A_394 : vector<16xi32> to vector<16x1xi32>
        %gather3A_396 = vector.shape_cast %broadcast_in_dim3A_395 : vector<16x1xi32> to vector<16xi32>
        %gather3A_397 = tpu.dynamic_gather %gather3A_61[%gather3A_396] in [0] : vector<16xf32>, vector<16xi32> -> vector<16xf32>
        %mul3A_398 = arith.constant 16 : i32
        %mul3A_399 = arith.muli %scan3A_187, %mul3A_398 : i32
        %swap3A_400 = arith.constant 1 : i32
        %swap3A_401 = arith.constant 11 : i32
        %swap3A_402 = arith.index_cast %swap3A_400 : i32 to index
        %swap3A_403 = arith.index_cast %swap3A_401 : i32 to index
        %swap3A_404 = arith.index_cast %mul3A_399 : i32 to index
        %swap3A_405 = tpu.vector_load %arg8[%swap3A_402, %swap3A_403, %swap3A_404] {strides = array<i32>} : memref<4x16x512xf32, #tpu.memory_space<vmem>>, vector<16xf32>,
        tpu.vector_store %arg8[%swap3A_402, %swap3A_403, %swap3A_404], %gather3A_397 {strides = array<i32>} : memref<4x16x512xf32, #tpu.memory_space<vmem>>, vector<16xf32>,
        %lt3A_406 = arith.constant 0 : i32
        %lt3A_407 = vector.broadcast %lt3A_406 : i32 to vector<16xi32>
        %lt3A_408 = arith.cmpi slt, %get3A_192, %lt3A_407 : vector<16xi32>
        %add3A_409 = arith.constant 16 : i32
        %add3A_410 = vector.broadcast %add3A_409 : i32 to vector<16xi32>
        %add3A_411 = arith.addi %get3A_192, %add3A_410 : vector<16xi32>
        %select_n3A_412 = arith.select %lt3A_408, %add3A_411, %get3A_192 : vector<16xi1>, vector<16xi32>
        %broadcast_in_dim3A_413 = vector.shape_cast %select_n3A_412 : vector<16xi32> to vector<16x1xi32>
        %gather3A_414 = vector.shape_cast %broadcast_in_dim3A_413 : vector<16x1xi32> to vector<16xi32>
        %gather3A_415 = tpu.dynamic_gather %gather3A_65[%gather3A_414] in [0] : vector<16xf32>, vector<16xi32> -> vector<16xf32>
        %mul3A_416 = arith.constant 16 : i32
        %mul3A_417 = arith.muli %scan3A_187, %mul3A_416 : i32
        %swap3A_418 = arith.constant 1 : i32
        %swap3A_419 = arith.constant 12 : i32
        %swap3A_420 = arith.index_cast %swap3A_418 : i32 to index
        %swap3A_421 = arith.index_cast %swap3A_419 : i32 to index
        %swap3A_422 = arith.index_cast %mul3A_417 : i32 to index
        %swap3A_423 = tpu.vector_load %arg8[%swap3A_420, %swap3A_421, %swap3A_422] {strides = array<i32>} : memref<4x16x512xf32, #tpu.memory_space<vmem>>, vector<16xf32>,
        tpu.vector_store %arg8[%swap3A_420, %swap3A_421, %swap3A_422], %gather3A_415 {strides = array<i32>} : memref<4x16x512xf32, #tpu.memory_space<vmem>>, vector<16xf32>,
        %lt3A_424 = arith.constant 0 : i32
        %lt3A_425 = vector.broadcast %lt3A_424 : i32 to vector<16xi32>
        %lt3A_426 = arith.cmpi slt, %get3A_192, %lt3A_425 : vector<16xi32>
        %add3A_427 = arith.constant 16 : i32
        %add3A_428 = vector.broadcast %add3A_427 : i32 to vector<16xi32>
        %add3A_429 = arith.addi %get3A_192, %add3A_428 : vector<16xi32>
        %select_n3A_430 = arith.select %lt3A_426, %add3A_429, %get3A_192 : vector<16xi1>, vector<16xi32>
        %broadcast_in_dim3A_431 = vector.shape_cast %select_n3A_430 : vector<16xi32> to vector<16x1xi32>
        %gather3A_432 = vector.shape_cast %broadcast_in_dim3A_431 : vector<16x1xi32> to vector<16xi32>
        %gather3A_433 = tpu.dynamic_gather %gather3A_69[%gather3A_432] in [0] : vector<16xf32>, vector<16xi32> -> vector<16xf32>
        %mul3A_434 = arith.constant 16 : i32
        %mul3A_435 = arith.muli %scan3A_187, %mul3A_434 : i32
        %swap3A_436 = arith.constant 1 : i32
        %swap3A_437 = arith.constant 13 : i32
        %swap3A_438 = arith.index_cast %swap3A_436 : i32 to index
        %swap3A_439 = arith.index_cast %swap3A_437 : i32 to index
        %swap3A_440 = arith.index_cast %mul3A_435 : i32 to index
        %swap3A_441 = tpu.vector_load %arg8[%swap3A_438, %swap3A_439, %swap3A_440] {strides = array<i32>} : memref<4x16x512xf32, #tpu.memory_space<vmem>>, vector<16xf32>,
        tpu.vector_store %arg8[%swap3A_438, %swap3A_439, %swap3A_440], %gather3A_433 {strides = array<i32>} : memref<4x16x512xf32, #tpu.memory_space<vmem>>, vector<16xf32>,
        %lt3A_442 = arith.constant 0 : i32
        %lt3A_443 = vector.broadcast %lt3A_442 : i32 to vector<16xi32>
        %lt3A_444 = arith.cmpi slt, %get3A_192, %lt3A_443 : vector<16xi32>
        %add3A_445 = arith.constant 16 : i32
        %add3A_446 = vector.broadcast %add3A_445 : i32 to vector<16xi32>
        %add3A_447 = arith.addi %get3A_192, %add3A_446 : vector<16xi32>
        %select_n3A_448 = arith.select %lt3A_444, %add3A_447, %get3A_192 : vector<16xi1>, vector<16xi32>
        %broadcast_in_dim3A_449 = vector.shape_cast %select_n3A_448 : vector<16xi32> to vector<16x1xi32>
        %gather3A_450 = vector.shape_cast %broadcast_in_dim3A_449 : vector<16x1xi32> to vector<16xi32>
        %gather3A_451 = tpu.dynamic_gather %gather3A_73[%gather3A_450] in [0] : vector<16xf32>, vector<16xi32> -> vector<16xf32>
        %mul3A_452 = arith.constant 16 : i32
        %mul3A_453 = arith.muli %scan3A_187, %mul3A_452 : i32
        %swap3A_454 = arith.constant 1 : i32
        %swap3A_455 = arith.constant 14 : i32
        %swap3A_456 = arith.index_cast %swap3A_454 : i32 to index
        %swap3A_457 = arith.index_cast %swap3A_455 : i32 to index
        %swap3A_458 = arith.index_cast %mul3A_453 : i32 to index
        %swap3A_459 = tpu.vector_load %arg8[%swap3A_456, %swap3A_457, %swap3A_458] {strides = array<i32>} : memref<4x16x512xf32, #tpu.memory_space<vmem>>, vector<16xf32>,
        tpu.vector_store %arg8[%swap3A_456, %swap3A_457, %swap3A_458], %gather3A_451 {strides = array<i32>} : memref<4x16x512xf32, #tpu.memory_space<vmem>>, vector<16xf32>,
        %lt3A_460 = arith.constant 0 : i32
        %lt3A_461 = vector.broadcast %lt3A_460 : i32 to vector<16xi32>
        %lt3A_462 = arith.cmpi slt, %get3A_192, %lt3A_461 : vector<16xi32>
        %add3A_463 = arith.constant 16 : i32
        %add3A_464 = vector.broadcast %add3A_463 : i32 to vector<16xi32>
        %add3A_465 = arith.addi %get3A_192, %add3A_464 : vector<16xi32>
        %select_n3A_466 = arith.select %lt3A_462, %add3A_465, %get3A_192 : vector<16xi1>, vector<16xi32>
        %broadcast_in_dim3A_467 = vector.shape_cast %select_n3A_466 : vector<16xi32> to vector<16x1xi32>
        %gather3A_468 = vector.shape_cast %broadcast_in_dim3A_467 : vector<16x1xi32> to vector<16xi32>
        %gather3A_469 = tpu.dynamic_gather %gather3A_77[%gather3A_468] in [0] : vector<16xf32>, vector<16xi32> -> vector<16xf32>
        %mul3A_470 = arith.constant 16 : i32
        %mul3A_471 = arith.muli %scan3A_187, %mul3A_470 : i32
        %swap3A_472 = arith.constant 1 : i32
        %swap3A_473 = arith.constant 15 : i32
        %swap3A_474 = arith.index_cast %swap3A_472 : i32 to index
        %swap3A_475 = arith.index_cast %swap3A_473 : i32 to index
        %swap3A_476 = arith.index_cast %mul3A_471 : i32 to index
        %swap3A_477 = tpu.vector_load %arg8[%swap3A_474, %swap3A_475, %swap3A_476] {strides = array<i32>} : memref<4x16x512xf32, #tpu.memory_space<vmem>>, vector<16xf32>,
        tpu.vector_store %arg8[%swap3A_474, %swap3A_475, %swap3A_476], %gather3A_469 {strides = array<i32>} : memref<4x16x512xf32, #tpu.memory_space<vmem>>, vector<16xf32>,
      }
      %scan3A_116 = arith.constant 32 : i32
      %scan3A_117 = arith.constant 0 : i32
      %scan3A_118 = arith.constant 0 : i32
      %scan3A_119 = arith.constant 32 : i32
      %scan3A_120 = arith.addi %scan3A_118, %scan3A_119 : i32
      %scan3A_121 = arith.constant 1 : i32
      scf.for %scan3A_187 = %scan3A_118 to %scan3A_120 step %scan3A_121  : i32 {
        %mul3A_188 = arith.constant 16 : i32
        %mul3A_189 = arith.muli %scan3A_187, %mul3A_188 : i32
        %get3A = arith.constant 2 : i32
        %get3A_190 = arith.index_cast %get3A : i32 to index
        %get3A_191 = arith.index_cast %mul3A_189 : i32 to index
        %get3A_192 = tpu.vector_load %arg6[%get3A_190, %get3A_191] {strides = array<i32>} : memref<4x512xi32, #tpu.memory_space<vmem>>, vector<16xi32>,
        %lt3A_193 = arith.constant 0 : i32
        %lt3A_194 = vector.broadcast %lt3A_193 : i32 to vector<16xi32>
        %lt3A_195 = arith.cmpi slt, %get3A_192, %lt3A_194 : vector<16xi32>
        %add3A_196 = arith.constant 16 : i32
        %add3A_197 = vector.broadcast %add3A_196 : i32 to vector<16xi32>
        %add3A_198 = arith.addi %get3A_192, %add3A_197 : vector<16xi32>
        %select_n3A = arith.select %lt3A_195, %add3A_198, %get3A_192 : vector<16xi1>, vector<16xi32>
        %broadcast_in_dim3A = vector.shape_cast %select_n3A : vector<16xi32> to vector<16x1xi32>
        %gather3A_199 = vector.shape_cast %broadcast_in_dim3A : vector<16x1xi32> to vector<16xi32>
        %gather3A_200 = tpu.dynamic_gather %gather3A[%gather3A_199] in [0] : vector<16xf32>, vector<16xi32> -> vector<16xf32>
        %mul3A_201 = arith.constant 16 : i32
        %mul3A_202 = arith.muli %scan3A_187, %mul3A_201 : i32
        %swap3A = arith.constant 2 : i32
        %swap3A_203 = arith.constant 0 : i32
        %swap3A_204 = arith.index_cast %swap3A : i32 to index
        %swap3A_205 = arith.index_cast %swap3A_203 : i32 to index
        %swap3A_206 = arith.index_cast %mul3A_202 : i32 to index
        %swap3A_207 = tpu.vector_load %arg8[%swap3A_204, %swap3A_205, %swap3A_206] {strides = array<i32>} : memref<4x16x512xf32, #tpu.memory_space<vmem>>, vector<16xf32>,
        tpu.vector_store %arg8[%swap3A_204, %swap3A_205, %swap3A_206], %gather3A_200 {strides = array<i32>} : memref<4x16x512xf32, #tpu.memory_space<vmem>>, vector<16xf32>,
        %lt3A_208 = arith.constant 0 : i32
        %lt3A_209 = vector.broadcast %lt3A_208 : i32 to vector<16xi32>
        %lt3A_210 = arith.cmpi slt, %get3A_192, %lt3A_209 : vector<16xi32>
        %add3A_211 = arith.constant 16 : i32
        %add3A_212 = vector.broadcast %add3A_211 : i32 to vector<16xi32>
        %add3A_213 = arith.addi %get3A_192, %add3A_212 : vector<16xi32>
        %select_n3A_214 = arith.select %lt3A_210, %add3A_213, %get3A_192 : vector<16xi1>, vector<16xi32>
        %broadcast_in_dim3A_215 = vector.shape_cast %select_n3A_214 : vector<16xi32> to vector<16x1xi32>
        %gather3A_216 = vector.shape_cast %broadcast_in_dim3A_215 : vector<16x1xi32> to vector<16xi32>
        %gather3A_217 = tpu.dynamic_gather %gather3A_21[%gather3A_216] in [0] : vector<16xf32>, vector<16xi32> -> vector<16xf32>
        %mul3A_218 = arith.constant 16 : i32
        %mul3A_219 = arith.muli %scan3A_187, %mul3A_218 : i32
        %swap3A_220 = arith.constant 2 : i32
        %swap3A_221 = arith.constant 1 : i32
        %swap3A_222 = arith.index_cast %swap3A_220 : i32 to index
        %swap3A_223 = arith.index_cast %swap3A_221 : i32 to index
        %swap3A_224 = arith.index_cast %mul3A_219 : i32 to index
        %swap3A_225 = tpu.vector_load %arg8[%swap3A_222, %swap3A_223, %swap3A_224] {strides = array<i32>} : memref<4x16x512xf32, #tpu.memory_space<vmem>>, vector<16xf32>,
        tpu.vector_store %arg8[%swap3A_222, %swap3A_223, %swap3A_224], %gather3A_217 {strides = array<i32>} : memref<4x16x512xf32, #tpu.memory_space<vmem>>, vector<16xf32>,
        %lt3A_226 = arith.constant 0 : i32
        %lt3A_227 = vector.broadcast %lt3A_226 : i32 to vector<16xi32>
        %lt3A_228 = arith.cmpi slt, %get3A_192, %lt3A_227 : vector<16xi32>
        %add3A_229 = arith.constant 16 : i32
        %add3A_230 = vector.broadcast %add3A_229 : i32 to vector<16xi32>
        %add3A_231 = arith.addi %get3A_192, %add3A_230 : vector<16xi32>
        %select_n3A_232 = arith.select %lt3A_228, %add3A_231, %get3A_192 : vector<16xi1>, vector<16xi32>
        %broadcast_in_dim3A_233 = vector.shape_cast %select_n3A_232 : vector<16xi32> to vector<16x1xi32>
        %gather3A_234 = vector.shape_cast %broadcast_in_dim3A_233 : vector<16x1xi32> to vector<16xi32>
        %gather3A_235 = tpu.dynamic_gather %gather3A_25[%gather3A_234] in [0] : vector<16xf32>, vector<16xi32> -> vector<16xf32>
        %mul3A_236 = arith.constant 16 : i32
        %mul3A_237 = arith.muli %scan3A_187, %mul3A_236 : i32
        %swap3A_238 = arith.constant 2 : i32
        %swap3A_239 = arith.constant 2 : i32
        %swap3A_240 = arith.index_cast %swap3A_238 : i32 to index
        %swap3A_241 = arith.index_cast %swap3A_239 : i32 to index
        %swap3A_242 = arith.index_cast %mul3A_237 : i32 to index
        %swap3A_243 = tpu.vector_load %arg8[%swap3A_240, %swap3A_241, %swap3A_242] {strides = array<i32>} : memref<4x16x512xf32, #tpu.memory_space<vmem>>, vector<16xf32>,
        tpu.vector_store %arg8[%swap3A_240, %swap3A_241, %swap3A_242], %gather3A_235 {strides = array<i32>} : memref<4x16x512xf32, #tpu.memory_space<vmem>>, vector<16xf32>,
        %lt3A_244 = arith.constant 0 : i32
        %lt3A_245 = vector.broadcast %lt3A_244 : i32 to vector<16xi32>
        %lt3A_246 = arith.cmpi slt, %get3A_192, %lt3A_245 : vector<16xi32>
        %add3A_247 = arith.constant 16 : i32
        %add3A_248 = vector.broadcast %add3A_247 : i32 to vector<16xi32>
        %add3A_249 = arith.addi %get3A_192, %add3A_248 : vector<16xi32>
        %select_n3A_250 = arith.select %lt3A_246, %add3A_249, %get3A_192 : vector<16xi1>, vector<16xi32>
        %broadcast_in_dim3A_251 = vector.shape_cast %select_n3A_250 : vector<16xi32> to vector<16x1xi32>
        %gather3A_252 = vector.shape_cast %broadcast_in_dim3A_251 : vector<16x1xi32> to vector<16xi32>
        %gather3A_253 = tpu.dynamic_gather %gather3A_29[%gather3A_252] in [0] : vector<16xf32>, vector<16xi32> -> vector<16xf32>
        %mul3A_254 = arith.constant 16 : i32
        %mul3A_255 = arith.muli %scan3A_187, %mul3A_254 : i32
        %swap3A_256 = arith.constant 2 : i32
        %swap3A_257 = arith.constant 3 : i32
        %swap3A_258 = arith.index_cast %swap3A_256 : i32 to index
        %swap3A_259 = arith.index_cast %swap3A_257 : i32 to index
        %swap3A_260 = arith.index_cast %mul3A_255 : i32 to index
        %swap3A_261 = tpu.vector_load %arg8[%swap3A_258, %swap3A_259, %swap3A_260] {strides = array<i32>} : memref<4x16x512xf32, #tpu.memory_space<vmem>>, vector<16xf32>,
        tpu.vector_store %arg8[%swap3A_258, %swap3A_259, %swap3A_260], %gather3A_253 {strides = array<i32>} : memref<4x16x512xf32, #tpu.memory_space<vmem>>, vector<16xf32>,
        %lt3A_262 = arith.constant 0 : i32
        %lt3A_263 = vector.broadcast %lt3A_262 : i32 to vector<16xi32>
        %lt3A_264 = arith.cmpi slt, %get3A_192, %lt3A_263 : vector<16xi32>
        %add3A_265 = arith.constant 16 : i32
        %add3A_266 = vector.broadcast %add3A_265 : i32 to vector<16xi32>
        %add3A_267 = arith.addi %get3A_192, %add3A_266 : vector<16xi32>
        %select_n3A_268 = arith.select %lt3A_264, %add3A_267, %get3A_192 : vector<16xi1>, vector<16xi32>
        %broadcast_in_dim3A_269 = vector.shape_cast %select_n3A_268 : vector<16xi32> to vector<16x1xi32>
        %gather3A_270 = vector.shape_cast %broadcast_in_dim3A_269 : vector<16x1xi32> to vector<16xi32>
        %gather3A_271 = tpu.dynamic_gather %gather3A_33[%gather3A_270] in [0] : vector<16xf32>, vector<16xi32> -> vector<16xf32>
        %mul3A_272 = arith.constant 16 : i32
        %mul3A_273 = arith.muli %scan3A_187, %mul3A_272 : i32
        %swap3A_274 = arith.constant 2 : i32
        %swap3A_275 = arith.constant 4 : i32
        %swap3A_276 = arith.index_cast %swap3A_274 : i32 to index
        %swap3A_277 = arith.index_cast %swap3A_275 : i32 to index
        %swap3A_278 = arith.index_cast %mul3A_273 : i32 to index
        %swap3A_279 = tpu.vector_load %arg8[%swap3A_276, %swap3A_277, %swap3A_278] {strides = array<i32>} : memref<4x16x512xf32, #tpu.memory_space<vmem>>, vector<16xf32>,
        tpu.vector_store %arg8[%swap3A_276, %swap3A_277, %swap3A_278], %gather3A_271 {strides = array<i32>} : memref<4x16x512xf32, #tpu.memory_space<vmem>>, vector<16xf32>,
        %lt3A_280 = arith.constant 0 : i32
        %lt3A_281 = vector.broadcast %lt3A_280 : i32 to vector<16xi32>
        %lt3A_282 = arith.cmpi slt, %get3A_192, %lt3A_281 : vector<16xi32>
        %add3A_283 = arith.constant 16 : i32
        %add3A_284 = vector.broadcast %add3A_283 : i32 to vector<16xi32>
        %add3A_285 = arith.addi %get3A_192, %add3A_284 : vector<16xi32>
        %select_n3A_286 = arith.select %lt3A_282, %add3A_285, %get3A_192 : vector<16xi1>, vector<16xi32>
        %broadcast_in_dim3A_287 = vector.shape_cast %select_n3A_286 : vector<16xi32> to vector<16x1xi32>
        %gather3A_288 = vector.shape_cast %broadcast_in_dim3A_287 : vector<16x1xi32> to vector<16xi32>
        %gather3A_289 = tpu.dynamic_gather %gather3A_37[%gather3A_288] in [0] : vector<16xf32>, vector<16xi32> -> vector<16xf32>
        %mul3A_290 = arith.constant 16 : i32
        %mul3A_291 = arith.muli %scan3A_187, %mul3A_290 : i32
        %swap3A_292 = arith.constant 2 : i32
        %swap3A_293 = arith.constant 5 : i32
        %swap3A_294 = arith.index_cast %swap3A_292 : i32 to index
        %swap3A_295 = arith.index_cast %swap3A_293 : i32 to index
        %swap3A_296 = arith.index_cast %mul3A_291 : i32 to index
        %swap3A_297 = tpu.vector_load %arg8[%swap3A_294, %swap3A_295, %swap3A_296] {strides = array<i32>} : memref<4x16x512xf32, #tpu.memory_space<vmem>>, vector<16xf32>,
        tpu.vector_store %arg8[%swap3A_294, %swap3A_295, %swap3A_296], %gather3A_289 {strides = array<i32>} : memref<4x16x512xf32, #tpu.memory_space<vmem>>, vector<16xf32>,
        %lt3A_298 = arith.constant 0 : i32
        %lt3A_299 = vector.broadcast %lt3A_298 : i32 to vector<16xi32>
        %lt3A_300 = arith.cmpi slt, %get3A_192, %lt3A_299 : vector<16xi32>
        %add3A_301 = arith.constant 16 : i32
        %add3A_302 = vector.broadcast %add3A_301 : i32 to vector<16xi32>
        %add3A_303 = arith.addi %get3A_192, %add3A_302 : vector<16xi32>
        %select_n3A_304 = arith.select %lt3A_300, %add3A_303, %get3A_192 : vector<16xi1>, vector<16xi32>
        %broadcast_in_dim3A_305 = vector.shape_cast %select_n3A_304 : vector<16xi32> to vector<16x1xi32>
        %gather3A_306 = vector.shape_cast %broadcast_in_dim3A_305 : vector<16x1xi32> to vector<16xi32>
        %gather3A_307 = tpu.dynamic_gather %gather3A_41[%gather3A_306] in [0] : vector<16xf32>, vector<16xi32> -> vector<16xf32>
        %mul3A_308 = arith.constant 16 : i32
        %mul3A_309 = arith.muli %scan3A_187, %mul3A_308 : i32
        %swap3A_310 = arith.constant 2 : i32
        %swap3A_311 = arith.constant 6 : i32
        %swap3A_312 = arith.index_cast %swap3A_310 : i32 to index
        %swap3A_313 = arith.index_cast %swap3A_311 : i32 to index
        %swap3A_314 = arith.index_cast %mul3A_309 : i32 to index
        %swap3A_315 = tpu.vector_load %arg8[%swap3A_312, %swap3A_313, %swap3A_314] {strides = array<i32>} : memref<4x16x512xf32, #tpu.memory_space<vmem>>, vector<16xf32>,
        tpu.vector_store %arg8[%swap3A_312, %swap3A_313, %swap3A_314], %gather3A_307 {strides = array<i32>} : memref<4x16x512xf32, #tpu.memory_space<vmem>>, vector<16xf32>,
        %lt3A_316 = arith.constant 0 : i32
        %lt3A_317 = vector.broadcast %lt3A_316 : i32 to vector<16xi32>
        %lt3A_318 = arith.cmpi slt, %get3A_192, %lt3A_317 : vector<16xi32>
        %add3A_319 = arith.constant 16 : i32
        %add3A_320 = vector.broadcast %add3A_319 : i32 to vector<16xi32>
        %add3A_321 = arith.addi %get3A_192, %add3A_320 : vector<16xi32>
        %select_n3A_322 = arith.select %lt3A_318, %add3A_321, %get3A_192 : vector<16xi1>, vector<16xi32>
        %broadcast_in_dim3A_323 = vector.shape_cast %select_n3A_322 : vector<16xi32> to vector<16x1xi32>
        %gather3A_324 = vector.shape_cast %broadcast_in_dim3A_323 : vector<16x1xi32> to vector<16xi32>
        %gather3A_325 = tpu.dynamic_gather %gather3A_45[%gather3A_324] in [0] : vector<16xf32>, vector<16xi32> -> vector<16xf32>
        %mul3A_326 = arith.constant 16 : i32
        %mul3A_327 = arith.muli %scan3A_187, %mul3A_326 : i32
        %swap3A_328 = arith.constant 2 : i32
        %swap3A_329 = arith.constant 7 : i32
        %swap3A_330 = arith.index_cast %swap3A_328 : i32 to index
        %swap3A_331 = arith.index_cast %swap3A_329 : i32 to index
        %swap3A_332 = arith.index_cast %mul3A_327 : i32 to index
        %swap3A_333 = tpu.vector_load %arg8[%swap3A_330, %swap3A_331, %swap3A_332] {strides = array<i32>} : memref<4x16x512xf32, #tpu.memory_space<vmem>>, vector<16xf32>,
        tpu.vector_store %arg8[%swap3A_330, %swap3A_331, %swap3A_332], %gather3A_325 {strides = array<i32>} : memref<4x16x512xf32, #tpu.memory_space<vmem>>, vector<16xf32>,
        %lt3A_334 = arith.constant 0 : i32
        %lt3A_335 = vector.broadcast %lt3A_334 : i32 to vector<16xi32>
        %lt3A_336 = arith.cmpi slt, %get3A_192, %lt3A_335 : vector<16xi32>
        %add3A_337 = arith.constant 16 : i32
        %add3A_338 = vector.broadcast %add3A_337 : i32 to vector<16xi32>
        %add3A_339 = arith.addi %get3A_192, %add3A_338 : vector<16xi32>
        %select_n3A_340 = arith.select %lt3A_336, %add3A_339, %get3A_192 : vector<16xi1>, vector<16xi32>
        %broadcast_in_dim3A_341 = vector.shape_cast %select_n3A_340 : vector<16xi32> to vector<16x1xi32>
        %gather3A_342 = vector.shape_cast %broadcast_in_dim3A_341 : vector<16x1xi32> to vector<16xi32>
        %gather3A_343 = tpu.dynamic_gather %gather3A_49[%gather3A_342] in [0] : vector<16xf32>, vector<16xi32> -> vector<16xf32>
        %mul3A_344 = arith.constant 16 : i32
        %mul3A_345 = arith.muli %scan3A_187, %mul3A_344 : i32
        %swap3A_346 = arith.constant 2 : i32
        %swap3A_347 = arith.constant 8 : i32
        %swap3A_348 = arith.index_cast %swap3A_346 : i32 to index
        %swap3A_349 = arith.index_cast %swap3A_347 : i32 to index
        %swap3A_350 = arith.index_cast %mul3A_345 : i32 to index
        %swap3A_351 = tpu.vector_load %arg8[%swap3A_348, %swap3A_349, %swap3A_350] {strides = array<i32>} : memref<4x16x512xf32, #tpu.memory_space<vmem>>, vector<16xf32>,
        tpu.vector_store %arg8[%swap3A_348, %swap3A_349, %swap3A_350], %gather3A_343 {strides = array<i32>} : memref<4x16x512xf32, #tpu.memory_space<vmem>>, vector<16xf32>,
        %lt3A_352 = arith.constant 0 : i32
        %lt3A_353 = vector.broadcast %lt3A_352 : i32 to vector<16xi32>
        %lt3A_354 = arith.cmpi slt, %get3A_192, %lt3A_353 : vector<16xi32>
        %add3A_355 = arith.constant 16 : i32
        %add3A_356 = vector.broadcast %add3A_355 : i32 to vector<16xi32>
        %add3A_357 = arith.addi %get3A_192, %add3A_356 : vector<16xi32>
        %select_n3A_358 = arith.select %lt3A_354, %add3A_357, %get3A_192 : vector<16xi1>, vector<16xi32>
        %broadcast_in_dim3A_359 = vector.shape_cast %select_n3A_358 : vector<16xi32> to vector<16x1xi32>
        %gather3A_360 = vector.shape_cast %broadcast_in_dim3A_359 : vector<16x1xi32> to vector<16xi32>
        %gather3A_361 = tpu.dynamic_gather %gather3A_53[%gather3A_360] in [0] : vector<16xf32>, vector<16xi32> -> vector<16xf32>
        %mul3A_362 = arith.constant 16 : i32
        %mul3A_363 = arith.muli %scan3A_187, %mul3A_362 : i32
        %swap3A_364 = arith.constant 2 : i32
        %swap3A_365 = arith.constant 9 : i32
        %swap3A_366 = arith.index_cast %swap3A_364 : i32 to index
        %swap3A_367 = arith.index_cast %swap3A_365 : i32 to index
        %swap3A_368 = arith.index_cast %mul3A_363 : i32 to index
        %swap3A_369 = tpu.vector_load %arg8[%swap3A_366, %swap3A_367, %swap3A_368] {strides = array<i32>} : memref<4x16x512xf32, #tpu.memory_space<vmem>>, vector<16xf32>,
        tpu.vector_store %arg8[%swap3A_366, %swap3A_367, %swap3A_368], %gather3A_361 {strides = array<i32>} : memref<4x16x512xf32, #tpu.memory_space<vmem>>, vector<16xf32>,
        %lt3A_370 = arith.constant 0 : i32
        %lt3A_371 = vector.broadcast %lt3A_370 : i32 to vector<16xi32>
        %lt3A_372 = arith.cmpi slt, %get3A_192, %lt3A_371 : vector<16xi32>
        %add3A_373 = arith.constant 16 : i32
        %add3A_374 = vector.broadcast %add3A_373 : i32 to vector<16xi32>
        %add3A_375 = arith.addi %get3A_192, %add3A_374 : vector<16xi32>
        %select_n3A_376 = arith.select %lt3A_372, %add3A_375, %get3A_192 : vector<16xi1>, vector<16xi32>
        %broadcast_in_dim3A_377 = vector.shape_cast %select_n3A_376 : vector<16xi32> to vector<16x1xi32>
        %gather3A_378 = vector.shape_cast %broadcast_in_dim3A_377 : vector<16x1xi32> to vector<16xi32>
        %gather3A_379 = tpu.dynamic_gather %gather3A_57[%gather3A_378] in [0] : vector<16xf32>, vector<16xi32> -> vector<16xf32>
        %mul3A_380 = arith.constant 16 : i32
        %mul3A_381 = arith.muli %scan3A_187, %mul3A_380 : i32
        %swap3A_382 = arith.constant 2 : i32
        %swap3A_383 = arith.constant 10 : i32
        %swap3A_384 = arith.index_cast %swap3A_382 : i32 to index
        %swap3A_385 = arith.index_cast %swap3A_383 : i32 to index
        %swap3A_386 = arith.index_cast %mul3A_381 : i32 to index
        %swap3A_387 = tpu.vector_load %arg8[%swap3A_384, %swap3A_385, %swap3A_386] {strides = array<i32>} : memref<4x16x512xf32, #tpu.memory_space<vmem>>, vector<16xf32>,
        tpu.vector_store %arg8[%swap3A_384, %swap3A_385, %swap3A_386], %gather3A_379 {strides = array<i32>} : memref<4x16x512xf32, #tpu.memory_space<vmem>>, vector<16xf32>,
        %lt3A_388 = arith.constant 0 : i32
        %lt3A_389 = vector.broadcast %lt3A_388 : i32 to vector<16xi32>
        %lt3A_390 = arith.cmpi slt, %get3A_192, %lt3A_389 : vector<16xi32>
        %add3A_391 = arith.constant 16 : i32
        %add3A_392 = vector.broadcast %add3A_391 : i32 to vector<16xi32>
        %add3A_393 = arith.addi %get3A_192, %add3A_392 : vector<16xi32>
        %select_n3A_394 = arith.select %lt3A_390, %add3A_393, %get3A_192 : vector<16xi1>, vector<16xi32>
        %broadcast_in_dim3A_395 = vector.shape_cast %select_n3A_394 : vector<16xi32> to vector<16x1xi32>
        %gather3A_396 = vector.shape_cast %broadcast_in_dim3A_395 : vector<16x1xi32> to vector<16xi32>
        %gather3A_397 = tpu.dynamic_gather %gather3A_61[%gather3A_396] in [0] : vector<16xf32>, vector<16xi32> -> vector<16xf32>
        %mul3A_398 = arith.constant 16 : i32
        %mul3A_399 = arith.muli %scan3A_187, %mul3A_398 : i32
        %swap3A_400 = arith.constant 2 : i32
        %swap3A_401 = arith.constant 11 : i32
        %swap3A_402 = arith.index_cast %swap3A_400 : i32 to index
        %swap3A_403 = arith.index_cast %swap3A_401 : i32 to index
        %swap3A_404 = arith.index_cast %mul3A_399 : i32 to index
        %swap3A_405 = tpu.vector_load %arg8[%swap3A_402, %swap3A_403, %swap3A_404] {strides = array<i32>} : memref<4x16x512xf32, #tpu.memory_space<vmem>>, vector<16xf32>,
        tpu.vector_store %arg8[%swap3A_402, %swap3A_403, %swap3A_404], %gather3A_397 {strides = array<i32>} : memref<4x16x512xf32, #tpu.memory_space<vmem>>, vector<16xf32>,
        %lt3A_406 = arith.constant 0 : i32
        %lt3A_407 = vector.broadcast %lt3A_406 : i32 to vector<16xi32>
        %lt3A_408 = arith.cmpi slt, %get3A_192, %lt3A_407 : vector<16xi32>
        %add3A_409 = arith.constant 16 : i32
        %add3A_410 = vector.broadcast %add3A_409 : i32 to vector<16xi32>
        %add3A_411 = arith.addi %get3A_192, %add3A_410 : vector<16xi32>
        %select_n3A_412 = arith.select %lt3A_408, %add3A_411, %get3A_192 : vector<16xi1>, vector<16xi32>
        %broadcast_in_dim3A_413 = vector.shape_cast %select_n3A_412 : vector<16xi32> to vector<16x1xi32>
        %gather3A_414 = vector.shape_cast %broadcast_in_dim3A_413 : vector<16x1xi32> to vector<16xi32>
        %gather3A_415 = tpu.dynamic_gather %gather3A_65[%gather3A_414] in [0] : vector<16xf32>, vector<16xi32> -> vector<16xf32>
        %mul3A_416 = arith.constant 16 : i32
        %mul3A_417 = arith.muli %scan3A_187, %mul3A_416 : i32
        %swap3A_418 = arith.constant 2 : i32
        %swap3A_419 = arith.constant 12 : i32
        %swap3A_420 = arith.index_cast %swap3A_418 : i32 to index
        %swap3A_421 = arith.index_cast %swap3A_419 : i32 to index
        %swap3A_422 = arith.index_cast %mul3A_417 : i32 to index
        %swap3A_423 = tpu.vector_load %arg8[%swap3A_420, %swap3A_421, %swap3A_422] {strides = array<i32>} : memref<4x16x512xf32, #tpu.memory_space<vmem>>, vector<16xf32>,
        tpu.vector_store %arg8[%swap3A_420, %swap3A_421, %swap3A_422], %gather3A_415 {strides = array<i32>} : memref<4x16x512xf32, #tpu.memory_space<vmem>>, vector<16xf32>,
        %lt3A_424 = arith.constant 0 : i32
        %lt3A_425 = vector.broadcast %lt3A_424 : i32 to vector<16xi32>
        %lt3A_426 = arith.cmpi slt, %get3A_192, %lt3A_425 : vector<16xi32>
        %add3A_427 = arith.constant 16 : i32
        %add3A_428 = vector.broadcast %add3A_427 : i32 to vector<16xi32>
        %add3A_429 = arith.addi %get3A_192, %add3A_428 : vector<16xi32>
        %select_n3A_430 = arith.select %lt3A_426, %add3A_429, %get3A_192 : vector<16xi1>, vector<16xi32>
        %broadcast_in_dim3A_431 = vector.shape_cast %select_n3A_430 : vector<16xi32> to vector<16x1xi32>
        %gather3A_432 = vector.shape_cast %broadcast_in_dim3A_431 : vector<16x1xi32> to vector<16xi32>
        %gather3A_433 = tpu.dynamic_gather %gather3A_69[%gather3A_432] in [0] : vector<16xf32>, vector<16xi32> -> vector<16xf32>
        %mul3A_434 = arith.constant 16 : i32
        %mul3A_435 = arith.muli %scan3A_187, %mul3A_434 : i32
        %swap3A_436 = arith.constant 2 : i32
        %swap3A_437 = arith.constant 13 : i32
        %swap3A_438 = arith.index_cast %swap3A_436 : i32 to index
        %swap3A_439 = arith.index_cast %swap3A_437 : i32 to index
        %swap3A_440 = arith.index_cast %mul3A_435 : i32 to index
        %swap3A_441 = tpu.vector_load %arg8[%swap3A_438, %swap3A_439, %swap3A_440] {strides = array<i32>} : memref<4x16x512xf32, #tpu.memory_space<vmem>>, vector<16xf32>,
        tpu.vector_store %arg8[%swap3A_438, %swap3A_439, %swap3A_440], %gather3A_433 {strides = array<i32>} : memref<4x16x512xf32, #tpu.memory_space<vmem>>, vector<16xf32>,
        %lt3A_442 = arith.constant 0 : i32
        %lt3A_443 = vector.broadcast %lt3A_442 : i32 to vector<16xi32>
        %lt3A_444 = arith.cmpi slt, %get3A_192, %lt3A_443 : vector<16xi32>
        %add3A_445 = arith.constant 16 : i32
        %add3A_446 = vector.broadcast %add3A_445 : i32 to vector<16xi32>
        %add3A_447 = arith.addi %get3A_192, %add3A_446 : vector<16xi32>
        %select_n3A_448 = arith.select %lt3A_444, %add3A_447, %get3A_192 : vector<16xi1>, vector<16xi32>
        %broadcast_in_dim3A_449 = vector.shape_cast %select_n3A_448 : vector<16xi32> to vector<16x1xi32>
        %gather3A_450 = vector.shape_cast %broadcast_in_dim3A_449 : vector<16x1xi32> to vector<16xi32>
        %gather3A_451 = tpu.dynamic_gather %gather3A_73[%gather3A_450] in [0] : vector<16xf32>, vector<16xi32> -> vector<16xf32>
        %mul3A_452 = arith.constant 16 : i32
        %mul3A_453 = arith.muli %scan3A_187, %mul3A_452 : i32
        %swap3A_454 = arith.constant 2 : i32
        %swap3A_455 = arith.constant 14 : i32
        %swap3A_456 = arith.index_cast %swap3A_454 : i32 to index
        %swap3A_457 = arith.index_cast %swap3A_455 : i32 to index
        %swap3A_458 = arith.index_cast %mul3A_453 : i32 to index
        %swap3A_459 = tpu.vector_load %arg8[%swap3A_456, %swap3A_457, %swap3A_458] {strides = array<i32>} : memref<4x16x512xf32, #tpu.memory_space<vmem>>, vector<16xf32>,
        tpu.vector_store %arg8[%swap3A_456, %swap3A_457, %swap3A_458], %gather3A_451 {strides = array<i32>} : memref<4x16x512xf32, #tpu.memory_space<vmem>>, vector<16xf32>,
        %lt3A_460 = arith.constant 0 : i32
        %lt3A_461 = vector.broadcast %lt3A_460 : i32 to vector<16xi32>
        %lt3A_462 = arith.cmpi slt, %get3A_192, %lt3A_461 : vector<16xi32>
        %add3A_463 = arith.constant 16 : i32
        %add3A_464 = vector.broadcast %add3A_463 : i32 to vector<16xi32>
        %add3A_465 = arith.addi %get3A_192, %add3A_464 : vector<16xi32>
        %select_n3A_466 = arith.select %lt3A_462, %add3A_465, %get3A_192 : vector<16xi1>, vector<16xi32>
        %broadcast_in_dim3A_467 = vector.shape_cast %select_n3A_466 : vector<16xi32> to vector<16x1xi32>
        %gather3A_468 = vector.shape_cast %broadcast_in_dim3A_467 : vector<16x1xi32> to vector<16xi32>
        %gather3A_469 = tpu.dynamic_gather %gather3A_77[%gather3A_468] in [0] : vector<16xf32>, vector<16xi32> -> vector<16xf32>
        %mul3A_470 = arith.constant 16 : i32
        %mul3A_471 = arith.muli %scan3A_187, %mul3A_470 : i32
        %swap3A_472 = arith.constant 2 : i32
        %swap3A_473 = arith.constant 15 : i32
        %swap3A_474 = arith.index_cast %swap3A_472 : i32 to index
        %swap3A_475 = arith.index_cast %swap3A_473 : i32 to index
        %swap3A_476 = arith.index_cast %mul3A_471 : i32 to index
        %swap3A_477 = tpu.vector_load %arg8[%swap3A_474, %swap3A_475, %swap3A_476] {strides = array<i32>} : memref<4x16x512xf32, #tpu.memory_space<vmem>>, vector<16xf32>,
        tpu.vector_store %arg8[%swap3A_474, %swap3A_475, %swap3A_476], %gather3A_469 {strides = array<i32>} : memref<4x16x512xf32, #tpu.memory_space<vmem>>, vector<16xf32>,
      }
      %scan3A_122 = arith.constant 32 : i32
      %scan3A_123 = arith.constant 0 : i32
      %scan3A_124 = arith.constant 0 : i32
      %scan3A_125 = arith.constant 32 : i32
      %scan3A_126 = arith.addi %scan3A_124, %scan3A_125 : i32
      %scan3A_127 = arith.constant 1 : i32
      scf.for %scan3A_187 = %scan3A_124 to %scan3A_126 step %scan3A_127  : i32 {
        %mul3A_188 = arith.constant 16 : i32
        %mul3A_189 = arith.muli %scan3A_187, %mul3A_188 : i32
        %get3A = arith.constant 3 : i32
        %get3A_190 = arith.index_cast %get3A : i32 to index
        %get3A_191 = arith.index_cast %mul3A_189 : i32 to index
        %get3A_192 = tpu.vector_load %arg6[%get3A_190, %get3A_191] {strides = array<i32>} : memref<4x512xi32, #tpu.memory_space<vmem>>, vector<16xi32>,
        %lt3A_193 = arith.constant 0 : i32
        %lt3A_194 = vector.broadcast %lt3A_193 : i32 to vector<16xi32>
        %lt3A_195 = arith.cmpi slt, %get3A_192, %lt3A_194 : vector<16xi32>
        %add3A_196 = arith.constant 16 : i32
        %add3A_197 = vector.broadcast %add3A_196 : i32 to vector<16xi32>
        %add3A_198 = arith.addi %get3A_192, %add3A_197 : vector<16xi32>
        %select_n3A = arith.select %lt3A_195, %add3A_198, %get3A_192 : vector<16xi1>, vector<16xi32>
        %broadcast_in_dim3A = vector.shape_cast %select_n3A : vector<16xi32> to vector<16x1xi32>
        %gather3A_199 = vector.shape_cast %broadcast_in_dim3A : vector<16x1xi32> to vector<16xi32>
        %gather3A_200 = tpu.dynamic_gather %gather3A[%gather3A_199] in [0] : vector<16xf32>, vector<16xi32> -> vector<16xf32>
        %mul3A_201 = arith.constant 16 : i32
        %mul3A_202 = arith.muli %scan3A_187, %mul3A_201 : i32
        %swap3A = arith.constant 3 : i32
        %swap3A_203 = arith.constant 0 : i32
        %swap3A_204 = arith.index_cast %swap3A : i32 to index
        %swap3A_205 = arith.index_cast %swap3A_203 : i32 to index
        %swap3A_206 = arith.index_cast %mul3A_202 : i32 to index
        %swap3A_207 = tpu.vector_load %arg8[%swap3A_204, %swap3A_205, %swap3A_206] {strides = array<i32>} : memref<4x16x512xf32, #tpu.memory_space<vmem>>, vector<16xf32>,
        tpu.vector_store %arg8[%swap3A_204, %swap3A_205, %swap3A_206], %gather3A_200 {strides = array<i32>} : memref<4x16x512xf32, #tpu.memory_space<vmem>>, vector<16xf32>,
        %lt3A_208 = arith.constant 0 : i32
        %lt3A_209 = vector.broadcast %lt3A_208 : i32 to vector<16xi32>
        %lt3A_210 = arith.cmpi slt, %get3A_192, %lt3A_209 : vector<16xi32>
        %add3A_211 = arith.constant 16 : i32
        %add3A_212 = vector.broadcast %add3A_211 : i32 to vector<16xi32>
        %add3A_213 = arith.addi %get3A_192, %add3A_212 : vector<16xi32>
        %select_n3A_214 = arith.select %lt3A_210, %add3A_213, %get3A_192 : vector<16xi1>, vector<16xi32>
        %broadcast_in_dim3A_215 = vector.shape_cast %select_n3A_214 : vector<16xi32> to vector<16x1xi32>
        %gather3A_216 = vector.shape_cast %broadcast_in_dim3A_215 : vector<16x1xi32> to vector<16xi32>
        %gather3A_217 = tpu.dynamic_gather %gather3A_21[%gather3A_216] in [0] : vector<16xf32>, vector<16xi32> -> vector<16xf32>
        %mul3A_218 = arith.constant 16 : i32
        %mul3A_219 = arith.muli %scan3A_187, %mul3A_218 : i32
        %swap3A_220 = arith.constant 3 : i32
        %swap3A_221 = arith.constant 1 : i32
        %swap3A_222 = arith.index_cast %swap3A_220 : i32 to index
        %swap3A_223 = arith.index_cast %swap3A_221 : i32 to index
        %swap3A_224 = arith.index_cast %mul3A_219 : i32 to index
        %swap3A_225 = tpu.vector_load %arg8[%swap3A_222, %swap3A_223, %swap3A_224] {strides = array<i32>} : memref<4x16x512xf32, #tpu.memory_space<vmem>>, vector<16xf32>,
        tpu.vector_store %arg8[%swap3A_222, %swap3A_223, %swap3A_224], %gather3A_217 {strides = array<i32>} : memref<4x16x512xf32, #tpu.memory_space<vmem>>, vector<16xf32>,
        %lt3A_226 = arith.constant 0 : i32
        %lt3A_227 = vector.broadcast %lt3A_226 : i32 to vector<16xi32>
        %lt3A_228 = arith.cmpi slt, %get3A_192, %lt3A_227 : vector<16xi32>
        %add3A_229 = arith.constant 16 : i32
        %add3A_230 = vector.broadcast %add3A_229 : i32 to vector<16xi32>
        %add3A_231 = arith.addi %get3A_192, %add3A_230 : vector<16xi32>
        %select_n3A_232 = arith.select %lt3A_228, %add3A_231, %get3A_192 : vector<16xi1>, vector<16xi32>
        %broadcast_in_dim3A_233 = vector.shape_cast %select_n3A_232 : vector<16xi32> to vector<16x1xi32>
        %gather3A_234 = vector.shape_cast %broadcast_in_dim3A_233 : vector<16x1xi32> to vector<16xi32>
        %gather3A_235 = tpu.dynamic_gather %gather3A_25[%gather3A_234] in [0] : vector<16xf32>, vector<16xi32> -> vector<16xf32>
        %mul3A_236 = arith.constant 16 : i32
        %mul3A_237 = arith.muli %scan3A_187, %mul3A_236 : i32
        %swap3A_238 = arith.constant 3 : i32
        %swap3A_239 = arith.constant 2 : i32
        %swap3A_240 = arith.index_cast %swap3A_238 : i32 to index
        %swap3A_241 = arith.index_cast %swap3A_239 : i32 to index
        %swap3A_242 = arith.index_cast %mul3A_237 : i32 to index
        %swap3A_243 = tpu.vector_load %arg8[%swap3A_240, %swap3A_241, %swap3A_242] {strides = array<i32>} : memref<4x16x512xf32, #tpu.memory_space<vmem>>, vector<16xf32>,
        tpu.vector_store %arg8[%swap3A_240, %swap3A_241, %swap3A_242], %gather3A_235 {strides = array<i32>} : memref<4x16x512xf32, #tpu.memory_space<vmem>>, vector<16xf32>,
        %lt3A_244 = arith.constant 0 : i32
        %lt3A_245 = vector.broadcast %lt3A_244 : i32 to vector<16xi32>
        %lt3A_246 = arith.cmpi slt, %get3A_192, %lt3A_245 : vector<16xi32>
        %add3A_247 = arith.constant 16 : i32
        %add3A_248 = vector.broadcast %add3A_247 : i32 to vector<16xi32>
        %add3A_249 = arith.addi %get3A_192, %add3A_248 : vector<16xi32>
        %select_n3A_250 = arith.select %lt3A_246, %add3A_249, %get3A_192 : vector<16xi1>, vector<16xi32>
        %broadcast_in_dim3A_251 = vector.shape_cast %select_n3A_250 : vector<16xi32> to vector<16x1xi32>
        %gather3A_252 = vector.shape_cast %broadcast_in_dim3A_251 : vector<16x1xi32> to vector<16xi32>
        %gather3A_253 = tpu.dynamic_gather %gather3A_29[%gather3A_252] in [0] : vector<16xf32>, vector<16xi32> -> vector<16xf32>
        %mul3A_254 = arith.constant 16 : i32
        %mul3A_255 = arith.muli %scan3A_187, %mul3A_254 : i32
        %swap3A_256 = arith.constant 3 : i32
        %swap3A_257 = arith.constant 3 : i32
        %swap3A_258 = arith.index_cast %swap3A_256 : i32 to index
        %swap3A_259 = arith.index_cast %swap3A_257 : i32 to index
        %swap3A_260 = arith.index_cast %mul3A_255 : i32 to index
        %swap3A_261 = tpu.vector_load %arg8[%swap3A_258, %swap3A_259, %swap3A_260] {strides = array<i32>} : memref<4x16x512xf32, #tpu.memory_space<vmem>>, vector<16xf32>,
        tpu.vector_store %arg8[%swap3A_258, %swap3A_259, %swap3A_260], %gather3A_253 {strides = array<i32>} : memref<4x16x512xf32, #tpu.memory_space<vmem>>, vector<16xf32>,
        %lt3A_262 = arith.constant 0 : i32
        %lt3A_263 = vector.broadcast %lt3A_262 : i32 to vector<16xi32>
        %lt3A_264 = arith.cmpi slt, %get3A_192, %lt3A_263 : vector<16xi32>
        %add3A_265 = arith.constant 16 : i32
        %add3A_266 = vector.broadcast %add3A_265 : i32 to vector<16xi32>
        %add3A_267 = arith.addi %get3A_192, %add3A_266 : vector<16xi32>
        %select_n3A_268 = arith.select %lt3A_264, %add3A_267, %get3A_192 : vector<16xi1>, vector<16xi32>
        %broadcast_in_dim3A_269 = vector.shape_cast %select_n3A_268 : vector<16xi32> to vector<16x1xi32>
        %gather3A_270 = vector.shape_cast %broadcast_in_dim3A_269 : vector<16x1xi32> to vector<16xi32>
        %gather3A_271 = tpu.dynamic_gather %gather3A_33[%gather3A_270] in [0] : vector<16xf32>, vector<16xi32> -> vector<16xf32>
        %mul3A_272 = arith.constant 16 : i32
        %mul3A_273 = arith.muli %scan3A_187, %mul3A_272 : i32
        %swap3A_274 = arith.constant 3 : i32
        %swap3A_275 = arith.constant 4 : i32
        %swap3A_276 = arith.index_cast %swap3A_274 : i32 to index
        %swap3A_277 = arith.index_cast %swap3A_275 : i32 to index
        %swap3A_278 = arith.index_cast %mul3A_273 : i32 to index
        %swap3A_279 = tpu.vector_load %arg8[%swap3A_276, %swap3A_277, %swap3A_278] {strides = array<i32>} : memref<4x16x512xf32, #tpu.memory_space<vmem>>, vector<16xf32>,
        tpu.vector_store %arg8[%swap3A_276, %swap3A_277, %swap3A_278], %gather3A_271 {strides = array<i32>} : memref<4x16x512xf32, #tpu.memory_space<vmem>>, vector<16xf32>,
        %lt3A_280 = arith.constant 0 : i32
        %lt3A_281 = vector.broadcast %lt3A_280 : i32 to vector<16xi32>
        %lt3A_282 = arith.cmpi slt, %get3A_192, %lt3A_281 : vector<16xi32>
        %add3A_283 = arith.constant 16 : i32
        %add3A_284 = vector.broadcast %add3A_283 : i32 to vector<16xi32>
        %add3A_285 = arith.addi %get3A_192, %add3A_284 : vector<16xi32>
        %select_n3A_286 = arith.select %lt3A_282, %add3A_285, %get3A_192 : vector<16xi1>, vector<16xi32>
        %broadcast_in_dim3A_287 = vector.shape_cast %select_n3A_286 : vector<16xi32> to vector<16x1xi32>
        %gather3A_288 = vector.shape_cast %broadcast_in_dim3A_287 : vector<16x1xi32> to vector<16xi32>
        %gather3A_289 = tpu.dynamic_gather %gather3A_37[%gather3A_288] in [0] : vector<16xf32>, vector<16xi32> -> vector<16xf32>
        %mul3A_290 = arith.constant 16 : i32
        %mul3A_291 = arith.muli %scan3A_187, %mul3A_290 : i32
        %swap3A_292 = arith.constant 3 : i32
        %swap3A_293 = arith.constant 5 : i32
        %swap3A_294 = arith.index_cast %swap3A_292 : i32 to index
        %swap3A_295 = arith.index_cast %swap3A_293 : i32 to index
        %swap3A_296 = arith.index_cast %mul3A_291 : i32 to index
        %swap3A_297 = tpu.vector_load %arg8[%swap3A_294, %swap3A_295, %swap3A_296] {strides = array<i32>} : memref<4x16x512xf32, #tpu.memory_space<vmem>>, vector<16xf32>,
        tpu.vector_store %arg8[%swap3A_294, %swap3A_295, %swap3A_296], %gather3A_289 {strides = array<i32>} : memref<4x16x512xf32, #tpu.memory_space<vmem>>, vector<16xf32>,
        %lt3A_298 = arith.constant 0 : i32
        %lt3A_299 = vector.broadcast %lt3A_298 : i32 to vector<16xi32>
        %lt3A_300 = arith.cmpi slt, %get3A_192, %lt3A_299 : vector<16xi32>
        %add3A_301 = arith.constant 16 : i32
        %add3A_302 = vector.broadcast %add3A_301 : i32 to vector<16xi32>
        %add3A_303 = arith.addi %get3A_192, %add3A_302 : vector<16xi32>
        %select_n3A_304 = arith.select %lt3A_300, %add3A_303, %get3A_192 : vector<16xi1>, vector<16xi32>
        %broadcast_in_dim3A_305 = vector.shape_cast %select_n3A_304 : vector<16xi32> to vector<16x1xi32>
        %gather3A_306 = vector.shape_cast %broadcast_in_dim3A_305 : vector<16x1xi32> to vector<16xi32>
        %gather3A_307 = tpu.dynamic_gather %gather3A_41[%gather3A_306] in [0] : vector<16xf32>, vector<16xi32> -> vector<16xf32>
        %mul3A_308 = arith.constant 16 : i32
        %mul3A_309 = arith.muli %scan3A_187, %mul3A_308 : i32
        %swap3A_310 = arith.constant 3 : i32
        %swap3A_311 = arith.constant 6 : i32
        %swap3A_312 = arith.index_cast %swap3A_310 : i32 to index
        %swap3A_313 = arith.index_cast %swap3A_311 : i32 to index
        %swap3A_314 = arith.index_cast %mul3A_309 : i32 to index
        %swap3A_315 = tpu.vector_load %arg8[%swap3A_312, %swap3A_313, %swap3A_314] {strides = array<i32>} : memref<4x16x512xf32, #tpu.memory_space<vmem>>, vector<16xf32>,
        tpu.vector_store %arg8[%swap3A_312, %swap3A_313, %swap3A_314], %gather3A_307 {strides = array<i32>} : memref<4x16x512xf32, #tpu.memory_space<vmem>>, vector<16xf32>,
        %lt3A_316 = arith.constant 0 : i32
        %lt3A_317 = vector.broadcast %lt3A_316 : i32 to vector<16xi32>
        %lt3A_318 = arith.cmpi slt, %get3A_192, %lt3A_317 : vector<16xi32>
        %add3A_319 = arith.constant 16 : i32
        %add3A_320 = vector.broadcast %add3A_319 : i32 to vector<16xi32>
        %add3A_321 = arith.addi %get3A_192, %add3A_320 : vector<16xi32>
        %select_n3A_322 = arith.select %lt3A_318, %add3A_321, %get3A_192 : vector<16xi1>, vector<16xi32>
        %broadcast_in_dim3A_323 = vector.shape_cast %select_n3A_322 : vector<16xi32> to vector<16x1xi32>
        %gather3A_324 = vector.shape_cast %broadcast_in_dim3A_323 : vector<16x1xi32> to vector<16xi32>
        %gather3A_325 = tpu.dynamic_gather %gather3A_45[%gather3A_324] in [0] : vector<16xf32>, vector<16xi32> -> vector<16xf32>
        %mul3A_326 = arith.constant 16 : i32
        %mul3A_327 = arith.muli %scan3A_187, %mul3A_326 : i32
        %swap3A_328 = arith.constant 3 : i32
        %swap3A_329 = arith.constant 7 : i32
        %swap3A_330 = arith.index_cast %swap3A_328 : i32 to index
        %swap3A_331 = arith.index_cast %swap3A_329 : i32 to index
        %swap3A_332 = arith.index_cast %mul3A_327 : i32 to index
        %swap3A_333 = tpu.vector_load %arg8[%swap3A_330, %swap3A_331, %swap3A_332] {strides = array<i32>} : memref<4x16x512xf32, #tpu.memory_space<vmem>>, vector<16xf32>,
        tpu.vector_store %arg8[%swap3A_330, %swap3A_331, %swap3A_332], %gather3A_325 {strides = array<i32>} : memref<4x16x512xf32, #tpu.memory_space<vmem>>, vector<16xf32>,
        %lt3A_334 = arith.constant 0 : i32
        %lt3A_335 = vector.broadcast %lt3A_334 : i32 to vector<16xi32>
        %lt3A_336 = arith.cmpi slt, %get3A_192, %lt3A_335 : vector<16xi32>
        %add3A_337 = arith.constant 16 : i32
        %add3A_338 = vector.broadcast %add3A_337 : i32 to vector<16xi32>
        %add3A_339 = arith.addi %get3A_192, %add3A_338 : vector<16xi32>
        %select_n3A_340 = arith.select %lt3A_336, %add3A_339, %get3A_192 : vector<16xi1>, vector<16xi32>
        %broadcast_in_dim3A_341 = vector.shape_cast %select_n3A_340 : vector<16xi32> to vector<16x1xi32>
        %gather3A_342 = vector.shape_cast %broadcast_in_dim3A_341 : vector<16x1xi32> to vector<16xi32>
        %gather3A_343 = tpu.dynamic_gather %gather3A_49[%gather3A_342] in [0] : vector<16xf32>, vector<16xi32> -> vector<16xf32>
        %mul3A_344 = arith.constant 16 : i32
        %mul3A_345 = arith.muli %scan3A_187, %mul3A_344 : i32
        %swap3A_346 = arith.constant 3 : i32
        %swap3A_347 = arith.constant 8 : i32
        %swap3A_348 = arith.index_cast %swap3A_346 : i32 to index
        %swap3A_349 = arith.index_cast %swap3A_347 : i32 to index
        %swap3A_350 = arith.index_cast %mul3A_345 : i32 to index
        %swap3A_351 = tpu.vector_load %arg8[%swap3A_348, %swap3A_349, %swap3A_350] {strides = array<i32>} : memref<4x16x512xf32, #tpu.memory_space<vmem>>, vector<16xf32>,
        tpu.vector_store %arg8[%swap3A_348, %swap3A_349, %swap3A_350], %gather3A_343 {strides = array<i32>} : memref<4x16x512xf32, #tpu.memory_space<vmem>>, vector<16xf32>,
        %lt3A_352 = arith.constant 0 : i32
        %lt3A_353 = vector.broadcast %lt3A_352 : i32 to vector<16xi32>
        %lt3A_354 = arith.cmpi slt, %get3A_192, %lt3A_353 : vector<16xi32>
        %add3A_355 = arith.constant 16 : i32
        %add3A_356 = vector.broadcast %add3A_355 : i32 to vector<16xi32>
        %add3A_357 = arith.addi %get3A_192, %add3A_356 : vector<16xi32>
        %select_n3A_358 = arith.select %lt3A_354, %add3A_357, %get3A_192 : vector<16xi1>, vector<16xi32>
        %broadcast_in_dim3A_359 = vector.shape_cast %select_n3A_358 : vector<16xi32> to vector<16x1xi32>
        %gather3A_360 = vector.shape_cast %broadcast_in_dim3A_359 : vector<16x1xi32> to vector<16xi32>
        %gather3A_361 = tpu.dynamic_gather %gather3A_53[%gather3A_360] in [0] : vector<16xf32>, vector<16xi32> -> vector<16xf32>
        %mul3A_362 = arith.constant 16 : i32
        %mul3A_363 = arith.muli %scan3A_187, %mul3A_362 : i32
        %swap3A_364 = arith.constant 3 : i32
        %swap3A_365 = arith.constant 9 : i32
        %swap3A_366 = arith.index_cast %swap3A_364 : i32 to index
        %swap3A_367 = arith.index_cast %swap3A_365 : i32 to index
        %swap3A_368 = arith.index_cast %mul3A_363 : i32 to index
        %swap3A_369 = tpu.vector_load %arg8[%swap3A_366, %swap3A_367, %swap3A_368] {strides = array<i32>} : memref<4x16x512xf32, #tpu.memory_space<vmem>>, vector<16xf32>,
        tpu.vector_store %arg8[%swap3A_366, %swap3A_367, %swap3A_368], %gather3A_361 {strides = array<i32>} : memref<4x16x512xf32, #tpu.memory_space<vmem>>, vector<16xf32>,
        %lt3A_370 = arith.constant 0 : i32
        %lt3A_371 = vector.broadcast %lt3A_370 : i32 to vector<16xi32>
        %lt3A_372 = arith.cmpi slt, %get3A_192, %lt3A_371 : vector<16xi32>
        %add3A_373 = arith.constant 16 : i32
        %add3A_374 = vector.broadcast %add3A_373 : i32 to vector<16xi32>
        %add3A_375 = arith.addi %get3A_192, %add3A_374 : vector<16xi32>
        %select_n3A_376 = arith.select %lt3A_372, %add3A_375, %get3A_192 : vector<16xi1>, vector<16xi32>
        %broadcast_in_dim3A_377 = vector.shape_cast %select_n3A_376 : vector<16xi32> to vector<16x1xi32>
        %gather3A_378 = vector.shape_cast %broadcast_in_dim3A_377 : vector<16x1xi32> to vector<16xi32>
        %gather3A_379 = tpu.dynamic_gather %gather3A_57[%gather3A_378] in [0] : vector<16xf32>, vector<16xi32> -> vector<16xf32>
        %mul3A_380 = arith.constant 16 : i32
        %mul3A_381 = arith.muli %scan3A_187, %mul3A_380 : i32
        %swap3A_382 = arith.constant 3 : i32
        %swap3A_383 = arith.constant 10 : i32
        %swap3A_384 = arith.index_cast %swap3A_382 : i32 to index
        %swap3A_385 = arith.index_cast %swap3A_383 : i32 to index
        %swap3A_386 = arith.index_cast %mul3A_381 : i32 to index
        %swap3A_387 = tpu.vector_load %arg8[%swap3A_384, %swap3A_385, %swap3A_386] {strides = array<i32>} : memref<4x16x512xf32, #tpu.memory_space<vmem>>, vector<16xf32>,
        tpu.vector_store %arg8[%swap3A_384, %swap3A_385, %swap3A_386], %gather3A_379 {strides = array<i32>} : memref<4x16x512xf32, #tpu.memory_space<vmem>>, vector<16xf32>,
        %lt3A_388 = arith.constant 0 : i32
        %lt3A_389 = vector.broadcast %lt3A_388 : i32 to vector<16xi32>
        %lt3A_390 = arith.cmpi slt, %get3A_192, %lt3A_389 : vector<16xi32>
        %add3A_391 = arith.constant 16 : i32
        %add3A_392 = vector.broadcast %add3A_391 : i32 to vector<16xi32>
        %add3A_393 = arith.addi %get3A_192, %add3A_392 : vector<16xi32>
        %select_n3A_394 = arith.select %lt3A_390, %add3A_393, %get3A_192 : vector<16xi1>, vector<16xi32>
        %broadcast_in_dim3A_395 = vector.shape_cast %select_n3A_394 : vector<16xi32> to vector<16x1xi32>
        %gather3A_396 = vector.shape_cast %broadcast_in_dim3A_395 : vector<16x1xi32> to vector<16xi32>
        %gather3A_397 = tpu.dynamic_gather %gather3A_61[%gather3A_396] in [0] : vector<16xf32>, vector<16xi32> -> vector<16xf32>
        %mul3A_398 = arith.constant 16 : i32
        %mul3A_399 = arith.muli %scan3A_187, %mul3A_398 : i32
        %swap3A_400 = arith.constant 3 : i32
        %swap3A_401 = arith.constant 11 : i32
        %swap3A_402 = arith.index_cast %swap3A_400 : i32 to index
        %swap3A_403 = arith.index_cast %swap3A_401 : i32 to index
        %swap3A_404 = arith.index_cast %mul3A_399 : i32 to index
        %swap3A_405 = tpu.vector_load %arg8[%swap3A_402, %swap3A_403, %swap3A_404] {strides = array<i32>} : memref<4x16x512xf32, #tpu.memory_space<vmem>>, vector<16xf32>,
        tpu.vector_store %arg8[%swap3A_402, %swap3A_403, %swap3A_404], %gather3A_397 {strides = array<i32>} : memref<4x16x512xf32, #tpu.memory_space<vmem>>, vector<16xf32>,
        %lt3A_406 = arith.constant 0 : i32
        %lt3A_407 = vector.broadcast %lt3A_406 : i32 to vector<16xi32>
        %lt3A_408 = arith.cmpi slt, %get3A_192, %lt3A_407 : vector<16xi32>
        %add3A_409 = arith.constant 16 : i32
        %add3A_410 = vector.broadcast %add3A_409 : i32 to vector<16xi32>
        %add3A_411 = arith.addi %get3A_192, %add3A_410 : vector<16xi32>
        %select_n3A_412 = arith.select %lt3A_408, %add3A_411, %get3A_192 : vector<16xi1>, vector<16xi32>
        %broadcast_in_dim3A_413 = vector.shape_cast %select_n3A_412 : vector<16xi32> to vector<16x1xi32>
        %gather3A_414 = vector.shape_cast %broadcast_in_dim3A_413 : vector<16x1xi32> to vector<16xi32>
        %gather3A_415 = tpu.dynamic_gather %gather3A_65[%gather3A_414] in [0] : vector<16xf32>, vector<16xi32> -> vector<16xf32>
        %mul3A_416 = arith.constant 16 : i32
        %mul3A_417 = arith.muli %scan3A_187, %mul3A_416 : i32
        %swap3A_418 = arith.constant 3 : i32
        %swap3A_419 = arith.constant 12 : i32
        %swap3A_420 = arith.index_cast %swap3A_418 : i32 to index
        %swap3A_421 = arith.index_cast %swap3A_419 : i32 to index
        %swap3A_422 = arith.index_cast %mul3A_417 : i32 to index
        %swap3A_423 = tpu.vector_load %arg8[%swap3A_420, %swap3A_421, %swap3A_422] {strides = array<i32>} : memref<4x16x512xf32, #tpu.memory_space<vmem>>, vector<16xf32>,
        tpu.vector_store %arg8[%swap3A_420, %swap3A_421, %swap3A_422], %gather3A_415 {strides = array<i32>} : memref<4x16x512xf32, #tpu.memory_space<vmem>>, vector<16xf32>,
        %lt3A_424 = arith.constant 0 : i32
        %lt3A_425 = vector.broadcast %lt3A_424 : i32 to vector<16xi32>
        %lt3A_426 = arith.cmpi slt, %get3A_192, %lt3A_425 : vector<16xi32>
        %add3A_427 = arith.constant 16 : i32
        %add3A_428 = vector.broadcast %add3A_427 : i32 to vector<16xi32>
        %add3A_429 = arith.addi %get3A_192, %add3A_428 : vector<16xi32>
        %select_n3A_430 = arith.select %lt3A_426, %add3A_429, %get3A_192 : vector<16xi1>, vector<16xi32>
        %broadcast_in_dim3A_431 = vector.shape_cast %select_n3A_430 : vector<16xi32> to vector<16x1xi32>
        %gather3A_432 = vector.shape_cast %broadcast_in_dim3A_431 : vector<16x1xi32> to vector<16xi32>
        %gather3A_433 = tpu.dynamic_gather %gather3A_69[%gather3A_432] in [0] : vector<16xf32>, vector<16xi32> -> vector<16xf32>
        %mul3A_434 = arith.constant 16 : i32
        %mul3A_435 = arith.muli %scan3A_187, %mul3A_434 : i32
        %swap3A_436 = arith.constant 3 : i32
        %swap3A_437 = arith.constant 13 : i32
        %swap3A_438 = arith.index_cast %swap3A_436 : i32 to index
        %swap3A_439 = arith.index_cast %swap3A_437 : i32 to index
        %swap3A_440 = arith.index_cast %mul3A_435 : i32 to index
        %swap3A_441 = tpu.vector_load %arg8[%swap3A_438, %swap3A_439, %swap3A_440] {strides = array<i32>} : memref<4x16x512xf32, #tpu.memory_space<vmem>>, vector<16xf32>,
        tpu.vector_store %arg8[%swap3A_438, %swap3A_439, %swap3A_440], %gather3A_433 {strides = array<i32>} : memref<4x16x512xf32, #tpu.memory_space<vmem>>, vector<16xf32>,
        %lt3A_442 = arith.constant 0 : i32
        %lt3A_443 = vector.broadcast %lt3A_442 : i32 to vector<16xi32>
        %lt3A_444 = arith.cmpi slt, %get3A_192, %lt3A_443 : vector<16xi32>
        %add3A_445 = arith.constant 16 : i32
        %add3A_446 = vector.broadcast %add3A_445 : i32 to vector<16xi32>
        %add3A_447 = arith.addi %get3A_192, %add3A_446 : vector<16xi32>
        %select_n3A_448 = arith.select %lt3A_444, %add3A_447, %get3A_192 : vector<16xi1>, vector<16xi32>
        %broadcast_in_dim3A_449 = vector.shape_cast %select_n3A_448 : vector<16xi32> to vector<16x1xi32>
        %gather3A_450 = vector.shape_cast %broadcast_in_dim3A_449 : vector<16x1xi32> to vector<16xi32>
        %gather3A_451 = tpu.dynamic_gather %gather3A_73[%gather3A_450] in [0] : vector<16xf32>, vector<16xi32> -> vector<16xf32>
        %mul3A_452 = arith.constant 16 : i32
        %mul3A_453 = arith.muli %scan3A_187, %mul3A_452 : i32
        %swap3A_454 = arith.constant 3 : i32
        %swap3A_455 = arith.constant 14 : i32
        %swap3A_456 = arith.index_cast %swap3A_454 : i32 to index
        %swap3A_457 = arith.index_cast %swap3A_455 : i32 to index
        %swap3A_458 = arith.index_cast %mul3A_453 : i32 to index
        %swap3A_459 = tpu.vector_load %arg8[%swap3A_456, %swap3A_457, %swap3A_458] {strides = array<i32>} : memref<4x16x512xf32, #tpu.memory_space<vmem>>, vector<16xf32>,
        tpu.vector_store %arg8[%swap3A_456, %swap3A_457, %swap3A_458], %gather3A_451 {strides = array<i32>} : memref<4x16x512xf32, #tpu.memory_space<vmem>>, vector<16xf32>,
        %lt3A_460 = arith.constant 0 : i32
        %lt3A_461 = vector.broadcast %lt3A_460 : i32 to vector<16xi32>
        %lt3A_462 = arith.cmpi slt, %get3A_192, %lt3A_461 : vector<16xi32>
        %add3A_463 = arith.constant 16 : i32
        %add3A_464 = vector.broadcast %add3A_463 : i32 to vector<16xi32>
        %add3A_465 = arith.addi %get3A_192, %add3A_464 : vector<16xi32>
        %select_n3A_466 = arith.select %lt3A_462, %add3A_465, %get3A_192 : vector<16xi1>, vector<16xi32>
        %broadcast_in_dim3A_467 = vector.shape_cast %select_n3A_466 : vector<16xi32> to vector<16x1xi32>
        %gather3A_468 = vector.shape_cast %broadcast_in_dim3A_467 : vector<16x1xi32> to vector<16xi32>
        %gather3A_469 = tpu.dynamic_gather %gather3A_77[%gather3A_468] in [0] : vector<16xf32>, vector<16xi32> -> vector<16xf32>
        %mul3A_470 = arith.constant 16 : i32
        %mul3A_471 = arith.muli %scan3A_187, %mul3A_470 : i32
        %swap3A_472 = arith.constant 3 : i32
        %swap3A_473 = arith.constant 15 : i32
        %swap3A_474 = arith.index_cast %swap3A_472 : i32 to index
        %swap3A_475 = arith.index_cast %swap3A_473 : i32 to index
        %swap3A_476 = arith.index_cast %mul3A_471 : i32 to index
        %swap3A_477 = tpu.vector_load %arg8[%swap3A_474, %swap3A_475, %swap3A_476] {strides = array<i32>} : memref<4x16x512xf32, #tpu.memory_space<vmem>>, vector<16xf32>,
        tpu.vector_store %arg8[%swap3A_474, %swap3A_475, %swap3A_476], %gather3A_469 {strides = array<i32>} : memref<4x16x512xf32, #tpu.memory_space<vmem>>, vector<16xf32>,
      }
      %scan3A_128 = arith.constant 32 : i32
      %dma_start3A_129 = arith.constant 0 : i32
      %dma_start3A_130 = tpu.memref_slice %arg4[%mul3A_100, %dma_start3A_129, %mul3A_2] : memref<200x16x16384xf32, #tpu.memory_space<hbm>> -> memref<4x16x512xf32, #tpu.memory_space<hbm>>
      %dma_start3A_131 = arith.constant 0 : i32
      %dma_start3A_132 = tpu.memref_slice %arg4[%mul3A_100, %dma_start3A_131, %mul3A_2] : memref<200x16x16384xf32, #tpu.memory_space<hbm>> -> memref<4x16x512xf32, #tpu.memory_space<hbm>>
      tpu.enqueue_dma source(%arg8 : memref<4x16x512xf32, #tpu.memory_space<vmem>>) target(%dma_start3A_132 : memref<4x16x512xf32, #tpu.memory_space<hbm>>) target_semaphore(%arg12 : memref<!tpu.dma_semaphore, #tpu.memory_space<semaphore_mem>>)
      %add3A_133 = arith.constant 1 : i32
      %add3A_134 = arith.addi %scan3A_94, %add3A_133 : i32
      %lt3A = arith.constant 25 : i32
      %lt3A_135 = arith.cmpi slt, %add3A_134, %lt3A : i32
      %convert_element_type3A_136 = arith.extui %lt3A_135 : i1 to i32
      %cond3A_137 = arith.constant 0 : i32
      %cond3A_138 = arith.cmpi ne, %convert_element_type3A_136, %cond3A_137 : i32
      scf.if %cond3A_138 {
        %add3A_187 = arith.constant 8 : i32
        %add3A_188 = arith.addi %mul3A_100, %add3A_187 : i32
        %dma_start3A_189 = tpu.memref_slice %arg2[%add3A_188, %mul3A_2] : memref<200x16384xi32, #tpu.memory_space<hbm>> -> memref<4x512xi32, #tpu.memory_space<hbm>>
        %dma_start3A_190 = tpu.memref_slice %arg2[%add3A_188, %mul3A_2] : memref<200x16384xi32, #tpu.memory_space<hbm>> -> memref<4x512xi32, #tpu.memory_space<hbm>>
        tpu.enqueue_dma source(%dma_start3A_190 : memref<4x512xi32, #tpu.memory_space<hbm>>) target(%arg6 : memref<4x512xi32, #tpu.memory_space<vmem>>) target_semaphore(%arg10 : memref<!tpu.dma_semaphore, #tpu.memory_space<semaphore_mem>>)
      } else {
      }
      %mul3A_139 = arith.constant 2 : i32
      %mul3A_140 = arith.muli %scan3A_94, %mul3A_139 : i32
      %add3A_141 = arith.constant 1 : i32
      %add3A_142 = arith.addi %mul3A_140, %add3A_141 : i32
      %mul3A_143 = arith.constant 4 : i32
      %mul3A_144 = arith.muli %add3A_142, %mul3A_143 : i32
      %ge3A_145 = arith.constant 1 : i32
      %ge3A_146 = arith.cmpi sge, %scan3A_94, %ge3A_145 : i32
      %convert_element_type3A_147 = arith.extui %ge3A_146 : i1 to i32
      %cond3A_148 = arith.constant 0 : i32
      %cond3A_149 = arith.cmpi ne, %convert_element_type3A_147, %cond3A_148 : i32
      scf.if %cond3A_149 {
        %dma_wait3A_187 = arith.constant 0 : i32
        %dma_wait3A_188 = tpu.memref_slice %arg4[%mul3A_144, %dma_wait3A_187, %mul3A_2] : memref<200x16x16384xf32, #tpu.memory_space<hbm>> -> memref<4x16x512xf32, #tpu.memory_space<hbm>>
        %dma_wait3A_189 = arith.constant 0 : i32
        %dma_wait3A_190 = tpu.memref_slice %arg4[%mul3A_144, %dma_wait3A_189, %mul3A_2] : memref<200x16x16384xf32, #tpu.memory_space<hbm>> -> memref<4x16x512xf32, #tpu.memory_space<hbm>>
        tpu.wait_dma2 semaphore(%arg13 : memref<!tpu.dma_semaphore, #tpu.memory_space<semaphore_mem>>) src(%arg9 : memref<4x16x512xf32, #tpu.memory_space<vmem>>) dst(%dma_wait3A_190 : memref<4x16x512xf32, #tpu.memory_space<hbm>>)
      } else {
      }
      %dma_wait3A_150 = tpu.memref_slice %arg2[%mul3A_144, %mul3A_2] : memref<200x16384xi32, #tpu.memory_space<hbm>> -> memref<4x512xi32, #tpu.memory_space<hbm>>
      %dma_wait3A_151 = tpu.memref_slice %arg2[%mul3A_144, %mul3A_2] : memref<200x16384xi32, #tpu.memory_space<hbm>> -> memref<4x512xi32, #tpu.memory_space<hbm>>
      tpu.wait_dma2 semaphore(%arg11 : memref<!tpu.dma_semaphore, #tpu.memory_space<semaphore_mem>>) src(%dma_wait3A_151 : memref<4x512xi32, #tpu.memory_space<hbm>>) dst(%arg7 : memref<4x512xi32, #tpu.memory_space<vmem>>)
      %scan3A_152 = arith.constant 0 : i32
      %scan3A_153 = arith.constant 0 : i32
      %scan3A_154 = arith.constant 32 : i32
      %scan3A_155 = arith.addi %scan3A_153, %scan3A_154 : i32
      %scan3A_156 = arith.constant 1 : i32
      scf.for %scan3A_187 = %scan3A_153 to %scan3A_155 step %scan3A_156  : i32 {
        %mul3A_188 = arith.constant 16 : i32
        %mul3A_189 = arith.muli %scan3A_187, %mul3A_188 : i32
        %get3A = arith.constant 0 : i32
        %get3A_190 = arith.index_cast %get3A : i32 to index
        %get3A_191 = arith.index_cast %mul3A_189 : i32 to index
        %get3A_192 = tpu.vector_load %arg7[%get3A_190, %get3A_191] {strides = array<i32>} : memref<4x512xi32, #tpu.memory_space<vmem>>, vector<16xi32>,
        %lt3A_193 = arith.constant 0 : i32
        %lt3A_194 = vector.broadcast %lt3A_193 : i32 to vector<16xi32>
        %lt3A_195 = arith.cmpi slt, %get3A_192, %lt3A_194 : vector<16xi32>
        %add3A_196 = arith.constant 16 : i32
        %add3A_197 = vector.broadcast %add3A_196 : i32 to vector<16xi32>
        %add3A_198 = arith.addi %get3A_192, %add3A_197 : vector<16xi32>
        %select_n3A = arith.select %lt3A_195, %add3A_198, %get3A_192 : vector<16xi1>, vector<16xi32>
        %broadcast_in_dim3A = vector.shape_cast %select_n3A : vector<16xi32> to vector<16x1xi32>
        %gather3A_199 = vector.shape_cast %broadcast_in_dim3A : vector<16x1xi32> to vector<16xi32>
        %gather3A_200 = tpu.dynamic_gather %gather3A[%gather3A_199] in [0] : vector<16xf32>, vector<16xi32> -> vector<16xf32>
        %mul3A_201 = arith.constant 16 : i32
        %mul3A_202 = arith.muli %scan3A_187, %mul3A_201 : i32
        %swap3A = arith.constant 0 : i32
        %swap3A_203 = arith.constant 0 : i32
        %swap3A_204 = arith.index_cast %swap3A : i32 to index
        %swap3A_205 = arith.index_cast %swap3A_203 : i32 to index
        %swap3A_206 = arith.index_cast %mul3A_202 : i32 to index
        %swap3A_207 = tpu.vector_load %arg9[%swap3A_204, %swap3A_205, %swap3A_206] {strides = array<i32>} : memref<4x16x512xf32, #tpu.memory_space<vmem>>, vector<16xf32>,
        tpu.vector_store %arg9[%swap3A_204, %swap3A_205, %swap3A_206], %gather3A_200 {strides = array<i32>} : memref<4x16x512xf32, #tpu.memory_space<vmem>>, vector<16xf32>,
        %lt3A_208 = arith.constant 0 : i32
        %lt3A_209 = vector.broadcast %lt3A_208 : i32 to vector<16xi32>
        %lt3A_210 = arith.cmpi slt, %get3A_192, %lt3A_209 : vector<16xi32>
        %add3A_211 = arith.constant 16 : i32
        %add3A_212 = vector.broadcast %add3A_211 : i32 to vector<16xi32>
        %add3A_213 = arith.addi %get3A_192, %add3A_212 : vector<16xi32>
        %select_n3A_214 = arith.select %lt3A_210, %add3A_213, %get3A_192 : vector<16xi1>, vector<16xi32>
        %broadcast_in_dim3A_215 = vector.shape_cast %select_n3A_214 : vector<16xi32> to vector<16x1xi32>
        %gather3A_216 = vector.shape_cast %broadcast_in_dim3A_215 : vector<16x1xi32> to vector<16xi32>
        %gather3A_217 = tpu.dynamic_gather %gather3A_21[%gather3A_216] in [0] : vector<16xf32>, vector<16xi32> -> vector<16xf32>
        %mul3A_218 = arith.constant 16 : i32
        %mul3A_219 = arith.muli %scan3A_187, %mul3A_218 : i32
        %swap3A_220 = arith.constant 0 : i32
        %swap3A_221 = arith.constant 1 : i32
        %swap3A_222 = arith.index_cast %swap3A_220 : i32 to index
        %swap3A_223 = arith.index_cast %swap3A_221 : i32 to index
        %swap3A_224 = arith.index_cast %mul3A_219 : i32 to index
        %swap3A_225 = tpu.vector_load %arg9[%swap3A_222, %swap3A_223, %swap3A_224] {strides = array<i32>} : memref<4x16x512xf32, #tpu.memory_space<vmem>>, vector<16xf32>,
        tpu.vector_store %arg9[%swap3A_222, %swap3A_223, %swap3A_224], %gather3A_217 {strides = array<i32>} : memref<4x16x512xf32, #tpu.memory_space<vmem>>, vector<16xf32>,
        %lt3A_226 = arith.constant 0 : i32
        %lt3A_227 = vector.broadcast %lt3A_226 : i32 to vector<16xi32>
        %lt3A_228 = arith.cmpi slt, %get3A_192, %lt3A_227 : vector<16xi32>
        %add3A_229 = arith.constant 16 : i32
        %add3A_230 = vector.broadcast %add3A_229 : i32 to vector<16xi32>
        %add3A_231 = arith.addi %get3A_192, %add3A_230 : vector<16xi32>
        %select_n3A_232 = arith.select %lt3A_228, %add3A_231, %get3A_192 : vector<16xi1>, vector<16xi32>
        %broadcast_in_dim3A_233 = vector.shape_cast %select_n3A_232 : vector<16xi32> to vector<16x1xi32>
        %gather3A_234 = vector.shape_cast %broadcast_in_dim3A_233 : vector<16x1xi32> to vector<16xi32>
        %gather3A_235 = tpu.dynamic_gather %gather3A_25[%gather3A_234] in [0] : vector<16xf32>, vector<16xi32> -> vector<16xf32>
        %mul3A_236 = arith.constant 16 : i32
        %mul3A_237 = arith.muli %scan3A_187, %mul3A_236 : i32
        %swap3A_238 = arith.constant 0 : i32
        %swap3A_239 = arith.constant 2 : i32
        %swap3A_240 = arith.index_cast %swap3A_238 : i32 to index
        %swap3A_241 = arith.index_cast %swap3A_239 : i32 to index
        %swap3A_242 = arith.index_cast %mul3A_237 : i32 to index
        %swap3A_243 = tpu.vector_load %arg9[%swap3A_240, %swap3A_241, %swap3A_242] {strides = array<i32>} : memref<4x16x512xf32, #tpu.memory_space<vmem>>, vector<16xf32>,
        tpu.vector_store %arg9[%swap3A_240, %swap3A_241, %swap3A_242], %gather3A_235 {strides = array<i32>} : memref<4x16x512xf32, #tpu.memory_space<vmem>>, vector<16xf32>,
        %lt3A_244 = arith.constant 0 : i32
        %lt3A_245 = vector.broadcast %lt3A_244 : i32 to vector<16xi32>
        %lt3A_246 = arith.cmpi slt, %get3A_192, %lt3A_245 : vector<16xi32>
        %add3A_247 = arith.constant 16 : i32
        %add3A_248 = vector.broadcast %add3A_247 : i32 to vector<16xi32>
        %add3A_249 = arith.addi %get3A_192, %add3A_248 : vector<16xi32>
        %select_n3A_250 = arith.select %lt3A_246, %add3A_249, %get3A_192 : vector<16xi1>, vector<16xi32>
        %broadcast_in_dim3A_251 = vector.shape_cast %select_n3A_250 : vector<16xi32> to vector<16x1xi32>
        %gather3A_252 = vector.shape_cast %broadcast_in_dim3A_251 : vector<16x1xi32> to vector<16xi32>
        %gather3A_253 = tpu.dynamic_gather %gather3A_29[%gather3A_252] in [0] : vector<16xf32>, vector<16xi32> -> vector<16xf32>
        %mul3A_254 = arith.constant 16 : i32
        %mul3A_255 = arith.muli %scan3A_187, %mul3A_254 : i32
        %swap3A_256 = arith.constant 0 : i32
        %swap3A_257 = arith.constant 3 : i32
        %swap3A_258 = arith.index_cast %swap3A_256 : i32 to index
        %swap3A_259 = arith.index_cast %swap3A_257 : i32 to index
        %swap3A_260 = arith.index_cast %mul3A_255 : i32 to index
        %swap3A_261 = tpu.vector_load %arg9[%swap3A_258, %swap3A_259, %swap3A_260] {strides = array<i32>} : memref<4x16x512xf32, #tpu.memory_space<vmem>>, vector<16xf32>,
        tpu.vector_store %arg9[%swap3A_258, %swap3A_259, %swap3A_260], %gather3A_253 {strides = array<i32>} : memref<4x16x512xf32, #tpu.memory_space<vmem>>, vector<16xf32>,
        %lt3A_262 = arith.constant 0 : i32
        %lt3A_263 = vector.broadcast %lt3A_262 : i32 to vector<16xi32>
        %lt3A_264 = arith.cmpi slt, %get3A_192, %lt3A_263 : vector<16xi32>
        %add3A_265 = arith.constant 16 : i32
        %add3A_266 = vector.broadcast %add3A_265 : i32 to vector<16xi32>
        %add3A_267 = arith.addi %get3A_192, %add3A_266 : vector<16xi32>
        %select_n3A_268 = arith.select %lt3A_264, %add3A_267, %get3A_192 : vector<16xi1>, vector<16xi32>
        %broadcast_in_dim3A_269 = vector.shape_cast %select_n3A_268 : vector<16xi32> to vector<16x1xi32>
        %gather3A_270 = vector.shape_cast %broadcast_in_dim3A_269 : vector<16x1xi32> to vector<16xi32>
        %gather3A_271 = tpu.dynamic_gather %gather3A_33[%gather3A_270] in [0] : vector<16xf32>, vector<16xi32> -> vector<16xf32>
        %mul3A_272 = arith.constant 16 : i32
        %mul3A_273 = arith.muli %scan3A_187, %mul3A_272 : i32
        %swap3A_274 = arith.constant 0 : i32
        %swap3A_275 = arith.constant 4 : i32
        %swap3A_276 = arith.index_cast %swap3A_274 : i32 to index
        %swap3A_277 = arith.index_cast %swap3A_275 : i32 to index
        %swap3A_278 = arith.index_cast %mul3A_273 : i32 to index
        %swap3A_279 = tpu.vector_load %arg9[%swap3A_276, %swap3A_277, %swap3A_278] {strides = array<i32>} : memref<4x16x512xf32, #tpu.memory_space<vmem>>, vector<16xf32>,
        tpu.vector_store %arg9[%swap3A_276, %swap3A_277, %swap3A_278], %gather3A_271 {strides = array<i32>} : memref<4x16x512xf32, #tpu.memory_space<vmem>>, vector<16xf32>,
        %lt3A_280 = arith.constant 0 : i32
        %lt3A_281 = vector.broadcast %lt3A_280 : i32 to vector<16xi32>
        %lt3A_282 = arith.cmpi slt, %get3A_192, %lt3A_281 : vector<16xi32>
        %add3A_283 = arith.constant 16 : i32
        %add3A_284 = vector.broadcast %add3A_283 : i32 to vector<16xi32>
        %add3A_285 = arith.addi %get3A_192, %add3A_284 : vector<16xi32>
        %select_n3A_286 = arith.select %lt3A_282, %add3A_285, %get3A_192 : vector<16xi1>, vector<16xi32>
        %broadcast_in_dim3A_287 = vector.shape_cast %select_n3A_286 : vector<16xi32> to vector<16x1xi32>
        %gather3A_288 = vector.shape_cast %broadcast_in_dim3A_287 : vector<16x1xi32> to vector<16xi32>
        %gather3A_289 = tpu.dynamic_gather %gather3A_37[%gather3A_288] in [0] : vector<16xf32>, vector<16xi32> -> vector<16xf32>
        %mul3A_290 = arith.constant 16 : i32
        %mul3A_291 = arith.muli %scan3A_187, %mul3A_290 : i32
        %swap3A_292 = arith.constant 0 : i32
        %swap3A_293 = arith.constant 5 : i32
        %swap3A_294 = arith.index_cast %swap3A_292 : i32 to index
        %swap3A_295 = arith.index_cast %swap3A_293 : i32 to index
        %swap3A_296 = arith.index_cast %mul3A_291 : i32 to index
        %swap3A_297 = tpu.vector_load %arg9[%swap3A_294, %swap3A_295, %swap3A_296] {strides = array<i32>} : memref<4x16x512xf32, #tpu.memory_space<vmem>>, vector<16xf32>,
        tpu.vector_store %arg9[%swap3A_294, %swap3A_295, %swap3A_296], %gather3A_289 {strides = array<i32>} : memref<4x16x512xf32, #tpu.memory_space<vmem>>, vector<16xf32>,
        %lt3A_298 = arith.constant 0 : i32
        %lt3A_299 = vector.broadcast %lt3A_298 : i32 to vector<16xi32>
        %lt3A_300 = arith.cmpi slt, %get3A_192, %lt3A_299 : vector<16xi32>
        %add3A_301 = arith.constant 16 : i32
        %add3A_302 = vector.broadcast %add3A_301 : i32 to vector<16xi32>
        %add3A_303 = arith.addi %get3A_192, %add3A_302 : vector<16xi32>
        %select_n3A_304 = arith.select %lt3A_300, %add3A_303, %get3A_192 : vector<16xi1>, vector<16xi32>
        %broadcast_in_dim3A_305 = vector.shape_cast %select_n3A_304 : vector<16xi32> to vector<16x1xi32>
        %gather3A_306 = vector.shape_cast %broadcast_in_dim3A_305 : vector<16x1xi32> to vector<16xi32>
        %gather3A_307 = tpu.dynamic_gather %gather3A_41[%gather3A_306] in [0] : vector<16xf32>, vector<16xi32> -> vector<16xf32>
        %mul3A_308 = arith.constant 16 : i32
        %mul3A_309 = arith.muli %scan3A_187, %mul3A_308 : i32
        %swap3A_310 = arith.constant 0 : i32
        %swap3A_311 = arith.constant 6 : i32
        %swap3A_312 = arith.index_cast %swap3A_310 : i32 to index
        %swap3A_313 = arith.index_cast %swap3A_311 : i32 to index
        %swap3A_314 = arith.index_cast %mul3A_309 : i32 to index
        %swap3A_315 = tpu.vector_load %arg9[%swap3A_312, %swap3A_313, %swap3A_314] {strides = array<i32>} : memref<4x16x512xf32, #tpu.memory_space<vmem>>, vector<16xf32>,
        tpu.vector_store %arg9[%swap3A_312, %swap3A_313, %swap3A_314], %gather3A_307 {strides = array<i32>} : memref<4x16x512xf32, #tpu.memory_space<vmem>>, vector<16xf32>,
        %lt3A_316 = arith.constant 0 : i32
        %lt3A_317 = vector.broadcast %lt3A_316 : i32 to vector<16xi32>
        %lt3A_318 = arith.cmpi slt, %get3A_192, %lt3A_317 : vector<16xi32>
        %add3A_319 = arith.constant 16 : i32
        %add3A_320 = vector.broadcast %add3A_319 : i32 to vector<16xi32>
        %add3A_321 = arith.addi %get3A_192, %add3A_320 : vector<16xi32>
        %select_n3A_322 = arith.select %lt3A_318, %add3A_321, %get3A_192 : vector<16xi1>, vector<16xi32>
        %broadcast_in_dim3A_323 = vector.shape_cast %select_n3A_322 : vector<16xi32> to vector<16x1xi32>
        %gather3A_324 = vector.shape_cast %broadcast_in_dim3A_323 : vector<16x1xi32> to vector<16xi32>
        %gather3A_325 = tpu.dynamic_gather %gather3A_45[%gather3A_324] in [0] : vector<16xf32>, vector<16xi32> -> vector<16xf32>
        %mul3A_326 = arith.constant 16 : i32
        %mul3A_327 = arith.muli %scan3A_187, %mul3A_326 : i32
        %swap3A_328 = arith.constant 0 : i32
        %swap3A_329 = arith.constant 7 : i32
        %swap3A_330 = arith.index_cast %swap3A_328 : i32 to index
        %swap3A_331 = arith.index_cast %swap3A_329 : i32 to index
        %swap3A_332 = arith.index_cast %mul3A_327 : i32 to index
        %swap3A_333 = tpu.vector_load %arg9[%swap3A_330, %swap3A_331, %swap3A_332] {strides = array<i32>} : memref<4x16x512xf32, #tpu.memory_space<vmem>>, vector<16xf32>,
        tpu.vector_store %arg9[%swap3A_330, %swap3A_331, %swap3A_332], %gather3A_325 {strides = array<i32>} : memref<4x16x512xf32, #tpu.memory_space<vmem>>, vector<16xf32>,
        %lt3A_334 = arith.constant 0 : i32
        %lt3A_335 = vector.broadcast %lt3A_334 : i32 to vector<16xi32>
        %lt3A_336 = arith.cmpi slt, %get3A_192, %lt3A_335 : vector<16xi32>
        %add3A_337 = arith.constant 16 : i32
        %add3A_338 = vector.broadcast %add3A_337 : i32 to vector<16xi32>
        %add3A_339 = arith.addi %get3A_192, %add3A_338 : vector<16xi32>
        %select_n3A_340 = arith.select %lt3A_336, %add3A_339, %get3A_192 : vector<16xi1>, vector<16xi32>
        %broadcast_in_dim3A_341 = vector.shape_cast %select_n3A_340 : vector<16xi32> to vector<16x1xi32>
        %gather3A_342 = vector.shape_cast %broadcast_in_dim3A_341 : vector<16x1xi32> to vector<16xi32>
        %gather3A_343 = tpu.dynamic_gather %gather3A_49[%gather3A_342] in [0] : vector<16xf32>, vector<16xi32> -> vector<16xf32>
        %mul3A_344 = arith.constant 16 : i32
        %mul3A_345 = arith.muli %scan3A_187, %mul3A_344 : i32
        %swap3A_346 = arith.constant 0 : i32
        %swap3A_347 = arith.constant 8 : i32
        %swap3A_348 = arith.index_cast %swap3A_346 : i32 to index
        %swap3A_349 = arith.index_cast %swap3A_347 : i32 to index
        %swap3A_350 = arith.index_cast %mul3A_345 : i32 to index
        %swap3A_351 = tpu.vector_load %arg9[%swap3A_348, %swap3A_349, %swap3A_350] {strides = array<i32>} : memref<4x16x512xf32, #tpu.memory_space<vmem>>, vector<16xf32>,
        tpu.vector_store %arg9[%swap3A_348, %swap3A_349, %swap3A_350], %gather3A_343 {strides = array<i32>} : memref<4x16x512xf32, #tpu.memory_space<vmem>>, vector<16xf32>,
        %lt3A_352 = arith.constant 0 : i32
        %lt3A_353 = vector.broadcast %lt3A_352 : i32 to vector<16xi32>
        %lt3A_354 = arith.cmpi slt, %get3A_192, %lt3A_353 : vector<16xi32>
        %add3A_355 = arith.constant 16 : i32
        %add3A_356 = vector.broadcast %add3A_355 : i32 to vector<16xi32>
        %add3A_357 = arith.addi %get3A_192, %add3A_356 : vector<16xi32>
        %select_n3A_358 = arith.select %lt3A_354, %add3A_357, %get3A_192 : vector<16xi1>, vector<16xi32>
        %broadcast_in_dim3A_359 = vector.shape_cast %select_n3A_358 : vector<16xi32> to vector<16x1xi32>
        %gather3A_360 = vector.shape_cast %broadcast_in_dim3A_359 : vector<16x1xi32> to vector<16xi32>
        %gather3A_361 = tpu.dynamic_gather %gather3A_53[%gather3A_360] in [0] : vector<16xf32>, vector<16xi32> -> vector<16xf32>
        %mul3A_362 = arith.constant 16 : i32
        %mul3A_363 = arith.muli %scan3A_187, %mul3A_362 : i32
        %swap3A_364 = arith.constant 0 : i32
        %swap3A_365 = arith.constant 9 : i32
        %swap3A_366 = arith.index_cast %swap3A_364 : i32 to index
        %swap3A_367 = arith.index_cast %swap3A_365 : i32 to index
        %swap3A_368 = arith.index_cast %mul3A_363 : i32 to index
        %swap3A_369 = tpu.vector_load %arg9[%swap3A_366, %swap3A_367, %swap3A_368] {strides = array<i32>} : memref<4x16x512xf32, #tpu.memory_space<vmem>>, vector<16xf32>,
        tpu.vector_store %arg9[%swap3A_366, %swap3A_367, %swap3A_368], %gather3A_361 {strides = array<i32>} : memref<4x16x512xf32, #tpu.memory_space<vmem>>, vector<16xf32>,
        %lt3A_370 = arith.constant 0 : i32
        %lt3A_371 = vector.broadcast %lt3A_370 : i32 to vector<16xi32>
        %lt3A_372 = arith.cmpi slt, %get3A_192, %lt3A_371 : vector<16xi32>
        %add3A_373 = arith.constant 16 : i32
        %add3A_374 = vector.broadcast %add3A_373 : i32 to vector<16xi32>
        %add3A_375 = arith.addi %get3A_192, %add3A_374 : vector<16xi32>
        %select_n3A_376 = arith.select %lt3A_372, %add3A_375, %get3A_192 : vector<16xi1>, vector<16xi32>
        %broadcast_in_dim3A_377 = vector.shape_cast %select_n3A_376 : vector<16xi32> to vector<16x1xi32>
        %gather3A_378 = vector.shape_cast %broadcast_in_dim3A_377 : vector<16x1xi32> to vector<16xi32>
        %gather3A_379 = tpu.dynamic_gather %gather3A_57[%gather3A_378] in [0] : vector<16xf32>, vector<16xi32> -> vector<16xf32>
        %mul3A_380 = arith.constant 16 : i32
        %mul3A_381 = arith.muli %scan3A_187, %mul3A_380 : i32
        %swap3A_382 = arith.constant 0 : i32
        %swap3A_383 = arith.constant 10 : i32
        %swap3A_384 = arith.index_cast %swap3A_382 : i32 to index
        %swap3A_385 = arith.index_cast %swap3A_383 : i32 to index
        %swap3A_386 = arith.index_cast %mul3A_381 : i32 to index
        %swap3A_387 = tpu.vector_load %arg9[%swap3A_384, %swap3A_385, %swap3A_386] {strides = array<i32>} : memref<4x16x512xf32, #tpu.memory_space<vmem>>, vector<16xf32>,
        tpu.vector_store %arg9[%swap3A_384, %swap3A_385, %swap3A_386], %gather3A_379 {strides = array<i32>} : memref<4x16x512xf32, #tpu.memory_space<vmem>>, vector<16xf32>,
        %lt3A_388 = arith.constant 0 : i32
        %lt3A_389 = vector.broadcast %lt3A_388 : i32 to vector<16xi32>
        %lt3A_390 = arith.cmpi slt, %get3A_192, %lt3A_389 : vector<16xi32>
        %add3A_391 = arith.constant 16 : i32
        %add3A_392 = vector.broadcast %add3A_391 : i32 to vector<16xi32>
        %add3A_393 = arith.addi %get3A_192, %add3A_392 : vector<16xi32>
        %select_n3A_394 = arith.select %lt3A_390, %add3A_393, %get3A_192 : vector<16xi1>, vector<16xi32>
        %broadcast_in_dim3A_395 = vector.shape_cast %select_n3A_394 : vector<16xi32> to vector<16x1xi32>
        %gather3A_396 = vector.shape_cast %broadcast_in_dim3A_395 : vector<16x1xi32> to vector<16xi32>
        %gather3A_397 = tpu.dynamic_gather %gather3A_61[%gather3A_396] in [0] : vector<16xf32>, vector<16xi32> -> vector<16xf32>
        %mul3A_398 = arith.constant 16 : i32
        %mul3A_399 = arith.muli %scan3A_187, %mul3A_398 : i32
        %swap3A_400 = arith.constant 0 : i32
        %swap3A_401 = arith.constant 11 : i32
        %swap3A_402 = arith.index_cast %swap3A_400 : i32 to index
        %swap3A_403 = arith.index_cast %swap3A_401 : i32 to index
        %swap3A_404 = arith.index_cast %mul3A_399 : i32 to index
        %swap3A_405 = tpu.vector_load %arg9[%swap3A_402, %swap3A_403, %swap3A_404] {strides = array<i32>} : memref<4x16x512xf32, #tpu.memory_space<vmem>>, vector<16xf32>,
        tpu.vector_store %arg9[%swap3A_402, %swap3A_403, %swap3A_404], %gather3A_397 {strides = array<i32>} : memref<4x16x512xf32, #tpu.memory_space<vmem>>, vector<16xf32>,
        %lt3A_406 = arith.constant 0 : i32
        %lt3A_407 = vector.broadcast %lt3A_406 : i32 to vector<16xi32>
        %lt3A_408 = arith.cmpi slt, %get3A_192, %lt3A_407 : vector<16xi32>
        %add3A_409 = arith.constant 16 : i32
        %add3A_410 = vector.broadcast %add3A_409 : i32 to vector<16xi32>
        %add3A_411 = arith.addi %get3A_192, %add3A_410 : vector<16xi32>
        %select_n3A_412 = arith.select %lt3A_408, %add3A_411, %get3A_192 : vector<16xi1>, vector<16xi32>
        %broadcast_in_dim3A_413 = vector.shape_cast %select_n3A_412 : vector<16xi32> to vector<16x1xi32>
        %gather3A_414 = vector.shape_cast %broadcast_in_dim3A_413 : vector<16x1xi32> to vector<16xi32>
        %gather3A_415 = tpu.dynamic_gather %gather3A_65[%gather3A_414] in [0] : vector<16xf32>, vector<16xi32> -> vector<16xf32>
        %mul3A_416 = arith.constant 16 : i32
        %mul3A_417 = arith.muli %scan3A_187, %mul3A_416 : i32
        %swap3A_418 = arith.constant 0 : i32
        %swap3A_419 = arith.constant 12 : i32
        %swap3A_420 = arith.index_cast %swap3A_418 : i32 to index
        %swap3A_421 = arith.index_cast %swap3A_419 : i32 to index
        %swap3A_422 = arith.index_cast %mul3A_417 : i32 to index
        %swap3A_423 = tpu.vector_load %arg9[%swap3A_420, %swap3A_421, %swap3A_422] {strides = array<i32>} : memref<4x16x512xf32, #tpu.memory_space<vmem>>, vector<16xf32>,
        tpu.vector_store %arg9[%swap3A_420, %swap3A_421, %swap3A_422], %gather3A_415 {strides = array<i32>} : memref<4x16x512xf32, #tpu.memory_space<vmem>>, vector<16xf32>,
        %lt3A_424 = arith.constant 0 : i32
        %lt3A_425 = vector.broadcast %lt3A_424 : i32 to vector<16xi32>
        %lt3A_426 = arith.cmpi slt, %get3A_192, %lt3A_425 : vector<16xi32>
        %add3A_427 = arith.constant 16 : i32
        %add3A_428 = vector.broadcast %add3A_427 : i32 to vector<16xi32>
        %add3A_429 = arith.addi %get3A_192, %add3A_428 : vector<16xi32>
        %select_n3A_430 = arith.select %lt3A_426, %add3A_429, %get3A_192 : vector<16xi1>, vector<16xi32>
        %broadcast_in_dim3A_431 = vector.shape_cast %select_n3A_430 : vector<16xi32> to vector<16x1xi32>
        %gather3A_432 = vector.shape_cast %broadcast_in_dim3A_431 : vector<16x1xi32> to vector<16xi32>
        %gather3A_433 = tpu.dynamic_gather %gather3A_69[%gather3A_432] in [0] : vector<16xf32>, vector<16xi32> -> vector<16xf32>
        %mul3A_434 = arith.constant 16 : i32
        %mul3A_435 = arith.muli %scan3A_187, %mul3A_434 : i32
        %swap3A_436 = arith.constant 0 : i32
        %swap3A_437 = arith.constant 13 : i32
        %swap3A_438 = arith.index_cast %swap3A_436 : i32 to index
        %swap3A_439 = arith.index_cast %swap3A_437 : i32 to index
        %swap3A_440 = arith.index_cast %mul3A_435 : i32 to index
        %swap3A_441 = tpu.vector_load %arg9[%swap3A_438, %swap3A_439, %swap3A_440] {strides = array<i32>} : memref<4x16x512xf32, #tpu.memory_space<vmem>>, vector<16xf32>,
        tpu.vector_store %arg9[%swap3A_438, %swap3A_439, %swap3A_440], %gather3A_433 {strides = array<i32>} : memref<4x16x512xf32, #tpu.memory_space<vmem>>, vector<16xf32>,
        %lt3A_442 = arith.constant 0 : i32
        %lt3A_443 = vector.broadcast %lt3A_442 : i32 to vector<16xi32>
        %lt3A_444 = arith.cmpi slt, %get3A_192, %lt3A_443 : vector<16xi32>
        %add3A_445 = arith.constant 16 : i32
        %add3A_446 = vector.broadcast %add3A_445 : i32 to vector<16xi32>
        %add3A_447 = arith.addi %get3A_192, %add3A_446 : vector<16xi32>
        %select_n3A_448 = arith.select %lt3A_444, %add3A_447, %get3A_192 : vector<16xi1>, vector<16xi32>
        %broadcast_in_dim3A_449 = vector.shape_cast %select_n3A_448 : vector<16xi32> to vector<16x1xi32>
        %gather3A_450 = vector.shape_cast %broadcast_in_dim3A_449 : vector<16x1xi32> to vector<16xi32>
        %gather3A_451 = tpu.dynamic_gather %gather3A_73[%gather3A_450] in [0] : vector<16xf32>, vector<16xi32> -> vector<16xf32>
        %mul3A_452 = arith.constant 16 : i32
        %mul3A_453 = arith.muli %scan3A_187, %mul3A_452 : i32
        %swap3A_454 = arith.constant 0 : i32
        %swap3A_455 = arith.constant 14 : i32
        %swap3A_456 = arith.index_cast %swap3A_454 : i32 to index
        %swap3A_457 = arith.index_cast %swap3A_455 : i32 to index
        %swap3A_458 = arith.index_cast %mul3A_453 : i32 to index
        %swap3A_459 = tpu.vector_load %arg9[%swap3A_456, %swap3A_457, %swap3A_458] {strides = array<i32>} : memref<4x16x512xf32, #tpu.memory_space<vmem>>, vector<16xf32>,
        tpu.vector_store %arg9[%swap3A_456, %swap3A_457, %swap3A_458], %gather3A_451 {strides = array<i32>} : memref<4x16x512xf32, #tpu.memory_space<vmem>>, vector<16xf32>,
        %lt3A_460 = arith.constant 0 : i32
        %lt3A_461 = vector.broadcast %lt3A_460 : i32 to vector<16xi32>
        %lt3A_462 = arith.cmpi slt, %get3A_192, %lt3A_461 : vector<16xi32>
        %add3A_463 = arith.constant 16 : i32
        %add3A_464 = vector.broadcast %add3A_463 : i32 to vector<16xi32>
        %add3A_465 = arith.addi %get3A_192, %add3A_464 : vector<16xi32>
        %select_n3A_466 = arith.select %lt3A_462, %add3A_465, %get3A_192 : vector<16xi1>, vector<16xi32>
        %broadcast_in_dim3A_467 = vector.shape_cast %select_n3A_466 : vector<16xi32> to vector<16x1xi32>
        %gather3A_468 = vector.shape_cast %broadcast_in_dim3A_467 : vector<16x1xi32> to vector<16xi32>
        %gather3A_469 = tpu.dynamic_gather %gather3A_77[%gather3A_468] in [0] : vector<16xf32>, vector<16xi32> -> vector<16xf32>
        %mul3A_470 = arith.constant 16 : i32
        %mul3A_471 = arith.muli %scan3A_187, %mul3A_470 : i32
        %swap3A_472 = arith.constant 0 : i32
        %swap3A_473 = arith.constant 15 : i32
        %swap3A_474 = arith.index_cast %swap3A_472 : i32 to index
        %swap3A_475 = arith.index_cast %swap3A_473 : i32 to index
        %swap3A_476 = arith.index_cast %mul3A_471 : i32 to index
        %swap3A_477 = tpu.vector_load %arg9[%swap3A_474, %swap3A_475, %swap3A_476] {strides = array<i32>} : memref<4x16x512xf32, #tpu.memory_space<vmem>>, vector<16xf32>,
        tpu.vector_store %arg9[%swap3A_474, %swap3A_475, %swap3A_476], %gather3A_469 {strides = array<i32>} : memref<4x16x512xf32, #tpu.memory_space<vmem>>, vector<16xf32>,
      }
      %scan3A_157 = arith.constant 32 : i32
      %scan3A_158 = arith.constant 0 : i32
      %scan3A_159 = arith.constant 0 : i32
      %scan3A_160 = arith.constant 32 : i32
      %scan3A_161 = arith.addi %scan3A_159, %scan3A_160 : i32
      %scan3A_162 = arith.constant 1 : i32
      scf.for %scan3A_187 = %scan3A_159 to %scan3A_161 step %scan3A_162  : i32 {
        %mul3A_188 = arith.constant 16 : i32
        %mul3A_189 = arith.muli %scan3A_187, %mul3A_188 : i32
        %get3A = arith.constant 1 : i32
        %get3A_190 = arith.index_cast %get3A : i32 to index
        %get3A_191 = arith.index_cast %mul3A_189 : i32 to index
        %get3A_192 = tpu.vector_load %arg7[%get3A_190, %get3A_191] {strides = array<i32>} : memref<4x512xi32, #tpu.memory_space<vmem>>, vector<16xi32>,
        %lt3A_193 = arith.constant 0 : i32
        %lt3A_194 = vector.broadcast %lt3A_193 : i32 to vector<16xi32>
        %lt3A_195 = arith.cmpi slt, %get3A_192, %lt3A_194 : vector<16xi32>
        %add3A_196 = arith.constant 16 : i32
        %add3A_197 = vector.broadcast %add3A_196 : i32 to vector<16xi32>
        %add3A_198 = arith.addi %get3A_192, %add3A_197 : vector<16xi32>
        %select_n3A = arith.select %lt3A_195, %add3A_198, %get3A_192 : vector<16xi1>, vector<16xi32>
        %broadcast_in_dim3A = vector.shape_cast %select_n3A : vector<16xi32> to vector<16x1xi32>
        %gather3A_199 = vector.shape_cast %broadcast_in_dim3A : vector<16x1xi32> to vector<16xi32>
        %gather3A_200 = tpu.dynamic_gather %gather3A[%gather3A_199] in [0] : vector<16xf32>, vector<16xi32> -> vector<16xf32>
        %mul3A_201 = arith.constant 16 : i32
        %mul3A_202 = arith.muli %scan3A_187, %mul3A_201 : i32
        %swap3A = arith.constant 1 : i32
        %swap3A_203 = arith.constant 0 : i32
        %swap3A_204 = arith.index_cast %swap3A : i32 to index
        %swap3A_205 = arith.index_cast %swap3A_203 : i32 to index
        %swap3A_206 = arith.index_cast %mul3A_202 : i32 to index
        %swap3A_207 = tpu.vector_load %arg9[%swap3A_204, %swap3A_205, %swap3A_206] {strides = array<i32>} : memref<4x16x512xf32, #tpu.memory_space<vmem>>, vector<16xf32>,
        tpu.vector_store %arg9[%swap3A_204, %swap3A_205, %swap3A_206], %gather3A_200 {strides = array<i32>} : memref<4x16x512xf32, #tpu.memory_space<vmem>>, vector<16xf32>,
        %lt3A_208 = arith.constant 0 : i32
        %lt3A_209 = vector.broadcast %lt3A_208 : i32 to vector<16xi32>
        %lt3A_210 = arith.cmpi slt, %get3A_192, %lt3A_209 : vector<16xi32>
        %add3A_211 = arith.constant 16 : i32
        %add3A_212 = vector.broadcast %add3A_211 : i32 to vector<16xi32>
        %add3A_213 = arith.addi %get3A_192, %add3A_212 : vector<16xi32>
        %select_n3A_214 = arith.select %lt3A_210, %add3A_213, %get3A_192 : vector<16xi1>, vector<16xi32>
        %broadcast_in_dim3A_215 = vector.shape_cast %select_n3A_214 : vector<16xi32> to vector<16x1xi32>
        %gather3A_216 = vector.shape_cast %broadcast_in_dim3A_215 : vector<16x1xi32> to vector<16xi32>
        %gather3A_217 = tpu.dynamic_gather %gather3A_21[%gather3A_216] in [0] : vector<16xf32>, vector<16xi32> -> vector<16xf32>
        %mul3A_218 = arith.constant 16 : i32
        %mul3A_219 = arith.muli %scan3A_187, %mul3A_218 : i32
        %swap3A_220 = arith.constant 1 : i32
        %swap3A_221 = arith.constant 1 : i32
        %swap3A_222 = arith.index_cast %swap3A_220 : i32 to index
        %swap3A_223 = arith.index_cast %swap3A_221 : i32 to index
        %swap3A_224 = arith.index_cast %mul3A_219 : i32 to index
        %swap3A_225 = tpu.vector_load %arg9[%swap3A_222, %swap3A_223, %swap3A_224] {strides = array<i32>} : memref<4x16x512xf32, #tpu.memory_space<vmem>>, vector<16xf32>,
        tpu.vector_store %arg9[%swap3A_222, %swap3A_223, %swap3A_224], %gather3A_217 {strides = array<i32>} : memref<4x16x512xf32, #tpu.memory_space<vmem>>, vector<16xf32>,
        %lt3A_226 = arith.constant 0 : i32
        %lt3A_227 = vector.broadcast %lt3A_226 : i32 to vector<16xi32>
        %lt3A_228 = arith.cmpi slt, %get3A_192, %lt3A_227 : vector<16xi32>
        %add3A_229 = arith.constant 16 : i32
        %add3A_230 = vector.broadcast %add3A_229 : i32 to vector<16xi32>
        %add3A_231 = arith.addi %get3A_192, %add3A_230 : vector<16xi32>
        %select_n3A_232 = arith.select %lt3A_228, %add3A_231, %get3A_192 : vector<16xi1>, vector<16xi32>
        %broadcast_in_dim3A_233 = vector.shape_cast %select_n3A_232 : vector<16xi32> to vector<16x1xi32>
        %gather3A_234 = vector.shape_cast %broadcast_in_dim3A_233 : vector<16x1xi32> to vector<16xi32>
        %gather3A_235 = tpu.dynamic_gather %gather3A_25[%gather3A_234] in [0] : vector<16xf32>, vector<16xi32> -> vector<16xf32>
        %mul3A_236 = arith.constant 16 : i32
        %mul3A_237 = arith.muli %scan3A_187, %mul3A_236 : i32
        %swap3A_238 = arith.constant 1 : i32
        %swap3A_239 = arith.constant 2 : i32
        %swap3A_240 = arith.index_cast %swap3A_238 : i32 to index
        %swap3A_241 = arith.index_cast %swap3A_239 : i32 to index
        %swap3A_242 = arith.index_cast %mul3A_237 : i32 to index
        %swap3A_243 = tpu.vector_load %arg9[%swap3A_240, %swap3A_241, %swap3A_242] {strides = array<i32>} : memref<4x16x512xf32, #tpu.memory_space<vmem>>, vector<16xf32>,
        tpu.vector_store %arg9[%swap3A_240, %swap3A_241, %swap3A_242], %gather3A_235 {strides = array<i32>} : memref<4x16x512xf32, #tpu.memory_space<vmem>>, vector<16xf32>,
        %lt3A_244 = arith.constant 0 : i32
        %lt3A_245 = vector.broadcast %lt3A_244 : i32 to vector<16xi32>
        %lt3A_246 = arith.cmpi slt, %get3A_192, %lt3A_245 : vector<16xi32>
        %add3A_247 = arith.constant 16 : i32
        %add3A_248 = vector.broadcast %add3A_247 : i32 to vector<16xi32>
        %add3A_249 = arith.addi %get3A_192, %add3A_248 : vector<16xi32>
        %select_n3A_250 = arith.select %lt3A_246, %add3A_249, %get3A_192 : vector<16xi1>, vector<16xi32>
        %broadcast_in_dim3A_251 = vector.shape_cast %select_n3A_250 : vector<16xi32> to vector<16x1xi32>
        %gather3A_252 = vector.shape_cast %broadcast_in_dim3A_251 : vector<16x1xi32> to vector<16xi32>
        %gather3A_253 = tpu.dynamic_gather %gather3A_29[%gather3A_252] in [0] : vector<16xf32>, vector<16xi32> -> vector<16xf32>
        %mul3A_254 = arith.constant 16 : i32
        %mul3A_255 = arith.muli %scan3A_187, %mul3A_254 : i32
        %swap3A_256 = arith.constant 1 : i32
        %swap3A_257 = arith.constant 3 : i32
        %swap3A_258 = arith.index_cast %swap3A_256 : i32 to index
        %swap3A_259 = arith.index_cast %swap3A_257 : i32 to index
        %swap3A_260 = arith.index_cast %mul3A_255 : i32 to index
        %swap3A_261 = tpu.vector_load %arg9[%swap3A_258, %swap3A_259, %swap3A_260] {strides = array<i32>} : memref<4x16x512xf32, #tpu.memory_space<vmem>>, vector<16xf32>,
        tpu.vector_store %arg9[%swap3A_258, %swap3A_259, %swap3A_260], %gather3A_253 {strides = array<i32>} : memref<4x16x512xf32, #tpu.memory_space<vmem>>, vector<16xf32>,
        %lt3A_262 = arith.constant 0 : i32
        %lt3A_263 = vector.broadcast %lt3A_262 : i32 to vector<16xi32>
        %lt3A_264 = arith.cmpi slt, %get3A_192, %lt3A_263 : vector<16xi32>
        %add3A_265 = arith.constant 16 : i32
        %add3A_266 = vector.broadcast %add3A_265 : i32 to vector<16xi32>
        %add3A_267 = arith.addi %get3A_192, %add3A_266 : vector<16xi32>
        %select_n3A_268 = arith.select %lt3A_264, %add3A_267, %get3A_192 : vector<16xi1>, vector<16xi32>
        %broadcast_in_dim3A_269 = vector.shape_cast %select_n3A_268 : vector<16xi32> to vector<16x1xi32>
        %gather3A_270 = vector.shape_cast %broadcast_in_dim3A_269 : vector<16x1xi32> to vector<16xi32>
        %gather3A_271 = tpu.dynamic_gather %gather3A_33[%gather3A_270] in [0] : vector<16xf32>, vector<16xi32> -> vector<16xf32>
        %mul3A_272 = arith.constant 16 : i32
        %mul3A_273 = arith.muli %scan3A_187, %mul3A_272 : i32
        %swap3A_274 = arith.constant 1 : i32
        %swap3A_275 = arith.constant 4 : i32
        %swap3A_276 = arith.index_cast %swap3A_274 : i32 to index
        %swap3A_277 = arith.index_cast %swap3A_275 : i32 to index
        %swap3A_278 = arith.index_cast %mul3A_273 : i32 to index
        %swap3A_279 = tpu.vector_load %arg9[%swap3A_276, %swap3A_277, %swap3A_278] {strides = array<i32>} : memref<4x16x512xf32, #tpu.memory_space<vmem>>, vector<16xf32>,
        tpu.vector_store %arg9[%swap3A_276, %swap3A_277, %swap3A_278], %gather3A_271 {strides = array<i32>} : memref<4x16x512xf32, #tpu.memory_space<vmem>>, vector<16xf32>,
        %lt3A_280 = arith.constant 0 : i32
        %lt3A_281 = vector.broadcast %lt3A_280 : i32 to vector<16xi32>
        %lt3A_282 = arith.cmpi slt, %get3A_192, %lt3A_281 : vector<16xi32>
        %add3A_283 = arith.constant 16 : i32
        %add3A_284 = vector.broadcast %add3A_283 : i32 to vector<16xi32>
        %add3A_285 = arith.addi %get3A_192, %add3A_284 : vector<16xi32>
        %select_n3A_286 = arith.select %lt3A_282, %add3A_285, %get3A_192 : vector<16xi1>, vector<16xi32>
        %broadcast_in_dim3A_287 = vector.shape_cast %select_n3A_286 : vector<16xi32> to vector<16x1xi32>
        %gather3A_288 = vector.shape_cast %broadcast_in_dim3A_287 : vector<16x1xi32> to vector<16xi32>
        %gather3A_289 = tpu.dynamic_gather %gather3A_37[%gather3A_288] in [0] : vector<16xf32>, vector<16xi32> -> vector<16xf32>
        %mul3A_290 = arith.constant 16 : i32
        %mul3A_291 = arith.muli %scan3A_187, %mul3A_290 : i32
        %swap3A_292 = arith.constant 1 : i32
        %swap3A_293 = arith.constant 5 : i32
        %swap3A_294 = arith.index_cast %swap3A_292 : i32 to index
        %swap3A_295 = arith.index_cast %swap3A_293 : i32 to index
        %swap3A_296 = arith.index_cast %mul3A_291 : i32 to index
        %swap3A_297 = tpu.vector_load %arg9[%swap3A_294, %swap3A_295, %swap3A_296] {strides = array<i32>} : memref<4x16x512xf32, #tpu.memory_space<vmem>>, vector<16xf32>,
        tpu.vector_store %arg9[%swap3A_294, %swap3A_295, %swap3A_296], %gather3A_289 {strides = array<i32>} : memref<4x16x512xf32, #tpu.memory_space<vmem>>, vector<16xf32>,
        %lt3A_298 = arith.constant 0 : i32
        %lt3A_299 = vector.broadcast %lt3A_298 : i32 to vector<16xi32>
        %lt3A_300 = arith.cmpi slt, %get3A_192, %lt3A_299 : vector<16xi32>
        %add3A_301 = arith.constant 16 : i32
        %add3A_302 = vector.broadcast %add3A_301 : i32 to vector<16xi32>
        %add3A_303 = arith.addi %get3A_192, %add3A_302 : vector<16xi32>
        %select_n3A_304 = arith.select %lt3A_300, %add3A_303, %get3A_192 : vector<16xi1>, vector<16xi32>
        %broadcast_in_dim3A_305 = vector.shape_cast %select_n3A_304 : vector<16xi32> to vector<16x1xi32>
        %gather3A_306 = vector.shape_cast %broadcast_in_dim3A_305 : vector<16x1xi32> to vector<16xi32>
        %gather3A_307 = tpu.dynamic_gather %gather3A_41[%gather3A_306] in [0] : vector<16xf32>, vector<16xi32> -> vector<16xf32>
        %mul3A_308 = arith.constant 16 : i32
        %mul3A_309 = arith.muli %scan3A_187, %mul3A_308 : i32
        %swap3A_310 = arith.constant 1 : i32
        %swap3A_311 = arith.constant 6 : i32
        %swap3A_312 = arith.index_cast %swap3A_310 : i32 to index
        %swap3A_313 = arith.index_cast %swap3A_311 : i32 to index
        %swap3A_314 = arith.index_cast %mul3A_309 : i32 to index
        %swap3A_315 = tpu.vector_load %arg9[%swap3A_312, %swap3A_313, %swap3A_314] {strides = array<i32>} : memref<4x16x512xf32, #tpu.memory_space<vmem>>, vector<16xf32>,
        tpu.vector_store %arg9[%swap3A_312, %swap3A_313, %swap3A_314], %gather3A_307 {strides = array<i32>} : memref<4x16x512xf32, #tpu.memory_space<vmem>>, vector<16xf32>,
        %lt3A_316 = arith.constant 0 : i32
        %lt3A_317 = vector.broadcast %lt3A_316 : i32 to vector<16xi32>
        %lt3A_318 = arith.cmpi slt, %get3A_192, %lt3A_317 : vector<16xi32>
        %add3A_319 = arith.constant 16 : i32
        %add3A_320 = vector.broadcast %add3A_319 : i32 to vector<16xi32>
        %add3A_321 = arith.addi %get3A_192, %add3A_320 : vector<16xi32>
        %select_n3A_322 = arith.select %lt3A_318, %add3A_321, %get3A_192 : vector<16xi1>, vector<16xi32>
        %broadcast_in_dim3A_323 = vector.shape_cast %select_n3A_322 : vector<16xi32> to vector<16x1xi32>
        %gather3A_324 = vector.shape_cast %broadcast_in_dim3A_323 : vector<16x1xi32> to vector<16xi32>
        %gather3A_325 = tpu.dynamic_gather %gather3A_45[%gather3A_324] in [0] : vector<16xf32>, vector<16xi32> -> vector<16xf32>
        %mul3A_326 = arith.constant 16 : i32
        %mul3A_327 = arith.muli %scan3A_187, %mul3A_326 : i32
        %swap3A_328 = arith.constant 1 : i32
        %swap3A_329 = arith.constant 7 : i32
        %swap3A_330 = arith.index_cast %swap3A_328 : i32 to index
        %swap3A_331 = arith.index_cast %swap3A_329 : i32 to index
        %swap3A_332 = arith.index_cast %mul3A_327 : i32 to index
        %swap3A_333 = tpu.vector_load %arg9[%swap3A_330, %swap3A_331, %swap3A_332] {strides = array<i32>} : memref<4x16x512xf32, #tpu.memory_space<vmem>>, vector<16xf32>,
        tpu.vector_store %arg9[%swap3A_330, %swap3A_331, %swap3A_332], %gather3A_325 {strides = array<i32>} : memref<4x16x512xf32, #tpu.memory_space<vmem>>, vector<16xf32>,
        %lt3A_334 = arith.constant 0 : i32
        %lt3A_335 = vector.broadcast %lt3A_334 : i32 to vector<16xi32>
        %lt3A_336 = arith.cmpi slt, %get3A_192, %lt3A_335 : vector<16xi32>
        %add3A_337 = arith.constant 16 : i32
        %add3A_338 = vector.broadcast %add3A_337 : i32 to vector<16xi32>
        %add3A_339 = arith.addi %get3A_192, %add3A_338 : vector<16xi32>
        %select_n3A_340 = arith.select %lt3A_336, %add3A_339, %get3A_192 : vector<16xi1>, vector<16xi32>
        %broadcast_in_dim3A_341 = vector.shape_cast %select_n3A_340 : vector<16xi32> to vector<16x1xi32>
        %gather3A_342 = vector.shape_cast %broadcast_in_dim3A_341 : vector<16x1xi32> to vector<16xi32>
        %gather3A_343 = tpu.dynamic_gather %gather3A_49[%gather3A_342] in [0] : vector<16xf32>, vector<16xi32> -> vector<16xf32>
        %mul3A_344 = arith.constant 16 : i32
        %mul3A_345 = arith.muli %scan3A_187, %mul3A_344 : i32
        %swap3A_346 = arith.constant 1 : i32
        %swap3A_347 = arith.constant 8 : i32
        %swap3A_348 = arith.index_cast %swap3A_346 : i32 to index
        %swap3A_349 = arith.index_cast %swap3A_347 : i32 to index
        %swap3A_350 = arith.index_cast %mul3A_345 : i32 to index
        %swap3A_351 = tpu.vector_load %arg9[%swap3A_348, %swap3A_349, %swap3A_350] {strides = array<i32>} : memref<4x16x512xf32, #tpu.memory_space<vmem>>, vector<16xf32>,
        tpu.vector_store %arg9[%swap3A_348, %swap3A_349, %swap3A_350], %gather3A_343 {strides = array<i32>} : memref<4x16x512xf32, #tpu.memory_space<vmem>>, vector<16xf32>,
        %lt3A_352 = arith.constant 0 : i32
        %lt3A_353 = vector.broadcast %lt3A_352 : i32 to vector<16xi32>
        %lt3A_354 = arith.cmpi slt, %get3A_192, %lt3A_353 : vector<16xi32>
        %add3A_355 = arith.constant 16 : i32
        %add3A_356 = vector.broadcast %add3A_355 : i32 to vector<16xi32>
        %add3A_357 = arith.addi %get3A_192, %add3A_356 : vector<16xi32>
        %select_n3A_358 = arith.select %lt3A_354, %add3A_357, %get3A_192 : vector<16xi1>, vector<16xi32>
        %broadcast_in_dim3A_359 = vector.shape_cast %select_n3A_358 : vector<16xi32> to vector<16x1xi32>
        %gather3A_360 = vector.shape_cast %broadcast_in_dim3A_359 : vector<16x1xi32> to vector<16xi32>
        %gather3A_361 = tpu.dynamic_gather %gather3A_53[%gather3A_360] in [0] : vector<16xf32>, vector<16xi32> -> vector<16xf32>
        %mul3A_362 = arith.constant 16 : i32
        %mul3A_363 = arith.muli %scan3A_187, %mul3A_362 : i32
        %swap3A_364 = arith.constant 1 : i32
        %swap3A_365 = arith.constant 9 : i32
        %swap3A_366 = arith.index_cast %swap3A_364 : i32 to index
        %swap3A_367 = arith.index_cast %swap3A_365 : i32 to index
        %swap3A_368 = arith.index_cast %mul3A_363 : i32 to index
        %swap3A_369 = tpu.vector_load %arg9[%swap3A_366, %swap3A_367, %swap3A_368] {strides = array<i32>} : memref<4x16x512xf32, #tpu.memory_space<vmem>>, vector<16xf32>,
        tpu.vector_store %arg9[%swap3A_366, %swap3A_367, %swap3A_368], %gather3A_361 {strides = array<i32>} : memref<4x16x512xf32, #tpu.memory_space<vmem>>, vector<16xf32>,
        %lt3A_370 = arith.constant 0 : i32
        %lt3A_371 = vector.broadcast %lt3A_370 : i32 to vector<16xi32>
        %lt3A_372 = arith.cmpi slt, %get3A_192, %lt3A_371 : vector<16xi32>
        %add3A_373 = arith.constant 16 : i32
        %add3A_374 = vector.broadcast %add3A_373 : i32 to vector<16xi32>
        %add3A_375 = arith.addi %get3A_192, %add3A_374 : vector<16xi32>
        %select_n3A_376 = arith.select %lt3A_372, %add3A_375, %get3A_192 : vector<16xi1>, vector<16xi32>
        %broadcast_in_dim3A_377 = vector.shape_cast %select_n3A_376 : vector<16xi32> to vector<16x1xi32>
        %gather3A_378 = vector.shape_cast %broadcast_in_dim3A_377 : vector<16x1xi32> to vector<16xi32>
        %gather3A_379 = tpu.dynamic_gather %gather3A_57[%gather3A_378] in [0] : vector<16xf32>, vector<16xi32> -> vector<16xf32>
        %mul3A_380 = arith.constant 16 : i32
        %mul3A_381 = arith.muli %scan3A_187, %mul3A_380 : i32
        %swap3A_382 = arith.constant 1 : i32
        %swap3A_383 = arith.constant 10 : i32
        %swap3A_384 = arith.index_cast %swap3A_382 : i32 to index
        %swap3A_385 = arith.index_cast %swap3A_383 : i32 to index
        %swap3A_386 = arith.index_cast %mul3A_381 : i32 to index
        %swap3A_387 = tpu.vector_load %arg9[%swap3A_384, %swap3A_385, %swap3A_386] {strides = array<i32>} : memref<4x16x512xf32, #tpu.memory_space<vmem>>, vector<16xf32>,
        tpu.vector_store %arg9[%swap3A_384, %swap3A_385, %swap3A_386], %gather3A_379 {strides = array<i32>} : memref<4x16x512xf32, #tpu.memory_space<vmem>>, vector<16xf32>,
        %lt3A_388 = arith.constant 0 : i32
        %lt3A_389 = vector.broadcast %lt3A_388 : i32 to vector<16xi32>
        %lt3A_390 = arith.cmpi slt, %get3A_192, %lt3A_389 : vector<16xi32>
        %add3A_391 = arith.constant 16 : i32
        %add3A_392 = vector.broadcast %add3A_391 : i32 to vector<16xi32>
        %add3A_393 = arith.addi %get3A_192, %add3A_392 : vector<16xi32>
        %select_n3A_394 = arith.select %lt3A_390, %add3A_393, %get3A_192 : vector<16xi1>, vector<16xi32>
        %broadcast_in_dim3A_395 = vector.shape_cast %select_n3A_394 : vector<16xi32> to vector<16x1xi32>
        %gather3A_396 = vector.shape_cast %broadcast_in_dim3A_395 : vector<16x1xi32> to vector<16xi32>
        %gather3A_397 = tpu.dynamic_gather %gather3A_61[%gather3A_396] in [0] : vector<16xf32>, vector<16xi32> -> vector<16xf32>
        %mul3A_398 = arith.constant 16 : i32
        %mul3A_399 = arith.muli %scan3A_187, %mul3A_398 : i32
        %swap3A_400 = arith.constant 1 : i32
        %swap3A_401 = arith.constant 11 : i32
        %swap3A_402 = arith.index_cast %swap3A_400 : i32 to index
        %swap3A_403 = arith.index_cast %swap3A_401 : i32 to index
        %swap3A_404 = arith.index_cast %mul3A_399 : i32 to index
        %swap3A_405 = tpu.vector_load %arg9[%swap3A_402, %swap3A_403, %swap3A_404] {strides = array<i32>} : memref<4x16x512xf32, #tpu.memory_space<vmem>>, vector<16xf32>,
        tpu.vector_store %arg9[%swap3A_402, %swap3A_403, %swap3A_404], %gather3A_397 {strides = array<i32>} : memref<4x16x512xf32, #tpu.memory_space<vmem>>, vector<16xf32>,
        %lt3A_406 = arith.constant 0 : i32
        %lt3A_407 = vector.broadcast %lt3A_406 : i32 to vector<16xi32>
        %lt3A_408 = arith.cmpi slt, %get3A_192, %lt3A_407 : vector<16xi32>
        %add3A_409 = arith.constant 16 : i32
        %add3A_410 = vector.broadcast %add3A_409 : i32 to vector<16xi32>
        %add3A_411 = arith.addi %get3A_192, %add3A_410 : vector<16xi32>
        %select_n3A_412 = arith.select %lt3A_408, %add3A_411, %get3A_192 : vector<16xi1>, vector<16xi32>
        %broadcast_in_dim3A_413 = vector.shape_cast %select_n3A_412 : vector<16xi32> to vector<16x1xi32>
        %gather3A_414 = vector.shape_cast %broadcast_in_dim3A_413 : vector<16x1xi32> to vector<16xi32>
        %gather3A_415 = tpu.dynamic_gather %gather3A_65[%gather3A_414] in [0] : vector<16xf32>, vector<16xi32> -> vector<16xf32>
        %mul3A_416 = arith.constant 16 : i32
        %mul3A_417 = arith.muli %scan3A_187, %mul3A_416 : i32
        %swap3A_418 = arith.constant 1 : i32
        %swap3A_419 = arith.constant 12 : i32
        %swap3A_420 = arith.index_cast %swap3A_418 : i32 to index
        %swap3A_421 = arith.index_cast %swap3A_419 : i32 to index
        %swap3A_422 = arith.index_cast %mul3A_417 : i32 to index
        %swap3A_423 = tpu.vector_load %arg9[%swap3A_420, %swap3A_421, %swap3A_422] {strides = array<i32>} : memref<4x16x512xf32, #tpu.memory_space<vmem>>, vector<16xf32>,
        tpu.vector_store %arg9[%swap3A_420, %swap3A_421, %swap3A_422], %gather3A_415 {strides = array<i32>} : memref<4x16x512xf32, #tpu.memory_space<vmem>>, vector<16xf32>,
        %lt3A_424 = arith.constant 0 : i32
        %lt3A_425 = vector.broadcast %lt3A_424 : i32 to vector<16xi32>
        %lt3A_426 = arith.cmpi slt, %get3A_192, %lt3A_425 : vector<16xi32>
        %add3A_427 = arith.constant 16 : i32
        %add3A_428 = vector.broadcast %add3A_427 : i32 to vector<16xi32>
        %add3A_429 = arith.addi %get3A_192, %add3A_428 : vector<16xi32>
        %select_n3A_430 = arith.select %lt3A_426, %add3A_429, %get3A_192 : vector<16xi1>, vector<16xi32>
        %broadcast_in_dim3A_431 = vector.shape_cast %select_n3A_430 : vector<16xi32> to vector<16x1xi32>
        %gather3A_432 = vector.shape_cast %broadcast_in_dim3A_431 : vector<16x1xi32> to vector<16xi32>
        %gather3A_433 = tpu.dynamic_gather %gather3A_69[%gather3A_432] in [0] : vector<16xf32>, vector<16xi32> -> vector<16xf32>
        %mul3A_434 = arith.constant 16 : i32
        %mul3A_435 = arith.muli %scan3A_187, %mul3A_434 : i32
        %swap3A_436 = arith.constant 1 : i32
        %swap3A_437 = arith.constant 13 : i32
        %swap3A_438 = arith.index_cast %swap3A_436 : i32 to index
        %swap3A_439 = arith.index_cast %swap3A_437 : i32 to index
        %swap3A_440 = arith.index_cast %mul3A_435 : i32 to index
        %swap3A_441 = tpu.vector_load %arg9[%swap3A_438, %swap3A_439, %swap3A_440] {strides = array<i32>} : memref<4x16x512xf32, #tpu.memory_space<vmem>>, vector<16xf32>,
        tpu.vector_store %arg9[%swap3A_438, %swap3A_439, %swap3A_440], %gather3A_433 {strides = array<i32>} : memref<4x16x512xf32, #tpu.memory_space<vmem>>, vector<16xf32>,
        %lt3A_442 = arith.constant 0 : i32
        %lt3A_443 = vector.broadcast %lt3A_442 : i32 to vector<16xi32>
        %lt3A_444 = arith.cmpi slt, %get3A_192, %lt3A_443 : vector<16xi32>
        %add3A_445 = arith.constant 16 : i32
        %add3A_446 = vector.broadcast %add3A_445 : i32 to vector<16xi32>
        %add3A_447 = arith.addi %get3A_192, %add3A_446 : vector<16xi32>
        %select_n3A_448 = arith.select %lt3A_444, %add3A_447, %get3A_192 : vector<16xi1>, vector<16xi32>
        %broadcast_in_dim3A_449 = vector.shape_cast %select_n3A_448 : vector<16xi32> to vector<16x1xi32>
        %gather3A_450 = vector.shape_cast %broadcast_in_dim3A_449 : vector<16x1xi32> to vector<16xi32>
        %gather3A_451 = tpu.dynamic_gather %gather3A_73[%gather3A_450] in [0] : vector<16xf32>, vector<16xi32> -> vector<16xf32>
        %mul3A_452 = arith.constant 16 : i32
        %mul3A_453 = arith.muli %scan3A_187, %mul3A_452 : i32
        %swap3A_454 = arith.constant 1 : i32
        %swap3A_455 = arith.constant 14 : i32
        %swap3A_456 = arith.index_cast %swap3A_454 : i32 to index
        %swap3A_457 = arith.index_cast %swap3A_455 : i32 to index
        %swap3A_458 = arith.index_cast %mul3A_453 : i32 to index
        %swap3A_459 = tpu.vector_load %arg9[%swap3A_456, %swap3A_457, %swap3A_458] {strides = array<i32>} : memref<4x16x512xf32, #tpu.memory_space<vmem>>, vector<16xf32>,
        tpu.vector_store %arg9[%swap3A_456, %swap3A_457, %swap3A_458], %gather3A_451 {strides = array<i32>} : memref<4x16x512xf32, #tpu.memory_space<vmem>>, vector<16xf32>,
        %lt3A_460 = arith.constant 0 : i32
        %lt3A_461 = vector.broadcast %lt3A_460 : i32 to vector<16xi32>
        %lt3A_462 = arith.cmpi slt, %get3A_192, %lt3A_461 : vector<16xi32>
        %add3A_463 = arith.constant 16 : i32
        %add3A_464 = vector.broadcast %add3A_463 : i32 to vector<16xi32>
        %add3A_465 = arith.addi %get3A_192, %add3A_464 : vector<16xi32>
        %select_n3A_466 = arith.select %lt3A_462, %add3A_465, %get3A_192 : vector<16xi1>, vector<16xi32>
        %broadcast_in_dim3A_467 = vector.shape_cast %select_n3A_466 : vector<16xi32> to vector<16x1xi32>
        %gather3A_468 = vector.shape_cast %broadcast_in_dim3A_467 : vector<16x1xi32> to vector<16xi32>
        %gather3A_469 = tpu.dynamic_gather %gather3A_77[%gather3A_468] in [0] : vector<16xf32>, vector<16xi32> -> vector<16xf32>
        %mul3A_470 = arith.constant 16 : i32
        %mul3A_471 = arith.muli %scan3A_187, %mul3A_470 : i32
        %swap3A_472 = arith.constant 1 : i32
        %swap3A_473 = arith.constant 15 : i32
        %swap3A_474 = arith.index_cast %swap3A_472 : i32 to index
        %swap3A_475 = arith.index_cast %swap3A_473 : i32 to index
        %swap3A_476 = arith.index_cast %mul3A_471 : i32 to index
        %swap3A_477 = tpu.vector_load %arg9[%swap3A_474, %swap3A_475, %swap3A_476] {strides = array<i32>} : memref<4x16x512xf32, #tpu.memory_space<vmem>>, vector<16xf32>,
        tpu.vector_store %arg9[%swap3A_474, %swap3A_475, %swap3A_476], %gather3A_469 {strides = array<i32>} : memref<4x16x512xf32, #tpu.memory_space<vmem>>, vector<16xf32>,
      }
      %scan3A_163 = arith.constant 32 : i32
      %scan3A_164 = arith.constant 0 : i32
      %scan3A_165 = arith.constant 0 : i32
      %scan3A_166 = arith.constant 32 : i32
      %scan3A_167 = arith.addi %scan3A_165, %scan3A_166 : i32
      %scan3A_168 = arith.constant 1 : i32
      scf.for %scan3A_187 = %scan3A_165 to %scan3A_167 step %scan3A_168  : i32 {
        %mul3A_188 = arith.constant 16 : i32
        %mul3A_189 = arith.muli %scan3A_187, %mul3A_188 : i32
        %get3A = arith.constant 2 : i32
        %get3A_190 = arith.index_cast %get3A : i32 to index
        %get3A_191 = arith.index_cast %mul3A_189 : i32 to index
        %get3A_192 = tpu.vector_load %arg7[%get3A_190, %get3A_191] {strides = array<i32>} : memref<4x512xi32, #tpu.memory_space<vmem>>, vector<16xi32>,
        %lt3A_193 = arith.constant 0 : i32
        %lt3A_194 = vector.broadcast %lt3A_193 : i32 to vector<16xi32>
        %lt3A_195 = arith.cmpi slt, %get3A_192, %lt3A_194 : vector<16xi32>
        %add3A_196 = arith.constant 16 : i32
        %add3A_197 = vector.broadcast %add3A_196 : i32 to vector<16xi32>
        %add3A_198 = arith.addi %get3A_192, %add3A_197 : vector<16xi32>
        %select_n3A = arith.select %lt3A_195, %add3A_198, %get3A_192 : vector<16xi1>, vector<16xi32>
        %broadcast_in_dim3A = vector.shape_cast %select_n3A : vector<16xi32> to vector<16x1xi32>
        %gather3A_199 = vector.shape_cast %broadcast_in_dim3A : vector<16x1xi32> to vector<16xi32>
        %gather3A_200 = tpu.dynamic_gather %gather3A[%gather3A_199] in [0] : vector<16xf32>, vector<16xi32> -> vector<16xf32>
        %mul3A_201 = arith.constant 16 : i32
        %mul3A_202 = arith.muli %scan3A_187, %mul3A_201 : i32
        %swap3A = arith.constant 2 : i32
        %swap3A_203 = arith.constant 0 : i32
        %swap3A_204 = arith.index_cast %swap3A : i32 to index
        %swap3A_205 = arith.index_cast %swap3A_203 : i32 to index
        %swap3A_206 = arith.index_cast %mul3A_202 : i32 to index
        %swap3A_207 = tpu.vector_load %arg9[%swap3A_204, %swap3A_205, %swap3A_206] {strides = array<i32>} : memref<4x16x512xf32, #tpu.memory_space<vmem>>, vector<16xf32>,
        tpu.vector_store %arg9[%swap3A_204, %swap3A_205, %swap3A_206], %gather3A_200 {strides = array<i32>} : memref<4x16x512xf32, #tpu.memory_space<vmem>>, vector<16xf32>,
        %lt3A_208 = arith.constant 0 : i32
        %lt3A_209 = vector.broadcast %lt3A_208 : i32 to vector<16xi32>
        %lt3A_210 = arith.cmpi slt, %get3A_192, %lt3A_209 : vector<16xi32>
        %add3A_211 = arith.constant 16 : i32
        %add3A_212 = vector.broadcast %add3A_211 : i32 to vector<16xi32>
        %add3A_213 = arith.addi %get3A_192, %add3A_212 : vector<16xi32>
        %select_n3A_214 = arith.select %lt3A_210, %add3A_213, %get3A_192 : vector<16xi1>, vector<16xi32>
        %broadcast_in_dim3A_215 = vector.shape_cast %select_n3A_214 : vector<16xi32> to vector<16x1xi32>
        %gather3A_216 = vector.shape_cast %broadcast_in_dim3A_215 : vector<16x1xi32> to vector<16xi32>
        %gather3A_217 = tpu.dynamic_gather %gather3A_21[%gather3A_216] in [0] : vector<16xf32>, vector<16xi32> -> vector<16xf32>
        %mul3A_218 = arith.constant 16 : i32
        %mul3A_219 = arith.muli %scan3A_187, %mul3A_218 : i32
        %swap3A_220 = arith.constant 2 : i32
        %swap3A_221 = arith.constant 1 : i32
        %swap3A_222 = arith.index_cast %swap3A_220 : i32 to index
        %swap3A_223 = arith.index_cast %swap3A_221 : i32 to index
        %swap3A_224 = arith.index_cast %mul3A_219 : i32 to index
        %swap3A_225 = tpu.vector_load %arg9[%swap3A_222, %swap3A_223, %swap3A_224] {strides = array<i32>} : memref<4x16x512xf32, #tpu.memory_space<vmem>>, vector<16xf32>,
        tpu.vector_store %arg9[%swap3A_222, %swap3A_223, %swap3A_224], %gather3A_217 {strides = array<i32>} : memref<4x16x512xf32, #tpu.memory_space<vmem>>, vector<16xf32>,
        %lt3A_226 = arith.constant 0 : i32
        %lt3A_227 = vector.broadcast %lt3A_226 : i32 to vector<16xi32>
        %lt3A_228 = arith.cmpi slt, %get3A_192, %lt3A_227 : vector<16xi32>
        %add3A_229 = arith.constant 16 : i32
        %add3A_230 = vector.broadcast %add3A_229 : i32 to vector<16xi32>
        %add3A_231 = arith.addi %get3A_192, %add3A_230 : vector<16xi32>
        %select_n3A_232 = arith.select %lt3A_228, %add3A_231, %get3A_192 : vector<16xi1>, vector<16xi32>
        %broadcast_in_dim3A_233 = vector.shape_cast %select_n3A_232 : vector<16xi32> to vector<16x1xi32>
        %gather3A_234 = vector.shape_cast %broadcast_in_dim3A_233 : vector<16x1xi32> to vector<16xi32>
        %gather3A_235 = tpu.dynamic_gather %gather3A_25[%gather3A_234] in [0] : vector<16xf32>, vector<16xi32> -> vector<16xf32>
        %mul3A_236 = arith.constant 16 : i32
        %mul3A_237 = arith.muli %scan3A_187, %mul3A_236 : i32
        %swap3A_238 = arith.constant 2 : i32
        %swap3A_239 = arith.constant 2 : i32
        %swap3A_240 = arith.index_cast %swap3A_238 : i32 to index
        %swap3A_241 = arith.index_cast %swap3A_239 : i32 to index
        %swap3A_242 = arith.index_cast %mul3A_237 : i32 to index
        %swap3A_243 = tpu.vector_load %arg9[%swap3A_240, %swap3A_241, %swap3A_242] {strides = array<i32>} : memref<4x16x512xf32, #tpu.memory_space<vmem>>, vector<16xf32>,
        tpu.vector_store %arg9[%swap3A_240, %swap3A_241, %swap3A_242], %gather3A_235 {strides = array<i32>} : memref<4x16x512xf32, #tpu.memory_space<vmem>>, vector<16xf32>,
        %lt3A_244 = arith.constant 0 : i32
        %lt3A_245 = vector.broadcast %lt3A_244 : i32 to vector<16xi32>
        %lt3A_246 = arith.cmpi slt, %get3A_192, %lt3A_245 : vector<16xi32>
        %add3A_247 = arith.constant 16 : i32
        %add3A_248 = vector.broadcast %add3A_247 : i32 to vector<16xi32>
        %add3A_249 = arith.addi %get3A_192, %add3A_248 : vector<16xi32>
        %select_n3A_250 = arith.select %lt3A_246, %add3A_249, %get3A_192 : vector<16xi1>, vector<16xi32>
        %broadcast_in_dim3A_251 = vector.shape_cast %select_n3A_250 : vector<16xi32> to vector<16x1xi32>
        %gather3A_252 = vector.shape_cast %broadcast_in_dim3A_251 : vector<16x1xi32> to vector<16xi32>
        %gather3A_253 = tpu.dynamic_gather %gather3A_29[%gather3A_252] in [0] : vector<16xf32>, vector<16xi32> -> vector<16xf32>
        %mul3A_254 = arith.constant 16 : i32
        %mul3A_255 = arith.muli %scan3A_187, %mul3A_254 : i32
        %swap3A_256 = arith.constant 2 : i32
        %swap3A_257 = arith.constant 3 : i32
        %swap3A_258 = arith.index_cast %swap3A_256 : i32 to index
        %swap3A_259 = arith.index_cast %swap3A_257 : i32 to index
        %swap3A_260 = arith.index_cast %mul3A_255 : i32 to index
        %swap3A_261 = tpu.vector_load %arg9[%swap3A_258, %swap3A_259, %swap3A_260] {strides = array<i32>} : memref<4x16x512xf32, #tpu.memory_space<vmem>>, vector<16xf32>,
        tpu.vector_store %arg9[%swap3A_258, %swap3A_259, %swap3A_260], %gather3A_253 {strides = array<i32>} : memref<4x16x512xf32, #tpu.memory_space<vmem>>, vector<16xf32>,
        %lt3A_262 = arith.constant 0 : i32
        %lt3A_263 = vector.broadcast %lt3A_262 : i32 to vector<16xi32>
        %lt3A_264 = arith.cmpi slt, %get3A_192, %lt3A_263 : vector<16xi32>
        %add3A_265 = arith.constant 16 : i32
        %add3A_266 = vector.broadcast %add3A_265 : i32 to vector<16xi32>
        %add3A_267 = arith.addi %get3A_192, %add3A_266 : vector<16xi32>
        %select_n3A_268 = arith.select %lt3A_264, %add3A_267, %get3A_192 : vector<16xi1>, vector<16xi32>
        %broadcast_in_dim3A_269 = vector.shape_cast %select_n3A_268 : vector<16xi32> to vector<16x1xi32>
        %gather3A_270 = vector.shape_cast %broadcast_in_dim3A_269 : vector<16x1xi32> to vector<16xi32>
        %gather3A_271 = tpu.dynamic_gather %gather3A_33[%gather3A_270] in [0] : vector<16xf32>, vector<16xi32> -> vector<16xf32>
        %mul3A_272 = arith.constant 16 : i32
        %mul3A_273 = arith.muli %scan3A_187, %mul3A_272 : i32
        %swap3A_274 = arith.constant 2 : i32
        %swap3A_275 = arith.constant 4 : i32
        %swap3A_276 = arith.index_cast %swap3A_274 : i32 to index
        %swap3A_277 = arith.index_cast %swap3A_275 : i32 to index
        %swap3A_278 = arith.index_cast %mul3A_273 : i32 to index
        %swap3A_279 = tpu.vector_load %arg9[%swap3A_276, %swap3A_277, %swap3A_278] {strides = array<i32>} : memref<4x16x512xf32, #tpu.memory_space<vmem>>, vector<16xf32>,
        tpu.vector_store %arg9[%swap3A_276, %swap3A_277, %swap3A_278], %gather3A_271 {strides = array<i32>} : memref<4x16x512xf32, #tpu.memory_space<vmem>>, vector<16xf32>,
        %lt3A_280 = arith.constant 0 : i32
        %lt3A_281 = vector.broadcast %lt3A_280 : i32 to vector<16xi32>
        %lt3A_282 = arith.cmpi slt, %get3A_192, %lt3A_281 : vector<16xi32>
        %add3A_283 = arith.constant 16 : i32
        %add3A_284 = vector.broadcast %add3A_283 : i32 to vector<16xi32>
        %add3A_285 = arith.addi %get3A_192, %add3A_284 : vector<16xi32>
        %select_n3A_286 = arith.select %lt3A_282, %add3A_285, %get3A_192 : vector<16xi1>, vector<16xi32>
        %broadcast_in_dim3A_287 = vector.shape_cast %select_n3A_286 : vector<16xi32> to vector<16x1xi32>
        %gather3A_288 = vector.shape_cast %broadcast_in_dim3A_287 : vector<16x1xi32> to vector<16xi32>
        %gather3A_289 = tpu.dynamic_gather %gather3A_37[%gather3A_288] in [0] : vector<16xf32>, vector<16xi32> -> vector<16xf32>
        %mul3A_290 = arith.constant 16 : i32
        %mul3A_291 = arith.muli %scan3A_187, %mul3A_290 : i32
        %swap3A_292 = arith.constant 2 : i32
        %swap3A_293 = arith.constant 5 : i32
        %swap3A_294 = arith.index_cast %swap3A_292 : i32 to index
        %swap3A_295 = arith.index_cast %swap3A_293 : i32 to index
        %swap3A_296 = arith.index_cast %mul3A_291 : i32 to index
        %swap3A_297 = tpu.vector_load %arg9[%swap3A_294, %swap3A_295, %swap3A_296] {strides = array<i32>} : memref<4x16x512xf32, #tpu.memory_space<vmem>>, vector<16xf32>,
        tpu.vector_store %arg9[%swap3A_294, %swap3A_295, %swap3A_296], %gather3A_289 {strides = array<i32>} : memref<4x16x512xf32, #tpu.memory_space<vmem>>, vector<16xf32>,
        %lt3A_298 = arith.constant 0 : i32
        %lt3A_299 = vector.broadcast %lt3A_298 : i32 to vector<16xi32>
        %lt3A_300 = arith.cmpi slt, %get3A_192, %lt3A_299 : vector<16xi32>
        %add3A_301 = arith.constant 16 : i32
        %add3A_302 = vector.broadcast %add3A_301 : i32 to vector<16xi32>
        %add3A_303 = arith.addi %get3A_192, %add3A_302 : vector<16xi32>
        %select_n3A_304 = arith.select %lt3A_300, %add3A_303, %get3A_192 : vector<16xi1>, vector<16xi32>
        %broadcast_in_dim3A_305 = vector.shape_cast %select_n3A_304 : vector<16xi32> to vector<16x1xi32>
        %gather3A_306 = vector.shape_cast %broadcast_in_dim3A_305 : vector<16x1xi32> to vector<16xi32>
        %gather3A_307 = tpu.dynamic_gather %gather3A_41[%gather3A_306] in [0] : vector<16xf32>, vector<16xi32> -> vector<16xf32>
        %mul3A_308 = arith.constant 16 : i32
        %mul3A_309 = arith.muli %scan3A_187, %mul3A_308 : i32
        %swap3A_310 = arith.constant 2 : i32
        %swap3A_311 = arith.constant 6 : i32
        %swap3A_312 = arith.index_cast %swap3A_310 : i32 to index
        %swap3A_313 = arith.index_cast %swap3A_311 : i32 to index
        %swap3A_314 = arith.index_cast %mul3A_309 : i32 to index
        %swap3A_315 = tpu.vector_load %arg9[%swap3A_312, %swap3A_313, %swap3A_314] {strides = array<i32>} : memref<4x16x512xf32, #tpu.memory_space<vmem>>, vector<16xf32>,
        tpu.vector_store %arg9[%swap3A_312, %swap3A_313, %swap3A_314], %gather3A_307 {strides = array<i32>} : memref<4x16x512xf32, #tpu.memory_space<vmem>>, vector<16xf32>,
        %lt3A_316 = arith.constant 0 : i32
        %lt3A_317 = vector.broadcast %lt3A_316 : i32 to vector<16xi32>
        %lt3A_318 = arith.cmpi slt, %get3A_192, %lt3A_317 : vector<16xi32>
        %add3A_319 = arith.constant 16 : i32
        %add3A_320 = vector.broadcast %add3A_319 : i32 to vector<16xi32>
        %add3A_321 = arith.addi %get3A_192, %add3A_320 : vector<16xi32>
        %select_n3A_322 = arith.select %lt3A_318, %add3A_321, %get3A_192 : vector<16xi1>, vector<16xi32>
        %broadcast_in_dim3A_323 = vector.shape_cast %select_n3A_322 : vector<16xi32> to vector<16x1xi32>
        %gather3A_324 = vector.shape_cast %broadcast_in_dim3A_323 : vector<16x1xi32> to vector<16xi32>
        %gather3A_325 = tpu.dynamic_gather %gather3A_45[%gather3A_324] in [0] : vector<16xf32>, vector<16xi32> -> vector<16xf32>
        %mul3A_326 = arith.constant 16 : i32
        %mul3A_327 = arith.muli %scan3A_187, %mul3A_326 : i32
        %swap3A_328 = arith.constant 2 : i32
        %swap3A_329 = arith.constant 7 : i32
        %swap3A_330 = arith.index_cast %swap3A_328 : i32 to index
        %swap3A_331 = arith.index_cast %swap3A_329 : i32 to index
        %swap3A_332 = arith.index_cast %mul3A_327 : i32 to index
        %swap3A_333 = tpu.vector_load %arg9[%swap3A_330, %swap3A_331, %swap3A_332] {strides = array<i32>} : memref<4x16x512xf32, #tpu.memory_space<vmem>>, vector<16xf32>,
        tpu.vector_store %arg9[%swap3A_330, %swap3A_331, %swap3A_332], %gather3A_325 {strides = array<i32>} : memref<4x16x512xf32, #tpu.memory_space<vmem>>, vector<16xf32>,
        %lt3A_334 = arith.constant 0 : i32
        %lt3A_335 = vector.broadcast %lt3A_334 : i32 to vector<16xi32>
        %lt3A_336 = arith.cmpi slt, %get3A_192, %lt3A_335 : vector<16xi32>
        %add3A_337 = arith.constant 16 : i32
        %add3A_338 = vector.broadcast %add3A_337 : i32 to vector<16xi32>
        %add3A_339 = arith.addi %get3A_192, %add3A_338 : vector<16xi32>
        %select_n3A_340 = arith.select %lt3A_336, %add3A_339, %get3A_192 : vector<16xi1>, vector<16xi32>
        %broadcast_in_dim3A_341 = vector.shape_cast %select_n3A_340 : vector<16xi32> to vector<16x1xi32>
        %gather3A_342 = vector.shape_cast %broadcast_in_dim3A_341 : vector<16x1xi32> to vector<16xi32>
        %gather3A_343 = tpu.dynamic_gather %gather3A_49[%gather3A_342] in [0] : vector<16xf32>, vector<16xi32> -> vector<16xf32>
        %mul3A_344 = arith.constant 16 : i32
        %mul3A_345 = arith.muli %scan3A_187, %mul3A_344 : i32
        %swap3A_346 = arith.constant 2 : i32
        %swap3A_347 = arith.constant 8 : i32
        %swap3A_348 = arith.index_cast %swap3A_346 : i32 to index
        %swap3A_349 = arith.index_cast %swap3A_347 : i32 to index
        %swap3A_350 = arith.index_cast %mul3A_345 : i32 to index
        %swap3A_351 = tpu.vector_load %arg9[%swap3A_348, %swap3A_349, %swap3A_350] {strides = array<i32>} : memref<4x16x512xf32, #tpu.memory_space<vmem>>, vector<16xf32>,
        tpu.vector_store %arg9[%swap3A_348, %swap3A_349, %swap3A_350], %gather3A_343 {strides = array<i32>} : memref<4x16x512xf32, #tpu.memory_space<vmem>>, vector<16xf32>,
        %lt3A_352 = arith.constant 0 : i32
        %lt3A_353 = vector.broadcast %lt3A_352 : i32 to vector<16xi32>
        %lt3A_354 = arith.cmpi slt, %get3A_192, %lt3A_353 : vector<16xi32>
        %add3A_355 = arith.constant 16 : i32
        %add3A_356 = vector.broadcast %add3A_355 : i32 to vector<16xi32>
        %add3A_357 = arith.addi %get3A_192, %add3A_356 : vector<16xi32>
        %select_n3A_358 = arith.select %lt3A_354, %add3A_357, %get3A_192 : vector<16xi1>, vector<16xi32>
        %broadcast_in_dim3A_359 = vector.shape_cast %select_n3A_358 : vector<16xi32> to vector<16x1xi32>
        %gather3A_360 = vector.shape_cast %broadcast_in_dim3A_359 : vector<16x1xi32> to vector<16xi32>
        %gather3A_361 = tpu.dynamic_gather %gather3A_53[%gather3A_360] in [0] : vector<16xf32>, vector<16xi32> -> vector<16xf32>
        %mul3A_362 = arith.constant 16 : i32
        %mul3A_363 = arith.muli %scan3A_187, %mul3A_362 : i32
        %swap3A_364 = arith.constant 2 : i32
        %swap3A_365 = arith.constant 9 : i32
        %swap3A_366 = arith.index_cast %swap3A_364 : i32 to index
        %swap3A_367 = arith.index_cast %swap3A_365 : i32 to index
        %swap3A_368 = arith.index_cast %mul3A_363 : i32 to index
        %swap3A_369 = tpu.vector_load %arg9[%swap3A_366, %swap3A_367, %swap3A_368] {strides = array<i32>} : memref<4x16x512xf32, #tpu.memory_space<vmem>>, vector<16xf32>,
        tpu.vector_store %arg9[%swap3A_366, %swap3A_367, %swap3A_368], %gather3A_361 {strides = array<i32>} : memref<4x16x512xf32, #tpu.memory_space<vmem>>, vector<16xf32>,
        %lt3A_370 = arith.constant 0 : i32
        %lt3A_371 = vector.broadcast %lt3A_370 : i32 to vector<16xi32>
        %lt3A_372 = arith.cmpi slt, %get3A_192, %lt3A_371 : vector<16xi32>
        %add3A_373 = arith.constant 16 : i32
        %add3A_374 = vector.broadcast %add3A_373 : i32 to vector<16xi32>
        %add3A_375 = arith.addi %get3A_192, %add3A_374 : vector<16xi32>
        %select_n3A_376 = arith.select %lt3A_372, %add3A_375, %get3A_192 : vector<16xi1>, vector<16xi32>
        %broadcast_in_dim3A_377 = vector.shape_cast %select_n3A_376 : vector<16xi32> to vector<16x1xi32>
        %gather3A_378 = vector.shape_cast %broadcast_in_dim3A_377 : vector<16x1xi32> to vector<16xi32>
        %gather3A_379 = tpu.dynamic_gather %gather3A_57[%gather3A_378] in [0] : vector<16xf32>, vector<16xi32> -> vector<16xf32>
        %mul3A_380 = arith.constant 16 : i32
        %mul3A_381 = arith.muli %scan3A_187, %mul3A_380 : i32
        %swap3A_382 = arith.constant 2 : i32
        %swap3A_383 = arith.constant 10 : i32
        %swap3A_384 = arith.index_cast %swap3A_382 : i32 to index
        %swap3A_385 = arith.index_cast %swap3A_383 : i32 to index
        %swap3A_386 = arith.index_cast %mul3A_381 : i32 to index
        %swap3A_387 = tpu.vector_load %arg9[%swap3A_384, %swap3A_385, %swap3A_386] {strides = array<i32>} : memref<4x16x512xf32, #tpu.memory_space<vmem>>, vector<16xf32>,
        tpu.vector_store %arg9[%swap3A_384, %swap3A_385, %swap3A_386], %gather3A_379 {strides = array<i32>} : memref<4x16x512xf32, #tpu.memory_space<vmem>>, vector<16xf32>,
        %lt3A_388 = arith.constant 0 : i32
        %lt3A_389 = vector.broadcast %lt3A_388 : i32 to vector<16xi32>
        %lt3A_390 = arith.cmpi slt, %get3A_192, %lt3A_389 : vector<16xi32>
        %add3A_391 = arith.constant 16 : i32
        %add3A_392 = vector.broadcast %add3A_391 : i32 to vector<16xi32>
        %add3A_393 = arith.addi %get3A_192, %add3A_392 : vector<16xi32>
        %select_n3A_394 = arith.select %lt3A_390, %add3A_393, %get3A_192 : vector<16xi1>, vector<16xi32>
        %broadcast_in_dim3A_395 = vector.shape_cast %select_n3A_394 : vector<16xi32> to vector<16x1xi32>
        %gather3A_396 = vector.shape_cast %broadcast_in_dim3A_395 : vector<16x1xi32> to vector<16xi32>
        %gather3A_397 = tpu.dynamic_gather %gather3A_61[%gather3A_396] in [0] : vector<16xf32>, vector<16xi32> -> vector<16xf32>
        %mul3A_398 = arith.constant 16 : i32
        %mul3A_399 = arith.muli %scan3A_187, %mul3A_398 : i32
        %swap3A_400 = arith.constant 2 : i32
        %swap3A_401 = arith.constant 11 : i32
        %swap3A_402 = arith.index_cast %swap3A_400 : i32 to index
        %swap3A_403 = arith.index_cast %swap3A_401 : i32 to index
        %swap3A_404 = arith.index_cast %mul3A_399 : i32 to index
        %swap3A_405 = tpu.vector_load %arg9[%swap3A_402, %swap3A_403, %swap3A_404] {strides = array<i32>} : memref<4x16x512xf32, #tpu.memory_space<vmem>>, vector<16xf32>,
        tpu.vector_store %arg9[%swap3A_402, %swap3A_403, %swap3A_404], %gather3A_397 {strides = array<i32>} : memref<4x16x512xf32, #tpu.memory_space<vmem>>, vector<16xf32>,
        %lt3A_406 = arith.constant 0 : i32
        %lt3A_407 = vector.broadcast %lt3A_406 : i32 to vector<16xi32>
        %lt3A_408 = arith.cmpi slt, %get3A_192, %lt3A_407 : vector<16xi32>
        %add3A_409 = arith.constant 16 : i32
        %add3A_410 = vector.broadcast %add3A_409 : i32 to vector<16xi32>
        %add3A_411 = arith.addi %get3A_192, %add3A_410 : vector<16xi32>
        %select_n3A_412 = arith.select %lt3A_408, %add3A_411, %get3A_192 : vector<16xi1>, vector<16xi32>
        %broadcast_in_dim3A_413 = vector.shape_cast %select_n3A_412 : vector<16xi32> to vector<16x1xi32>
        %gather3A_414 = vector.shape_cast %broadcast_in_dim3A_413 : vector<16x1xi32> to vector<16xi32>
        %gather3A_415 = tpu.dynamic_gather %gather3A_65[%gather3A_414] in [0] : vector<16xf32>, vector<16xi32> -> vector<16xf32>
        %mul3A_416 = arith.constant 16 : i32
        %mul3A_417 = arith.muli %scan3A_187, %mul3A_416 : i32
        %swap3A_418 = arith.constant 2 : i32
        %swap3A_419 = arith.constant 12 : i32
        %swap3A_420 = arith.index_cast %swap3A_418 : i32 to index
        %swap3A_421 = arith.index_cast %swap3A_419 : i32 to index
        %swap3A_422 = arith.index_cast %mul3A_417 : i32 to index
        %swap3A_423 = tpu.vector_load %arg9[%swap3A_420, %swap3A_421, %swap3A_422] {strides = array<i32>} : memref<4x16x512xf32, #tpu.memory_space<vmem>>, vector<16xf32>,
        tpu.vector_store %arg9[%swap3A_420, %swap3A_421, %swap3A_422], %gather3A_415 {strides = array<i32>} : memref<4x16x512xf32, #tpu.memory_space<vmem>>, vector<16xf32>,
        %lt3A_424 = arith.constant 0 : i32
        %lt3A_425 = vector.broadcast %lt3A_424 : i32 to vector<16xi32>
        %lt3A_426 = arith.cmpi slt, %get3A_192, %lt3A_425 : vector<16xi32>
        %add3A_427 = arith.constant 16 : i32
        %add3A_428 = vector.broadcast %add3A_427 : i32 to vector<16xi32>
        %add3A_429 = arith.addi %get3A_192, %add3A_428 : vector<16xi32>
        %select_n3A_430 = arith.select %lt3A_426, %add3A_429, %get3A_192 : vector<16xi1>, vector<16xi32>
        %broadcast_in_dim3A_431 = vector.shape_cast %select_n3A_430 : vector<16xi32> to vector<16x1xi32>
        %gather3A_432 = vector.shape_cast %broadcast_in_dim3A_431 : vector<16x1xi32> to vector<16xi32>
        %gather3A_433 = tpu.dynamic_gather %gather3A_69[%gather3A_432] in [0] : vector<16xf32>, vector<16xi32> -> vector<16xf32>
        %mul3A_434 = arith.constant 16 : i32
        %mul3A_435 = arith.muli %scan3A_187, %mul3A_434 : i32
        %swap3A_436 = arith.constant 2 : i32
        %swap3A_437 = arith.constant 13 : i32
        %swap3A_438 = arith.index_cast %swap3A_436 : i32 to index
        %swap3A_439 = arith.index_cast %swap3A_437 : i32 to index
        %swap3A_440 = arith.index_cast %mul3A_435 : i32 to index
        %swap3A_441 = tpu.vector_load %arg9[%swap3A_438, %swap3A_439, %swap3A_440] {strides = array<i32>} : memref<4x16x512xf32, #tpu.memory_space<vmem>>, vector<16xf32>,
        tpu.vector_store %arg9[%swap3A_438, %swap3A_439, %swap3A_440], %gather3A_433 {strides = array<i32>} : memref<4x16x512xf32, #tpu.memory_space<vmem>>, vector<16xf32>,
        %lt3A_442 = arith.constant 0 : i32
        %lt3A_443 = vector.broadcast %lt3A_442 : i32 to vector<16xi32>
        %lt3A_444 = arith.cmpi slt, %get3A_192, %lt3A_443 : vector<16xi32>
        %add3A_445 = arith.constant 16 : i32
        %add3A_446 = vector.broadcast %add3A_445 : i32 to vector<16xi32>
        %add3A_447 = arith.addi %get3A_192, %add3A_446 : vector<16xi32>
        %select_n3A_448 = arith.select %lt3A_444, %add3A_447, %get3A_192 : vector<16xi1>, vector<16xi32>
        %broadcast_in_dim3A_449 = vector.shape_cast %select_n3A_448 : vector<16xi32> to vector<16x1xi32>
        %gather3A_450 = vector.shape_cast %broadcast_in_dim3A_449 : vector<16x1xi32> to vector<16xi32>
        %gather3A_451 = tpu.dynamic_gather %gather3A_73[%gather3A_450] in [0] : vector<16xf32>, vector<16xi32> -> vector<16xf32>
        %mul3A_452 = arith.constant 16 : i32
        %mul3A_453 = arith.muli %scan3A_187, %mul3A_452 : i32
        %swap3A_454 = arith.constant 2 : i32
        %swap3A_455 = arith.constant 14 : i32
        %swap3A_456 = arith.index_cast %swap3A_454 : i32 to index
        %swap3A_457 = arith.index_cast %swap3A_455 : i32 to index
        %swap3A_458 = arith.index_cast %mul3A_453 : i32 to index
        %swap3A_459 = tpu.vector_load %arg9[%swap3A_456, %swap3A_457, %swap3A_458] {strides = array<i32>} : memref<4x16x512xf32, #tpu.memory_space<vmem>>, vector<16xf32>,
        tpu.vector_store %arg9[%swap3A_456, %swap3A_457, %swap3A_458], %gather3A_451 {strides = array<i32>} : memref<4x16x512xf32, #tpu.memory_space<vmem>>, vector<16xf32>,
        %lt3A_460 = arith.constant 0 : i32
        %lt3A_461 = vector.broadcast %lt3A_460 : i32 to vector<16xi32>
        %lt3A_462 = arith.cmpi slt, %get3A_192, %lt3A_461 : vector<16xi32>
        %add3A_463 = arith.constant 16 : i32
        %add3A_464 = vector.broadcast %add3A_463 : i32 to vector<16xi32>
        %add3A_465 = arith.addi %get3A_192, %add3A_464 : vector<16xi32>
        %select_n3A_466 = arith.select %lt3A_462, %add3A_465, %get3A_192 : vector<16xi1>, vector<16xi32>
        %broadcast_in_dim3A_467 = vector.shape_cast %select_n3A_466 : vector<16xi32> to vector<16x1xi32>
        %gather3A_468 = vector.shape_cast %broadcast_in_dim3A_467 : vector<16x1xi32> to vector<16xi32>
        %gather3A_469 = tpu.dynamic_gather %gather3A_77[%gather3A_468] in [0] : vector<16xf32>, vector<16xi32> -> vector<16xf32>
        %mul3A_470 = arith.constant 16 : i32
        %mul3A_471 = arith.muli %scan3A_187, %mul3A_470 : i32
        %swap3A_472 = arith.constant 2 : i32
        %swap3A_473 = arith.constant 15 : i32
        %swap3A_474 = arith.index_cast %swap3A_472 : i32 to index
        %swap3A_475 = arith.index_cast %swap3A_473 : i32 to index
        %swap3A_476 = arith.index_cast %mul3A_471 : i32 to index
        %swap3A_477 = tpu.vector_load %arg9[%swap3A_474, %swap3A_475, %swap3A_476] {strides = array<i32>} : memref<4x16x512xf32, #tpu.memory_space<vmem>>, vector<16xf32>,
        tpu.vector_store %arg9[%swap3A_474, %swap3A_475, %swap3A_476], %gather3A_469 {strides = array<i32>} : memref<4x16x512xf32, #tpu.memory_space<vmem>>, vector<16xf32>,
      }
      %scan3A_169 = arith.constant 32 : i32
      %scan3A_170 = arith.constant 0 : i32
      %scan3A_171 = arith.constant 0 : i32
      %scan3A_172 = arith.constant 32 : i32
      %scan3A_173 = arith.addi %scan3A_171, %scan3A_172 : i32
      %scan3A_174 = arith.constant 1 : i32
      scf.for %scan3A_187 = %scan3A_171 to %scan3A_173 step %scan3A_174  : i32 {
        %mul3A_188 = arith.constant 16 : i32
        %mul3A_189 = arith.muli %scan3A_187, %mul3A_188 : i32
        %get3A = arith.constant 3 : i32
        %get3A_190 = arith.index_cast %get3A : i32 to index
        %get3A_191 = arith.index_cast %mul3A_189 : i32 to index
        %get3A_192 = tpu.vector_load %arg7[%get3A_190, %get3A_191] {strides = array<i32>} : memref<4x512xi32, #tpu.memory_space<vmem>>, vector<16xi32>,
        %lt3A_193 = arith.constant 0 : i32
        %lt3A_194 = vector.broadcast %lt3A_193 : i32 to vector<16xi32>
        %lt3A_195 = arith.cmpi slt, %get3A_192, %lt3A_194 : vector<16xi32>
        %add3A_196 = arith.constant 16 : i32
        %add3A_197 = vector.broadcast %add3A_196 : i32 to vector<16xi32>
        %add3A_198 = arith.addi %get3A_192, %add3A_197 : vector<16xi32>
        %select_n3A = arith.select %lt3A_195, %add3A_198, %get3A_192 : vector<16xi1>, vector<16xi32>
        %broadcast_in_dim3A = vector.shape_cast %select_n3A : vector<16xi32> to vector<16x1xi32>
        %gather3A_199 = vector.shape_cast %broadcast_in_dim3A : vector<16x1xi32> to vector<16xi32>
        %gather3A_200 = tpu.dynamic_gather %gather3A[%gather3A_199] in [0] : vector<16xf32>, vector<16xi32> -> vector<16xf32>
        %mul3A_201 = arith.constant 16 : i32
        %mul3A_202 = arith.muli %scan3A_187, %mul3A_201 : i32
        %swap3A = arith.constant 3 : i32
        %swap3A_203 = arith.constant 0 : i32
        %swap3A_204 = arith.index_cast %swap3A : i32 to index
        %swap3A_205 = arith.index_cast %swap3A_203 : i32 to index
        %swap3A_206 = arith.index_cast %mul3A_202 : i32 to index
        %swap3A_207 = tpu.vector_load %arg9[%swap3A_204, %swap3A_205, %swap3A_206] {strides = array<i32>} : memref<4x16x512xf32, #tpu.memory_space<vmem>>, vector<16xf32>,
        tpu.vector_store %arg9[%swap3A_204, %swap3A_205, %swap3A_206], %gather3A_200 {strides = array<i32>} : memref<4x16x512xf32, #tpu.memory_space<vmem>>, vector<16xf32>,
        %lt3A_208 = arith.constant 0 : i32
        %lt3A_209 = vector.broadcast %lt3A_208 : i32 to vector<16xi32>
        %lt3A_210 = arith.cmpi slt, %get3A_192, %lt3A_209 : vector<16xi32>
        %add3A_211 = arith.constant 16 : i32
        %add3A_212 = vector.broadcast %add3A_211 : i32 to vector<16xi32>
        %add3A_213 = arith.addi %get3A_192, %add3A_212 : vector<16xi32>
        %select_n3A_214 = arith.select %lt3A_210, %add3A_213, %get3A_192 : vector<16xi1>, vector<16xi32>
        %broadcast_in_dim3A_215 = vector.shape_cast %select_n3A_214 : vector<16xi32> to vector<16x1xi32>
        %gather3A_216 = vector.shape_cast %broadcast_in_dim3A_215 : vector<16x1xi32> to vector<16xi32>
        %gather3A_217 = tpu.dynamic_gather %gather3A_21[%gather3A_216] in [0] : vector<16xf32>, vector<16xi32> -> vector<16xf32>
        %mul3A_218 = arith.constant 16 : i32
        %mul3A_219 = arith.muli %scan3A_187, %mul3A_218 : i32
        %swap3A_220 = arith.constant 3 : i32
        %swap3A_221 = arith.constant 1 : i32
        %swap3A_222 = arith.index_cast %swap3A_220 : i32 to index
        %swap3A_223 = arith.index_cast %swap3A_221 : i32 to index
        %swap3A_224 = arith.index_cast %mul3A_219 : i32 to index
        %swap3A_225 = tpu.vector_load %arg9[%swap3A_222, %swap3A_223, %swap3A_224] {strides = array<i32>} : memref<4x16x512xf32, #tpu.memory_space<vmem>>, vector<16xf32>,
        tpu.vector_store %arg9[%swap3A_222, %swap3A_223, %swap3A_224], %gather3A_217 {strides = array<i32>} : memref<4x16x512xf32, #tpu.memory_space<vmem>>, vector<16xf32>,
        %lt3A_226 = arith.constant 0 : i32
        %lt3A_227 = vector.broadcast %lt3A_226 : i32 to vector<16xi32>
        %lt3A_228 = arith.cmpi slt, %get3A_192, %lt3A_227 : vector<16xi32>
        %add3A_229 = arith.constant 16 : i32
        %add3A_230 = vector.broadcast %add3A_229 : i32 to vector<16xi32>
        %add3A_231 = arith.addi %get3A_192, %add3A_230 : vector<16xi32>
        %select_n3A_232 = arith.select %lt3A_228, %add3A_231, %get3A_192 : vector<16xi1>, vector<16xi32>
        %broadcast_in_dim3A_233 = vector.shape_cast %select_n3A_232 : vector<16xi32> to vector<16x1xi32>
        %gather3A_234 = vector.shape_cast %broadcast_in_dim3A_233 : vector<16x1xi32> to vector<16xi32>
        %gather3A_235 = tpu.dynamic_gather %gather3A_25[%gather3A_234] in [0] : vector<16xf32>, vector<16xi32> -> vector<16xf32>
        %mul3A_236 = arith.constant 16 : i32
        %mul3A_237 = arith.muli %scan3A_187, %mul3A_236 : i32
        %swap3A_238 = arith.constant 3 : i32
        %swap3A_239 = arith.constant 2 : i32
        %swap3A_240 = arith.index_cast %swap3A_238 : i32 to index
        %swap3A_241 = arith.index_cast %swap3A_239 : i32 to index
        %swap3A_242 = arith.index_cast %mul3A_237 : i32 to index
        %swap3A_243 = tpu.vector_load %arg9[%swap3A_240, %swap3A_241, %swap3A_242] {strides = array<i32>} : memref<4x16x512xf32, #tpu.memory_space<vmem>>, vector<16xf32>,
        tpu.vector_store %arg9[%swap3A_240, %swap3A_241, %swap3A_242], %gather3A_235 {strides = array<i32>} : memref<4x16x512xf32, #tpu.memory_space<vmem>>, vector<16xf32>,
        %lt3A_244 = arith.constant 0 : i32
        %lt3A_245 = vector.broadcast %lt3A_244 : i32 to vector<16xi32>
        %lt3A_246 = arith.cmpi slt, %get3A_192, %lt3A_245 : vector<16xi32>
        %add3A_247 = arith.constant 16 : i32
        %add3A_248 = vector.broadcast %add3A_247 : i32 to vector<16xi32>
        %add3A_249 = arith.addi %get3A_192, %add3A_248 : vector<16xi32>
        %select_n3A_250 = arith.select %lt3A_246, %add3A_249, %get3A_192 : vector<16xi1>, vector<16xi32>
        %broadcast_in_dim3A_251 = vector.shape_cast %select_n3A_250 : vector<16xi32> to vector<16x1xi32>
        %gather3A_252 = vector.shape_cast %broadcast_in_dim3A_251 : vector<16x1xi32> to vector<16xi32>
        %gather3A_253 = tpu.dynamic_gather %gather3A_29[%gather3A_252] in [0] : vector<16xf32>, vector<16xi32> -> vector<16xf32>
        %mul3A_254 = arith.constant 16 : i32
        %mul3A_255 = arith.muli %scan3A_187, %mul3A_254 : i32
        %swap3A_256 = arith.constant 3 : i32
        %swap3A_257 = arith.constant 3 : i32
        %swap3A_258 = arith.index_cast %swap3A_256 : i32 to index
        %swap3A_259 = arith.index_cast %swap3A_257 : i32 to index
        %swap3A_260 = arith.index_cast %mul3A_255 : i32 to index
        %swap3A_261 = tpu.vector_load %arg9[%swap3A_258, %swap3A_259, %swap3A_260] {strides = array<i32>} : memref<4x16x512xf32, #tpu.memory_space<vmem>>, vector<16xf32>,
        tpu.vector_store %arg9[%swap3A_258, %swap3A_259, %swap3A_260], %gather3A_253 {strides = array<i32>} : memref<4x16x512xf32, #tpu.memory_space<vmem>>, vector<16xf32>,
        %lt3A_262 = arith.constant 0 : i32
        %lt3A_263 = vector.broadcast %lt3A_262 : i32 to vector<16xi32>
        %lt3A_264 = arith.cmpi slt, %get3A_192, %lt3A_263 : vector<16xi32>
        %add3A_265 = arith.constant 16 : i32
        %add3A_266 = vector.broadcast %add3A_265 : i32 to vector<16xi32>
        %add3A_267 = arith.addi %get3A_192, %add3A_266 : vector<16xi32>
        %select_n3A_268 = arith.select %lt3A_264, %add3A_267, %get3A_192 : vector<16xi1>, vector<16xi32>
        %broadcast_in_dim3A_269 = vector.shape_cast %select_n3A_268 : vector<16xi32> to vector<16x1xi32>
        %gather3A_270 = vector.shape_cast %broadcast_in_dim3A_269 : vector<16x1xi32> to vector<16xi32>
        %gather3A_271 = tpu.dynamic_gather %gather3A_33[%gather3A_270] in [0] : vector<16xf32>, vector<16xi32> -> vector<16xf32>
        %mul3A_272 = arith.constant 16 : i32
        %mul3A_273 = arith.muli %scan3A_187, %mul3A_272 : i32
        %swap3A_274 = arith.constant 3 : i32
        %swap3A_275 = arith.constant 4 : i32
        %swap3A_276 = arith.index_cast %swap3A_274 : i32 to index
        %swap3A_277 = arith.index_cast %swap3A_275 : i32 to index
        %swap3A_278 = arith.index_cast %mul3A_273 : i32 to index
        %swap3A_279 = tpu.vector_load %arg9[%swap3A_276, %swap3A_277, %swap3A_278] {strides = array<i32>} : memref<4x16x512xf32, #tpu.memory_space<vmem>>, vector<16xf32>,
        tpu.vector_store %arg9[%swap3A_276, %swap3A_277, %swap3A_278], %gather3A_271 {strides = array<i32>} : memref<4x16x512xf32, #tpu.memory_space<vmem>>, vector<16xf32>,
        %lt3A_280 = arith.constant 0 : i32
        %lt3A_281 = vector.broadcast %lt3A_280 : i32 to vector<16xi32>
        %lt3A_282 = arith.cmpi slt, %get3A_192, %lt3A_281 : vector<16xi32>
        %add3A_283 = arith.constant 16 : i32
        %add3A_284 = vector.broadcast %add3A_283 : i32 to vector<16xi32>
        %add3A_285 = arith.addi %get3A_192, %add3A_284 : vector<16xi32>
        %select_n3A_286 = arith.select %lt3A_282, %add3A_285, %get3A_192 : vector<16xi1>, vector<16xi32>
        %broadcast_in_dim3A_287 = vector.shape_cast %select_n3A_286 : vector<16xi32> to vector<16x1xi32>
        %gather3A_288 = vector.shape_cast %broadcast_in_dim3A_287 : vector<16x1xi32> to vector<16xi32>
        %gather3A_289 = tpu.dynamic_gather %gather3A_37[%gather3A_288] in [0] : vector<16xf32>, vector<16xi32> -> vector<16xf32>
        %mul3A_290 = arith.constant 16 : i32
        %mul3A_291 = arith.muli %scan3A_187, %mul3A_290 : i32
        %swap3A_292 = arith.constant 3 : i32
        %swap3A_293 = arith.constant 5 : i32
        %swap3A_294 = arith.index_cast %swap3A_292 : i32 to index
        %swap3A_295 = arith.index_cast %swap3A_293 : i32 to index
        %swap3A_296 = arith.index_cast %mul3A_291 : i32 to index
        %swap3A_297 = tpu.vector_load %arg9[%swap3A_294, %swap3A_295, %swap3A_296] {strides = array<i32>} : memref<4x16x512xf32, #tpu.memory_space<vmem>>, vector<16xf32>,
        tpu.vector_store %arg9[%swap3A_294, %swap3A_295, %swap3A_296], %gather3A_289 {strides = array<i32>} : memref<4x16x512xf32, #tpu.memory_space<vmem>>, vector<16xf32>,
        %lt3A_298 = arith.constant 0 : i32
        %lt3A_299 = vector.broadcast %lt3A_298 : i32 to vector<16xi32>
        %lt3A_300 = arith.cmpi slt, %get3A_192, %lt3A_299 : vector<16xi32>
        %add3A_301 = arith.constant 16 : i32
        %add3A_302 = vector.broadcast %add3A_301 : i32 to vector<16xi32>
        %add3A_303 = arith.addi %get3A_192, %add3A_302 : vector<16xi32>
        %select_n3A_304 = arith.select %lt3A_300, %add3A_303, %get3A_192 : vector<16xi1>, vector<16xi32>
        %broadcast_in_dim3A_305 = vector.shape_cast %select_n3A_304 : vector<16xi32> to vector<16x1xi32>
        %gather3A_306 = vector.shape_cast %broadcast_in_dim3A_305 : vector<16x1xi32> to vector<16xi32>
        %gather3A_307 = tpu.dynamic_gather %gather3A_41[%gather3A_306] in [0] : vector<16xf32>, vector<16xi32> -> vector<16xf32>
        %mul3A_308 = arith.constant 16 : i32
        %mul3A_309 = arith.muli %scan3A_187, %mul3A_308 : i32
        %swap3A_310 = arith.constant 3 : i32
        %swap3A_311 = arith.constant 6 : i32
        %swap3A_312 = arith.index_cast %swap3A_310 : i32 to index
        %swap3A_313 = arith.index_cast %swap3A_311 : i32 to index
        %swap3A_314 = arith.index_cast %mul3A_309 : i32 to index
        %swap3A_315 = tpu.vector_load %arg9[%swap3A_312, %swap3A_313, %swap3A_314] {strides = array<i32>} : memref<4x16x512xf32, #tpu.memory_space<vmem>>, vector<16xf32>,
        tpu.vector_store %arg9[%swap3A_312, %swap3A_313, %swap3A_314], %gather3A_307 {strides = array<i32>} : memref<4x16x512xf32, #tpu.memory_space<vmem>>, vector<16xf32>,
        %lt3A_316 = arith.constant 0 : i32
        %lt3A_317 = vector.broadcast %lt3A_316 : i32 to vector<16xi32>
        %lt3A_318 = arith.cmpi slt, %get3A_192, %lt3A_317 : vector<16xi32>
        %add3A_319 = arith.constant 16 : i32
        %add3A_320 = vector.broadcast %add3A_319 : i32 to vector<16xi32>
        %add3A_321 = arith.addi %get3A_192, %add3A_320 : vector<16xi32>
        %select_n3A_322 = arith.select %lt3A_318, %add3A_321, %get3A_192 : vector<16xi1>, vector<16xi32>
        %broadcast_in_dim3A_323 = vector.shape_cast %select_n3A_322 : vector<16xi32> to vector<16x1xi32>
        %gather3A_324 = vector.shape_cast %broadcast_in_dim3A_323 : vector<16x1xi32> to vector<16xi32>
        %gather3A_325 = tpu.dynamic_gather %gather3A_45[%gather3A_324] in [0] : vector<16xf32>, vector<16xi32> -> vector<16xf32>
        %mul3A_326 = arith.constant 16 : i32
        %mul3A_327 = arith.muli %scan3A_187, %mul3A_326 : i32
        %swap3A_328 = arith.constant 3 : i32
        %swap3A_329 = arith.constant 7 : i32
        %swap3A_330 = arith.index_cast %swap3A_328 : i32 to index
        %swap3A_331 = arith.index_cast %swap3A_329 : i32 to index
        %swap3A_332 = arith.index_cast %mul3A_327 : i32 to index
        %swap3A_333 = tpu.vector_load %arg9[%swap3A_330, %swap3A_331, %swap3A_332] {strides = array<i32>} : memref<4x16x512xf32, #tpu.memory_space<vmem>>, vector<16xf32>,
        tpu.vector_store %arg9[%swap3A_330, %swap3A_331, %swap3A_332], %gather3A_325 {strides = array<i32>} : memref<4x16x512xf32, #tpu.memory_space<vmem>>, vector<16xf32>,
        %lt3A_334 = arith.constant 0 : i32
        %lt3A_335 = vector.broadcast %lt3A_334 : i32 to vector<16xi32>
        %lt3A_336 = arith.cmpi slt, %get3A_192, %lt3A_335 : vector<16xi32>
        %add3A_337 = arith.constant 16 : i32
        %add3A_338 = vector.broadcast %add3A_337 : i32 to vector<16xi32>
        %add3A_339 = arith.addi %get3A_192, %add3A_338 : vector<16xi32>
        %select_n3A_340 = arith.select %lt3A_336, %add3A_339, %get3A_192 : vector<16xi1>, vector<16xi32>
        %broadcast_in_dim3A_341 = vector.shape_cast %select_n3A_340 : vector<16xi32> to vector<16x1xi32>
        %gather3A_342 = vector.shape_cast %broadcast_in_dim3A_341 : vector<16x1xi32> to vector<16xi32>
        %gather3A_343 = tpu.dynamic_gather %gather3A_49[%gather3A_342] in [0] : vector<16xf32>, vector<16xi32> -> vector<16xf32>
        %mul3A_344 = arith.constant 16 : i32
        %mul3A_345 = arith.muli %scan3A_187, %mul3A_344 : i32
        %swap3A_346 = arith.constant 3 : i32
        %swap3A_347 = arith.constant 8 : i32
        %swap3A_348 = arith.index_cast %swap3A_346 : i32 to index
        %swap3A_349 = arith.index_cast %swap3A_347 : i32 to index
        %swap3A_350 = arith.index_cast %mul3A_345 : i32 to index
        %swap3A_351 = tpu.vector_load %arg9[%swap3A_348, %swap3A_349, %swap3A_350] {strides = array<i32>} : memref<4x16x512xf32, #tpu.memory_space<vmem>>, vector<16xf32>,
        tpu.vector_store %arg9[%swap3A_348, %swap3A_349, %swap3A_350], %gather3A_343 {strides = array<i32>} : memref<4x16x512xf32, #tpu.memory_space<vmem>>, vector<16xf32>,
        %lt3A_352 = arith.constant 0 : i32
        %lt3A_353 = vector.broadcast %lt3A_352 : i32 to vector<16xi32>
        %lt3A_354 = arith.cmpi slt, %get3A_192, %lt3A_353 : vector<16xi32>
        %add3A_355 = arith.constant 16 : i32
        %add3A_356 = vector.broadcast %add3A_355 : i32 to vector<16xi32>
        %add3A_357 = arith.addi %get3A_192, %add3A_356 : vector<16xi32>
        %select_n3A_358 = arith.select %lt3A_354, %add3A_357, %get3A_192 : vector<16xi1>, vector<16xi32>
        %broadcast_in_dim3A_359 = vector.shape_cast %select_n3A_358 : vector<16xi32> to vector<16x1xi32>
        %gather3A_360 = vector.shape_cast %broadcast_in_dim3A_359 : vector<16x1xi32> to vector<16xi32>
        %gather3A_361 = tpu.dynamic_gather %gather3A_53[%gather3A_360] in [0] : vector<16xf32>, vector<16xi32> -> vector<16xf32>
        %mul3A_362 = arith.constant 16 : i32
        %mul3A_363 = arith.muli %scan3A_187, %mul3A_362 : i32
        %swap3A_364 = arith.constant 3 : i32
        %swap3A_365 = arith.constant 9 : i32
        %swap3A_366 = arith.index_cast %swap3A_364 : i32 to index
        %swap3A_367 = arith.index_cast %swap3A_365 : i32 to index
        %swap3A_368 = arith.index_cast %mul3A_363 : i32 to index
        %swap3A_369 = tpu.vector_load %arg9[%swap3A_366, %swap3A_367, %swap3A_368] {strides = array<i32>} : memref<4x16x512xf32, #tpu.memory_space<vmem>>, vector<16xf32>,
        tpu.vector_store %arg9[%swap3A_366, %swap3A_367, %swap3A_368], %gather3A_361 {strides = array<i32>} : memref<4x16x512xf32, #tpu.memory_space<vmem>>, vector<16xf32>,
        %lt3A_370 = arith.constant 0 : i32
        %lt3A_371 = vector.broadcast %lt3A_370 : i32 to vector<16xi32>
        %lt3A_372 = arith.cmpi slt, %get3A_192, %lt3A_371 : vector<16xi32>
        %add3A_373 = arith.constant 16 : i32
        %add3A_374 = vector.broadcast %add3A_373 : i32 to vector<16xi32>
        %add3A_375 = arith.addi %get3A_192, %add3A_374 : vector<16xi32>
        %select_n3A_376 = arith.select %lt3A_372, %add3A_375, %get3A_192 : vector<16xi1>, vector<16xi32>
        %broadcast_in_dim3A_377 = vector.shape_cast %select_n3A_376 : vector<16xi32> to vector<16x1xi32>
        %gather3A_378 = vector.shape_cast %broadcast_in_dim3A_377 : vector<16x1xi32> to vector<16xi32>
        %gather3A_379 = tpu.dynamic_gather %gather3A_57[%gather3A_378] in [0] : vector<16xf32>, vector<16xi32> -> vector<16xf32>
        %mul3A_380 = arith.constant 16 : i32
        %mul3A_381 = arith.muli %scan3A_187, %mul3A_380 : i32
        %swap3A_382 = arith.constant 3 : i32
        %swap3A_383 = arith.constant 10 : i32
        %swap3A_384 = arith.index_cast %swap3A_382 : i32 to index
        %swap3A_385 = arith.index_cast %swap3A_383 : i32 to index
        %swap3A_386 = arith.index_cast %mul3A_381 : i32 to index
        %swap3A_387 = tpu.vector_load %arg9[%swap3A_384, %swap3A_385, %swap3A_386] {strides = array<i32>} : memref<4x16x512xf32, #tpu.memory_space<vmem>>, vector<16xf32>,
        tpu.vector_store %arg9[%swap3A_384, %swap3A_385, %swap3A_386], %gather3A_379 {strides = array<i32>} : memref<4x16x512xf32, #tpu.memory_space<vmem>>, vector<16xf32>,
        %lt3A_388 = arith.constant 0 : i32
        %lt3A_389 = vector.broadcast %lt3A_388 : i32 to vector<16xi32>
        %lt3A_390 = arith.cmpi slt, %get3A_192, %lt3A_389 : vector<16xi32>
        %add3A_391 = arith.constant 16 : i32
        %add3A_392 = vector.broadcast %add3A_391 : i32 to vector<16xi32>
        %add3A_393 = arith.addi %get3A_192, %add3A_392 : vector<16xi32>
        %select_n3A_394 = arith.select %lt3A_390, %add3A_393, %get3A_192 : vector<16xi1>, vector<16xi32>
        %broadcast_in_dim3A_395 = vector.shape_cast %select_n3A_394 : vector<16xi32> to vector<16x1xi32>
        %gather3A_396 = vector.shape_cast %broadcast_in_dim3A_395 : vector<16x1xi32> to vector<16xi32>
        %gather3A_397 = tpu.dynamic_gather %gather3A_61[%gather3A_396] in [0] : vector<16xf32>, vector<16xi32> -> vector<16xf32>
        %mul3A_398 = arith.constant 16 : i32
        %mul3A_399 = arith.muli %scan3A_187, %mul3A_398 : i32
        %swap3A_400 = arith.constant 3 : i32
        %swap3A_401 = arith.constant 11 : i32
        %swap3A_402 = arith.index_cast %swap3A_400 : i32 to index
        %swap3A_403 = arith.index_cast %swap3A_401 : i32 to index
        %swap3A_404 = arith.index_cast %mul3A_399 : i32 to index
        %swap3A_405 = tpu.vector_load %arg9[%swap3A_402, %swap3A_403, %swap3A_404] {strides = array<i32>} : memref<4x16x512xf32, #tpu.memory_space<vmem>>, vector<16xf32>,
        tpu.vector_store %arg9[%swap3A_402, %swap3A_403, %swap3A_404], %gather3A_397 {strides = array<i32>} : memref<4x16x512xf32, #tpu.memory_space<vmem>>, vector<16xf32>,
        %lt3A_406 = arith.constant 0 : i32
        %lt3A_407 = vector.broadcast %lt3A_406 : i32 to vector<16xi32>
        %lt3A_408 = arith.cmpi slt, %get3A_192, %lt3A_407 : vector<16xi32>
        %add3A_409 = arith.constant 16 : i32
        %add3A_410 = vector.broadcast %add3A_409 : i32 to vector<16xi32>
        %add3A_411 = arith.addi %get3A_192, %add3A_410 : vector<16xi32>
        %select_n3A_412 = arith.select %lt3A_408, %add3A_411, %get3A_192 : vector<16xi1>, vector<16xi32>
        %broadcast_in_dim3A_413 = vector.shape_cast %select_n3A_412 : vector<16xi32> to vector<16x1xi32>
        %gather3A_414 = vector.shape_cast %broadcast_in_dim3A_413 : vector<16x1xi32> to vector<16xi32>
        %gather3A_415 = tpu.dynamic_gather %gather3A_65[%gather3A_414] in [0] : vector<16xf32>, vector<16xi32> -> vector<16xf32>
        %mul3A_416 = arith.constant 16 : i32
        %mul3A_417 = arith.muli %scan3A_187, %mul3A_416 : i32
        %swap3A_418 = arith.constant 3 : i32
        %swap3A_419 = arith.constant 12 : i32
        %swap3A_420 = arith.index_cast %swap3A_418 : i32 to index
        %swap3A_421 = arith.index_cast %swap3A_419 : i32 to index
        %swap3A_422 = arith.index_cast %mul3A_417 : i32 to index
        %swap3A_423 = tpu.vector_load %arg9[%swap3A_420, %swap3A_421, %swap3A_422] {strides = array<i32>} : memref<4x16x512xf32, #tpu.memory_space<vmem>>, vector<16xf32>,
        tpu.vector_store %arg9[%swap3A_420, %swap3A_421, %swap3A_422], %gather3A_415 {strides = array<i32>} : memref<4x16x512xf32, #tpu.memory_space<vmem>>, vector<16xf32>,
        %lt3A_424 = arith.constant 0 : i32
        %lt3A_425 = vector.broadcast %lt3A_424 : i32 to vector<16xi32>
        %lt3A_426 = arith.cmpi slt, %get3A_192, %lt3A_425 : vector<16xi32>
        %add3A_427 = arith.constant 16 : i32
        %add3A_428 = vector.broadcast %add3A_427 : i32 to vector<16xi32>
        %add3A_429 = arith.addi %get3A_192, %add3A_428 : vector<16xi32>
        %select_n3A_430 = arith.select %lt3A_426, %add3A_429, %get3A_192 : vector<16xi1>, vector<16xi32>
        %broadcast_in_dim3A_431 = vector.shape_cast %select_n3A_430 : vector<16xi32> to vector<16x1xi32>
        %gather3A_432 = vector.shape_cast %broadcast_in_dim3A_431 : vector<16x1xi32> to vector<16xi32>
        %gather3A_433 = tpu.dynamic_gather %gather3A_69[%gather3A_432] in [0] : vector<16xf32>, vector<16xi32> -> vector<16xf32>
        %mul3A_434 = arith.constant 16 : i32
        %mul3A_435 = arith.muli %scan3A_187, %mul3A_434 : i32
        %swap3A_436 = arith.constant 3 : i32
        %swap3A_437 = arith.constant 13 : i32
        %swap3A_438 = arith.index_cast %swap3A_436 : i32 to index
        %swap3A_439 = arith.index_cast %swap3A_437 : i32 to index
        %swap3A_440 = arith.index_cast %mul3A_435 : i32 to index
        %swap3A_441 = tpu.vector_load %arg9[%swap3A_438, %swap3A_439, %swap3A_440] {strides = array<i32>} : memref<4x16x512xf32, #tpu.memory_space<vmem>>, vector<16xf32>,
        tpu.vector_store %arg9[%swap3A_438, %swap3A_439, %swap3A_440], %gather3A_433 {strides = array<i32>} : memref<4x16x512xf32, #tpu.memory_space<vmem>>, vector<16xf32>,
        %lt3A_442 = arith.constant 0 : i32
        %lt3A_443 = vector.broadcast %lt3A_442 : i32 to vector<16xi32>
        %lt3A_444 = arith.cmpi slt, %get3A_192, %lt3A_443 : vector<16xi32>
        %add3A_445 = arith.constant 16 : i32
        %add3A_446 = vector.broadcast %add3A_445 : i32 to vector<16xi32>
        %add3A_447 = arith.addi %get3A_192, %add3A_446 : vector<16xi32>
        %select_n3A_448 = arith.select %lt3A_444, %add3A_447, %get3A_192 : vector<16xi1>, vector<16xi32>
        %broadcast_in_dim3A_449 = vector.shape_cast %select_n3A_448 : vector<16xi32> to vector<16x1xi32>
        %gather3A_450 = vector.shape_cast %broadcast_in_dim3A_449 : vector<16x1xi32> to vector<16xi32>
        %gather3A_451 = tpu.dynamic_gather %gather3A_73[%gather3A_450] in [0] : vector<16xf32>, vector<16xi32> -> vector<16xf32>
        %mul3A_452 = arith.constant 16 : i32
        %mul3A_453 = arith.muli %scan3A_187, %mul3A_452 : i32
        %swap3A_454 = arith.constant 3 : i32
        %swap3A_455 = arith.constant 14 : i32
        %swap3A_456 = arith.index_cast %swap3A_454 : i32 to index
        %swap3A_457 = arith.index_cast %swap3A_455 : i32 to index
        %swap3A_458 = arith.index_cast %mul3A_453 : i32 to index
        %swap3A_459 = tpu.vector_load %arg9[%swap3A_456, %swap3A_457, %swap3A_458] {strides = array<i32>} : memref<4x16x512xf32, #tpu.memory_space<vmem>>, vector<16xf32>,
        tpu.vector_store %arg9[%swap3A_456, %swap3A_457, %swap3A_458], %gather3A_451 {strides = array<i32>} : memref<4x16x512xf32, #tpu.memory_space<vmem>>, vector<16xf32>,
        %lt3A_460 = arith.constant 0 : i32
        %lt3A_461 = vector.broadcast %lt3A_460 : i32 to vector<16xi32>
        %lt3A_462 = arith.cmpi slt, %get3A_192, %lt3A_461 : vector<16xi32>
        %add3A_463 = arith.constant 16 : i32
        %add3A_464 = vector.broadcast %add3A_463 : i32 to vector<16xi32>
        %add3A_465 = arith.addi %get3A_192, %add3A_464 : vector<16xi32>
        %select_n3A_466 = arith.select %lt3A_462, %add3A_465, %get3A_192 : vector<16xi1>, vector<16xi32>
        %broadcast_in_dim3A_467 = vector.shape_cast %select_n3A_466 : vector<16xi32> to vector<16x1xi32>
        %gather3A_468 = vector.shape_cast %broadcast_in_dim3A_467 : vector<16x1xi32> to vector<16xi32>
        %gather3A_469 = tpu.dynamic_gather %gather3A_77[%gather3A_468] in [0] : vector<16xf32>, vector<16xi32> -> vector<16xf32>
        %mul3A_470 = arith.constant 16 : i32
        %mul3A_471 = arith.muli %scan3A_187, %mul3A_470 : i32
        %swap3A_472 = arith.constant 3 : i32
        %swap3A_473 = arith.constant 15 : i32
        %swap3A_474 = arith.index_cast %swap3A_472 : i32 to index
        %swap3A_475 = arith.index_cast %swap3A_473 : i32 to index
        %swap3A_476 = arith.index_cast %mul3A_471 : i32 to index
        %swap3A_477 = tpu.vector_load %arg9[%swap3A_474, %swap3A_475, %swap3A_476] {strides = array<i32>} : memref<4x16x512xf32, #tpu.memory_space<vmem>>, vector<16xf32>,
        tpu.vector_store %arg9[%swap3A_474, %swap3A_475, %swap3A_476], %gather3A_469 {strides = array<i32>} : memref<4x16x512xf32, #tpu.memory_space<vmem>>, vector<16xf32>,
      }
      %scan3A_175 = arith.constant 32 : i32
      %dma_start3A_176 = arith.constant 0 : i32
      %dma_start3A_177 = tpu.memref_slice %arg4[%mul3A_144, %dma_start3A_176, %mul3A_2] : memref<200x16x16384xf32, #tpu.memory_space<hbm>> -> memref<4x16x512xf32, #tpu.memory_space<hbm>>
      %dma_start3A_178 = arith.constant 0 : i32
      %dma_start3A_179 = tpu.memref_slice %arg4[%mul3A_144, %dma_start3A_178, %mul3A_2] : memref<200x16x16384xf32, #tpu.memory_space<hbm>> -> memref<4x16x512xf32, #tpu.memory_space<hbm>>
      tpu.enqueue_dma source(%arg9 : memref<4x16x512xf32, #tpu.memory_space<vmem>>) target(%dma_start3A_179 : memref<4x16x512xf32, #tpu.memory_space<hbm>>) target_semaphore(%arg13 : memref<!tpu.dma_semaphore, #tpu.memory_space<semaphore_mem>>)
      %add3A_180 = arith.constant 1 : i32
      %add3A_181 = arith.addi %scan3A_94, %add3A_180 : i32
      %lt3A_182 = arith.constant 25 : i32
      %lt3A_183 = arith.cmpi slt, %add3A_181, %lt3A_182 : i32
      %convert_element_type3A_184 = arith.extui %lt3A_183 : i1 to i32
      %cond3A_185 = arith.constant 0 : i32
      %cond3A_186 = arith.cmpi ne, %convert_element_type3A_184, %cond3A_185 : i32
      scf.if %cond3A_186 {
        %add3A_187 = arith.constant 8 : i32
        %add3A_188 = arith.addi %mul3A_144, %add3A_187 : i32
        %dma_start3A_189 = tpu.memref_slice %arg2[%add3A_188, %mul3A_2] : memref<200x16384xi32, #tpu.memory_space<hbm>> -> memref<4x512xi32, #tpu.memory_space<hbm>>
        %dma_start3A_190 = tpu.memref_slice %arg2[%add3A_188, %mul3A_2] : memref<200x16384xi32, #tpu.memory_space<hbm>> -> memref<4x512xi32, #tpu.memory_space<hbm>>
        tpu.enqueue_dma source(%dma_start3A_190 : memref<4x512xi32, #tpu.memory_space<hbm>>) target(%arg7 : memref<4x512xi32, #tpu.memory_space<vmem>>) target_semaphore(%arg11 : memref<!tpu.dma_semaphore, #tpu.memory_space<semaphore_mem>>)
      } else {
      }
    }
    %scan3A_82 = arith.constant 25 : i32
    %dma_wait3A = arith.constant 192 : i32
    %dma_wait3A_83 = arith.constant 0 : i32
    %dma_wait3A_84 = tpu.memref_slice %arg4[%dma_wait3A, %dma_wait3A_83, %mul3A_2] : memref<200x16x16384xf32, #tpu.memory_space<hbm>> -> memref<4x16x512xf32, #tpu.memory_space<hbm>>
    %dma_wait3A_85 = arith.constant 192 : i32
    %dma_wait3A_86 = arith.constant 0 : i32
    %dma_wait3A_87 = tpu.memref_slice %arg4[%dma_wait3A_85, %dma_wait3A_86, %mul3A_2] : memref<200x16x16384xf32, #tpu.memory_space<hbm>> -> memref<4x16x512xf32, #tpu.memory_space<hbm>>
    tpu.wait_dma2 semaphore(%arg12 : memref<!tpu.dma_semaphore, #tpu.memory_space<semaphore_mem>>) src(%arg8 : memref<4x16x512xf32, #tpu.memory_space<vmem>>) dst(%dma_wait3A_87 : memref<4x16x512xf32, #tpu.memory_space<hbm>>)
    %dma_wait3A_88 = arith.constant 196 : i32
    %dma_wait3A_89 = arith.constant 0 : i32
    %dma_wait3A_90 = tpu.memref_slice %arg4[%dma_wait3A_88, %dma_wait3A_89, %mul3A_2] : memref<200x16x16384xf32, #tpu.memory_space<hbm>> -> memref<4x16x512xf32, #tpu.memory_space<hbm>>
    %dma_wait3A_91 = arith.constant 196 : i32
    %dma_wait3A_92 = arith.constant 0 : i32
    %dma_wait3A_93 = tpu.memref_slice %arg4[%dma_wait3A_91, %dma_wait3A_92, %mul3A_2] : memref<200x16x16384xf32, #tpu.memory_space<hbm>> -> memref<4x16x512xf32, #tpu.memory_space<hbm>>
    tpu.wait_dma2 semaphore(%arg13 : memref<!tpu.dma_semaphore, #tpu.memory_space<semaphore_mem>>) src(%arg9 : memref<4x16x512xf32, #tpu.memory_space<vmem>>) dst(%dma_wait3A_93 : memref<4x16x512xf32, #tpu.memory_space<hbm>>)
    return
  }
}

</mosaic_0001>

<sc_bundles>
// kernel: kernel.3.cloned.1.call-start
scs
__scs_entry_jumppad:
0x0: {  	(pc) =	sbr.rel $0x88, $3  }
0x1: {  	(tag) =	ssettag $0x0;
	lr =	simm.s32 $0x1  }
0x2: {  	[smem:$0x3F9F] =	sst lr;
	_ =	strace $0xD0000000  }
0x3: {  	_ = 	snop  }
0x4: {  	_ = 	snop  }
0x5: {  	_ = 	snop  }
0x6: {  	_ = 	snop  }
0x7: {  	_ = 	snop  }
__scs_overlays_trampoline_lowered:
0x8: {  	[smem:$0x3FAE] =	sst s0  }
0x9: {  	[smem:$0x3FAF] =	sst s1  }
0xa: {  	[smem:$0x3FB0] =	sst s2  }
0xb: {  	[smem:$0x3FB1] =	sst s3  }
0xc: {  	[smem:$0x3FB2] =	sst s4  }
0xd: {  	[smem:$0x3FB3] =	sst s5  }
0xe: {  	[smem:$0x3FB4] =	sst s6  }
0xf: {  	[smem:$0x3FB5] =	sst s7  }
0x10: {  	[smem:$0x3FB6] =	sst s8  }
0x11: {  	[smem:$0x3FB7] =	sst s9;
	s0 =	simm.s32 @!p0 $0x0  }
0x12: {  	s1 =	sld [smem:$0x3F9D];
	s0 =	simm.s32 @p0 $0x1  }
0x13: {  	[smem:$0x3FB8] =	sst s0;
	s0 =	simm.s32 @!p1 $0x0  }
0x14: {  	s2 =	sld [smem:$0x3F9C];
	s0 =	simm.s32 @p1 $0x1  }
0x15: {  	[smem:$0x3FB9] =	sst s0;
	s0 =	simm.s32 @!p2 $0x0  }
0x16: {  	s3 =	sld [smem:$0x3FDB];
	s0 =	simm.s32 @p2 $0x1  }
0x17: {  	s4 =	simm.s32 $0x1BF5;
	[smem:$0x3FBB] =	sst s0  }
0x18: {  	s0 =	sld [smem:$0x3F9E];
	_ =	swait.ge [sflag:s4], $0x0  }
0x19: {  	s7 =	sld [smem:$0x3F9F]  }
0x1a: {  	s8 =	sadd.s32 $0xFFFFE003, lr  }
0x1b: {  	s9 =	sadd.s32 $0xFFFFFEF7, lr;
	s5 =	simm.s32 $0xFFFFFFFF;
	p2 =	slt.u32 s8, $0xFFFFF086  }
0x1c: {  	p1 =	slt.u32 s9, $0xF7A;
	s5 =	simm.s32 @!p2 $0x0  }
0x1d: {  	s5 =	simm.s32 @p1 $0x1;
	p0 =	seq.s32 s7, s2  }
0x1e: {  	s7 =	smul.u32 @!p0 $0xF7A, s2;
	p2 =	seq.s32 @!p0 s5, $0x0  }
0x1f: {  	s9 =	smul.u32 $0xF7A, s1;
	s8 =	simm.s32 @!p0 $0x1BF5;
	p2 =	por !p2, p0  }
0x20: {  	[sflag:s8] =	ssyncset.s32 @!p0 $0xFFFFF086;
	s6 =	sadd.s32 @!p0 s3, s7;
	s7 =	simm.s32 @!p0 $0x108  }
0x21: {  	s3 =	sadd.s32 s3, s9;
	s6 =	sadd.s32 @!p0 $0x88, s6;
	s7 =	simm.s32 @p2 $0x1082  }
0x22: {  	[simem:s7], [sflag:s8] =	dma.local @!p0 [hbm:s6], $0xF7A  }
0x23: {  	s9 =	sor.u32 $0xD0000000, s2;
	s6 =	simm.s32 $0x108;
	_ =	swait.ge @!p0 [sflag:s8], $0x0  }
0x24: {  	s3 =	sadd.s32 $0x88, s3;
	s6 =	simm.s32 @!p1 $0x1082;
	[sflag:s4] =	ssyncset.s32 $0xFFFFF086  }
0x25: {  	[simem:s6], [sflag:s4] =	dma.local [hbm:s3], $0xF7A  }
0x26: {  	[smem:$0x3F9F] =	sst s1;
	(tag) =	ssettag s2;
	_ =	strace s9  }
0x27: {  	s1 =	sld [smem:$0x3FAF]  }
0x28: {  	s2 =	sld [smem:$0x3FB0]  }
0x29: {  	s4 =	sld [smem:$0x3FB2]  }
0x2a: {  	p0 =	seq.s32 s5, $0x0;
	s5 =	sld [smem:$0x3FB3]  }
0x2b: {  	s6 =	sld [smem:$0x3FB4]  }
0x2c: {  	s7 =	sld [smem:$0x3FB5]  }
0x2d: {  	s3 =	simm.s32 $0x108;
	s8 =	sld [smem:$0x3FB6]  }
0x2e: {  	s3 =	simm.s32 @!p0 $0x1082;
	s9 =	sld [smem:$0x3FB7]  }
0x2f: {  	lr =	sadd.s32 s0, s3;
	s0 =	sld [smem:$0x3FAE]  }
0x30: {  	s3 =	sld [smem:$0x3FB1]  }
0x31: {  	[smem:$0x3FBA] =	sst s10  }
0x32: {  	s10 =	sld [smem:$0x3FB8];
	_ =	sdelay $0x3  }
0x33: {  	p0 =	seq.s32 s10, $0x1;
	s10 =	sld [smem:$0x3FBA];
	_ =	sdelay $0x3  }
0x34: {  	[smem:$0x3FBA] =	sst s10  }
0x35: {  	s10 =	sld [smem:$0x3FB9];
	_ =	sdelay $0x3  }
0x36: {  	p1 =	seq.s32 s10, $0x1;
	s10 =	sld [smem:$0x3FBA];
	_ =	sdelay $0x3  }
0x37: {  	[smem:$0x3FBA] =	sst s10  }
0x38: {  	s10 =	sld [smem:$0x3FBB]  }
0x39: {  	_ = 	snop;
	(pc) =	sbr.ind lr, $3  }
0x3a: {  	_ = 	snop  }
0x3b: {  	_ = 	snop  }
0x3c: {  	p2 =	seq.s32 s10, $0x1;
	s10 =	sld [smem:$0x3FBA]  }
0x3d: {  	_ =	shalt  }
0x3e: {  	_ =	shalt  }
0x3f: {  	_ =	shalt  }
0x40: {  	_ =	shalt  }
0x41: {  	_ =	shalt  }
0x42: {  	_ =	shalt  }
0x43: {  	_ =	shalt  }
0x44: {  	_ =	shalt  }
0x45: {  	_ =	shalt  }
0x46: {  	_ =	shalt  }
0x47: {  	_ =	shalt  }
0x48: {  	_ =	shalt  }
0x49: {  	_ =	shalt  }
0x4a: {  	_ =	shalt  }
0x4b: {  	_ =	shalt  }
0x4c: {  	_ =	shalt  }
0x4d: {  	_ =	shalt  }
0x4e: {  	_ =	shalt  }
0x4f: {  	_ =	shalt  }
0x50: {  	_ =	shalt  }
0x51: {  	_ =	shalt  }
0x52: {  	_ =	shalt  }
0x53: {  	_ =	shalt  }
0x54: {  	_ =	shalt  }
0x55: {  	_ =	shalt  }
0x56: {  	_ =	shalt  }
0x57: {  	_ =	shalt  }
0x58: {  	_ =	shalt  }
0x59: {  	_ =	shalt  }
0x5a: {  	_ =	shalt  }
0x5b: {  	_ =	shalt  }
0x5c: {  	_ =	shalt  }
0x5d: {  	_ =	shalt  }
0x5e: {  	_ =	shalt  }
0x5f: {  	_ =	shalt  }
0x60: {  	_ =	shalt  }
0x61: {  	_ =	shalt  }
0x62: {  	_ =	shalt  }
0x63: {  	_ =	shalt  }
0x64: {  	_ =	shalt  }
0x65: {  	_ =	shalt  }
0x66: {  	_ =	shalt  }
0x67: {  	_ =	shalt  }
0x68: {  	_ =	shalt  }
0x69: {  	_ =	shalt  }
0x6a: {  	_ =	shalt  }
0x6b: {  	_ =	shalt  }
0x6c: {  	_ =	shalt  }
0x6d: {  	_ =	shalt  }
0x6e: {  	_ =	shalt  }
0x6f: {  	_ =	shalt  }
0x70: {  	_ =	shalt  }
0x71: {  	_ =	shalt  }
0x72: {  	_ =	shalt  }
0x73: {  	_ =	shalt  }
0x74: {  	_ =	shalt  }
0x75: {  	_ =	shalt  }
0x76: {  	_ =	shalt  }
0x77: {  	_ =	shalt  }
0x78: {  	_ =	shalt  }
0x79: {  	_ =	shalt  }
0x7a: {  	_ =	shalt  }
0x7b: {  	_ =	shalt  }
0x7c: {  	_ =	shalt  }
0x7d: {  	_ =	shalt  }
0x7e: {  	_ =	shalt  }
0x7f: {  	_ =	shalt  }
0x80: {  	_ =	shalt  }
0x81: {  	_ =	shalt  }
0x82: {  	_ =	shalt  }
0x83: {  	_ =	shalt  }
0x84: {  	_ =	shalt  }
0x85: {  	_ =	shalt  }
0x86: {  	_ =	shalt  }
0x87: {  	_ =	shalt  }
.Lfunc_end0:
.L_simem_size_0:
called_computation_lowered:
.L_overlay_start_0:
0x88: {  	s2 =	sld [smem:$0x3FD9]  }
0x89: {  	s3 =	sld [smem:$0x3FFE];
	_ =	sdelay $0x1  }
0x8a: {  	s1 =	srdreg.scid  }
0x8b: {  	s0 =	sand.u32 $0x1, s1  }
0x8c: {  	s17 =	sshll.u32 s0, $0xA;
	s2 =	sadd.s32 s3, s2  }
0x8d: {  	s2 =	sadd.s32 s2, s17  }
0x8e: {  	[smem:$0x3FC6] =	sst s2  }
0x8f: {  	_ = 	snop  }
0x90: {  	s2 =	sld [smem:$0x3FC9]  }
0x91: {  	s18 =	sld [smem:$0x3FD0];
	(tm) =	ssettm $0x1  }
0x92: {  	s4 =	sld [smem:$0x3FFB];
	_ =	sdelay $0x3  }
0x93: {  	_ =	strace s4  }
0x94: {  	s4 =	sld [smem:$0x3FFC];
	_ =	sdelay $0x3  }
0x95: {  	_ =	strace s4  }
0x96: {  	s4 =	sld [smem:$0x3FFD];
	_ =	sdelay $0x3  }
0x97: {  	_ =	strace s4  }
0x98: {  	_ =	strace $0x8FFFFFFF  }
0x99: {  	s19 =	sld [smem:$0x3FDB];
	_ =	sdelay $0x1  }
0x9a: {  	s5 =	simm.s32 $_scs_section_size  }
0x9b: {  	s6 =	simm.s32 $_size__tile_overlayer_lowered;
	s7 =	simm.s32 $_tile_overlayer_lowered  }
0x9c: {  	s22 =	simm.s32 $0x1BFF;
	s21 =	sshll.u32 s7, $0x1;
	s4 =	sadd.s32 s5, s19  }
0x9d: {  	s8 =	simm.s32 $0x0;
	s20 =	sshll.u32 s6, $0x1;
	s6 =	sadd.s32 s21, s4  }
0x9e: {  	[timem:s8], [sflag:s22] =	dma.local [hbm:s6], s20  }
0x9f: {  	_ =	swait.ge [sflag:s22], s20  }
0xa0: {  	s5 =	ssub.s32 $0x0, s20;
	[sflag:s22] =	ssyncset.done $0x0  }
0xa1: {  	[sflag:s22] =	ssyncadd.s32 s5;
	_ =	sdelay $0x1  }
0xa2: {  	s23 =	simm.s32 $0x1B8B  }
0xa3: {  	_ =	swait.ge [sflag:s23], $0x1  }
0xa4: {  	[sflag:s23] =	ssyncset.done $0x0  }
0xa5: {  	s25 =	simm.s32 $0x1B8E;
	s24 =	sld [smem:$0x3FFE];
	[sflag:s23] =	ssyncadd.s32 $0xFFFFFFFF  }
0xa6: {  	s26 =	simm.s32 $execute0_lowered;
	[smem:$0x3FD2] =	sst s25  }
0xa7: {  	s6 =	sshll.u32 s26, $0x1;
	_ =	strace $0x80000046;
	[dreg:$0x1] =	wrdreg $0xFFFFFFFF  }
0xa8: {  	s28 =	simm.s32 $_size_execute0_lowered;
	s4 =	sadd.s32 s4, s6;
	[dreg:$0x0] =	wrdreg $0x0  }
0xa9: {  	s6 =	sshll.u32 s28, $0x1;
	[dreg:$0x2] =	wrdreg s4  }
0xaa: {  	[dreg:$0x3] =	wrdreg s6  }
0xab: {  	[dreg:$0x4] =	wrdreg $0xC0  }
0xac: {  	_ =	task [dreg:s8], $0x5FFFF  }
0xad: {  	[dreg:$0x1] =	wrdreg $0xFFFFFFFF  }
0xae: {  	[dreg:$0x0] =	wrdreg $0x60  }
0xaf: {  	[dreg:$0x2] =	wrdreg s2  }
0xb0: {  	[dreg:$0x3] =	wrdreg s24  }
0xb1: {  	[dreg:$0x4] =	wrdreg s18  }
0xb2: {  	[dreg:$0x5] =	wrdreg $0x9  }
0xb3: {  	_ =	task.clear_ibuf [dreg:s8], $0x6FFFF;
	_ =	strace $0x90000046  }
0xb4: {  	s29 =	simm.s32 $0x9;
	_ =	strace $0x80000048  }
0xb5: {  	_ =	swait.ge [sflag:s29], $0x1  }
0xb6: {  	[sflag:s29] =	ssyncadd.s32 $0xFFFFFFFF  }
0xb7: {  	_ =	strace $0x90000048  }
0xb8: {  	_ =	sfence  }
0xb9: {  	s30 =	sld [smem:$0x0];
	_ =	sdelay $0x2  }
0xba: {  	s31 =	sshll.u32 s1, $0xD;
	s1 =	sshrl.u32 s1, $0x2  }
0xbb: {  	s3 =	sand.u32 $0x4000, s31;
	s1 =	sadd.s32 s1, s30  }
0xbc: {  	s0 =	sor.u32 s3, s0;
	s1 =	sshll.u32 s1, $0x11  }
0xbd: {  	s0 =	sor.u32 s1, s0  }
0xbe: {  	s0 =	sadd.s32 $0x8F2B, s0  }
0xbf: {  	[sflag:s0] =	ssyncadd.remote.s32 $0x1  }
0xc0: {  	_ =	sfence.sel $0xFFFF  }
0xc1: {  	[dreg:$0x0] =	wrdreg $0xFFFFFFFF;
	(pc) =	sbr.abs _section_cstart, $3  }
0xc2: {  	[dreg:$0x1] =	wrdreg $0xFFFFFFFF  }
0xc3: {  	_ =	task.clear_ibuf [dreg:s8], $0x2FFFF;
	_ =	strace $0x9FFFFFFF  }
0xc4: {  	(tm) =	ssettm $0x7FFFFFFF  }
0xc5: {  	_ =	shalt  }
tec
execute0_lowered:
.L_overlay_start_1:
0x0: {  	(tag) =	ssettag $0x1  }
0x1: {  	v0 =	vimm.s32 $0x30201000;
	vm1 =	vcmask $0xF00;
	vm0 =	vcmask $0x1310  }
0x2: {  	v1 =	vimm.s32 $0x31211101;
	v2 =	vimm.s32 $0x32221202;
	v3 =	vimm.s32 $0x33231303  }
0x3: {  	v4 =	vimm.s32 $0x34241404;
	v5 =	vimm.s32 $0x35251505;
	v6 =	vimm.s32 $0x36261606  }
0x4: {  	v7 =	vimm.s32 $0x37271707;
	v8 =	vimm.s32 $0x38281808;
	v9 =	vimm.s32 $0x39291909  }
0x5: {  	v10 =	vimm.s32 $0x3A2A1A0A;
	v11 =	vimm.s32 $0x3B2B1B0B;
	v12 =	vimm.s32 $0x3C2C1C0C  }
0x6: {  	v13 =	vimm.s32 $0x3D2D1D0D;
	v14 =	vimm.s32 $0x3E2E1E0E;
	v15 =	vimm.s32 $0x3F2F1F0F  }
0x7: {  	v0 =	vunpack.c.0.s8.s32 v0;
	v1 =	vunpack.c.0.s8.s32 v1;
	v2 =	vunpack.c.0.s8.s32 v2  }
0x8: {  	v3 =	vunpack.c.0.s8.s32 v3;
	v4 =	vunpack.c.0.s8.s32 v4;
	v5 =	vunpack.c.0.s8.s32 v5  }
0x9: {  	s0 =	rddreg [dreg:$0x0];
	v6 =	vunpack.c.0.s8.s32 v6;
	v7 =	vunpack.c.0.s8.s32 v7;
	v8 =	vunpack.c.0.s8.s32 v8  }
0xa: {  	s1 =	rddreg [dreg:$0x1];
	v9 =	vunpack.c.0.s8.s32 v9;
	v10 =	vunpack.c.0.s8.s32 v10;
	v11 =	vunpack.c.0.s8.s32 v11  }
0xb: {  	s2 =	rddreg [dreg:$0x2];
	s3 =	simm.s32 $0x0;
	v12 =	vunpack.c.0.s8.s32 v12;
	v13 =	vunpack.c.0.s8.s32 v13;
	v14 =	vunpack.c.0.s8.s32 v14  }
0xc: {  	s4 =	srdreg.scid;
	s6 =	stileid.u32;
	s17 =	simm.s32 $0x5;
	v15 =	vunpack.c.0.s8.s32 v15;
	v0 =	vnsel vm1, $0x50, v0;
	v1 =	vnsel vm1, $0x51, v1  }
0xd: {  	s18 =	simm.s32 $0x1;
	s19 =	simm.s32 $0x1000;
	s20 =	simm.s32 $0x20000;
	v2 =	vnsel vm1, $0x52, v2;
	v3 =	vnsel vm1, $0x53, v3;
	v4 =	vnsel vm1, $0x54, v4  }
0xe: {  	s21 =	simm.s32 $0x1080;
	s22 =	simm.s32 $0x2;
	s23 =	simm.s32 $0x9080;
	v5 =	vnsel vm1, $0x55, v5;
	v6 =	vnsel vm1, $0x56, v6;
	v7 =	vnsel vm1, $0x57, v7  }
0xf: {  	s24 =	simm.s32 $0x3;
	s25 =	simm.s32 $0x4;
	s26 =	simm.s32 $0x0;
	v8 =	vnsel vm1, $0x58, v8;
	v9 =	vnsel vm1, $0x59, v9;
	v10 =	vnsel vm1, $0x5A, v10  }
0x10: {  	[smem:$0x7FF] =	sst s3;
	s4 =	sand.u32 $0x1, s4;
	s6 =	sshll.u32 s6, $0xD;
	v11 =	vnsel vm1, $0x5B, v11;
	v12 =	vnsel vm1, $0x5C, v12;
	v13 =	vnsel vm1, $0x5D, v13  }
0x11: {  	s1 =	sadd.s32 $0x400, s1;
	s5 =	ssub.s32 $0x2, s4;
	s4 =	sshll.u32 s4, $0xC;
	v14 =	vnsel vm1, $0x5E, v14;
	v15 =	vnsel vm1, $0x5F, v15;
	v0 =	vsel vm0, $0x40, v0  }
.Ltmp0:
0x12: {  	_ =	strace $0x80000047;
	s6 =	sor.u32 s4, s6;
	v1 =	vsel vm0, $0x41, v1;
	v2 =	vsel vm0, $0x42, v2;
	v3 =	vsel vm0, $0x43, v3;
	(pc) =	sbr.rel .LBB2_1-.Ltmp0, $4  }
0x13: {  	[dreg:$0x4] =	wrdreg s1;
	s7 =	sshrl.u32 s5, $0x1;
	v4 =	vsel vm0, $0x44, v4;
	v5 =	vsel vm0, $0x45, v5;
	v6 =	vsel vm0, $0x46, v6;
	s4 =	sshrl.u32 s6, $0x3  }
0x14: {  	s30 =	ssub.s32 s5, s7;
	s7 =	sadd.s32 $0x40, s0;
	v7 =	vsel vm0, $0x47, v7;
	v8 =	vsel vm0, $0x48, v8;
	v9 =	vsel vm0, $0x49, v9;
	s31 =	sadd.s32 s0, s4  }
0x15: {  	s9 =	sadd.s32 $0x20000, s2;
	v10 =	vsel vm0, $0x4A, v10;
	v11 =	vsel vm0, $0x4B, v11;
	v12 =	vsel vm0, $0x4C, v12;
	s4 =	sadd.s32 s4, s7;
	[dreg:$0x5] =	wrdreg s31  }
0x16: {  	s8 =	sor.u32 $0x20000, s6;
	v13 =	vsel vm0, $0x4D, v13;
	v14 =	vsel vm0, $0x4E, v14;
	v15 =	vsel vm0, $0x4F, v15;
	s14 =	smax.u32 s30, $0x1;
	[dreg:$0x6] =	wrdreg s4  }
.LBB2_27:
0x17: {  	s26 =	sadd.s32 $0x1, s26  }
0x18: {  	_ =	swait.ge [sflag:s24], $0x8000;
	p0 =	sne.s32 s26, s14  }
.Ltmp1:
0x19: {  	[sflag:s24] =	ssyncset.done $0x0;
	(pc) =	sbr.rel @!p0 .LBB2_28-.Ltmp1, $4  }
0x1a: {  	[sflag:s24] =	ssyncadd.s32 $0xFFFF8000  }
0x1b: {  	_ =	swait.ge [sflag:s25], $0x8000  }
0x1c: {  	[sflag:s25] =	ssyncset.done $0x0  }
0x1d: {  	[sflag:s25] =	ssyncadd.s32 $0xFFFF8000  }
.LBB2_1:
0x1e: {  	s1 =	simm.s32 $0x200  }
0x1f: {  	s4 =	simm.s32 $0x400;
	s5 =	rddreg [dreg:$0x5];
	s10 =	simm.s32 $0x80  }
0x20: {  	[tilespmem:s10], [sflag:$0x1] =	stream.strided.gather [hbm4b:s5+s1], $0x800, s4, s1, $0x38;
	[tilespmem:$0x11080] =	vst v63  }
0x21: {  	s29 =	rddreg [dreg:$0x6];
	s30 =	simm.s32 $0x880  }
0x22: {  	[tilespmem:s30], [sflag:$0x2] =	stream.strided.gather [hbm4b:s29+s1], $0x800, s4, s1, $0x38;
	[tilespmem:$0x11080] =	vst v63  }
0x23: {  	s31 =	rddreg [dreg:$0x4]  }
0x24: {  	[tilespmem:s3], [sflag:$0x5] =	stream.linear.gather [hbm4b:s31+s3], $0x80, $0x38;
	[tilespmem:$0x11080] =	vst v63  }
0x25: {  	_ =	swait.ge [sflag:s17], $0x80  }
0x26: {  	[sflag:s17] =	ssyncset.done $0x0  }
0x27: {  	[sflag:s17] =	ssyncadd.s32 $0xFFFFFF80  }
0x28: {  	v16 =	vld.idx.msk [tilespmem:v0+s3+$0x0], $0xffff  }
0x29: {  	v17 =	vld.idx.msk [tilespmem:v1+s3+$0x0], $0xffff  }
0x2a: {  	v18 =	vld.idx.msk [tilespmem:v2+s3+$0x0], $0xffff  }
0x2b: {  	v19 =	vld.idx.msk [tilespmem:v3+s3+$0x0], $0xffff  }
0x2c: {  	v20 =	vld.idx.msk [tilespmem:v4+s3+$0x0], $0xffff  }
0x2d: {  	v21 =	vld.idx.msk [tilespmem:v5+s3+$0x0], $0xffff  }
0x2e: {  	v22 =	vld.idx.msk [tilespmem:v6+s3+$0x0], $0xffff  }
0x2f: {  	v23 =	vld.idx.msk [tilespmem:v7+s3+$0x0], $0xffff  }
0x30: {  	v24 =	vld.idx.msk [tilespmem:v8+s3+$0x0], $0xffff  }
0x31: {  	v25 =	vld.idx.msk [tilespmem:v9+s3+$0x0], $0xffff  }
0x32: {  	v26 =	vld.idx.msk [tilespmem:v10+s3+$0x0], $0xffff  }
0x33: {  	v27 =	vld.idx.msk [tilespmem:v11+s3+$0x0], $0xffff  }
0x34: {  	v28 =	vld.idx.msk [tilespmem:v12+s3+$0x0], $0xffff  }
0x35: {  	v29 =	vld.idx.msk [tilespmem:v13+s3+$0x0], $0xffff  }
0x36: {  	v30 =	vld.idx.msk [tilespmem:v14+s3+$0x0], $0xffff  }
0x37: {  	s28 =	simm.s32 $0x0;
	v31 =	vld.idx.msk [tilespmem:v15+s3+$0x0], $0xffff  }
.LBB2_2:
0x38: {  	p0 =	seq.s32 s28, $0x0  }
0x39: {  	s1 =	simm.s32 @!p0 $0x3  }
0x3a: {  	_ =	swait.ge @!p0 [sflag:s1], $0x8000  }
0x3b: {  	[sflag:s1] =	ssyncset.done @!p0 $0x0  }
0x3c: {  	[sflag:s1] =	ssyncadd.s32 @!p0 $0xFFFF8000  }
0x3d: {  	s16 =	simm.s32 $0x0;
	s5 =	simm.s32 $0x0;
	_ =	swait.ge [sflag:s18], $0x800  }
0x3e: {  	s4 =	sand.u32 $0x70, s16;
	s30 =	sand.u32 $0x3FFFFE00, s5;
	[sflag:s18] =	ssyncset.done $0x0  }
0x3f: {  	s15 =	sor.u32 s4, s30;
	[sflag:s18] =	ssyncadd.s32 $0xFFFFF800  }
0x40: {  	v32 =	vld [tilespmem:s15+$0x80];
	_ =	sdelay $0x4  }
0x41: {  	v33 =	vshrl.u32 v32, $0x1B  }
0x42: {  	v33 =	vand.u32 $0x10, v33  }
0x43: {  	s31 =	simm.s32 $0x0;
	v32 =	vadd.s32 v32, v33  }
0x44: {  	s29 =	sand.u32 $0x3FFFFC00, s31;
	v33 =	vperm.xlane v16, v32  }
0x45: {  	s16 =	sor.u32 s4, s29;
	v34 =	vperm.xlane v17, v32  }
0x46: {  	v35 =	vperm.xlane v18, v32;
	[tilespmem:s16+$0x1080] =	vst v33  }
0x47: {  	v53 =	vperm.xlane v19, v32;
	[tilespmem:s16+$0x1100] =	vst v34  }
0x48: {  	v54 =	vperm.xlane v20, v32;
	[tilespmem:s16+$0x1180] =	vst v35  }
0x49: {  	v55 =	vperm.xlane v21, v32;
	[tilespmem:s16+$0x1200] =	vst v53  }
0x4a: {  	v56 =	vperm.xlane v22, v32;
	[tilespmem:s16+$0x1280] =	vst v54  }
0x4b: {  	v57 =	vperm.xlane v23, v32;
	[tilespmem:s16+$0x1300] =	vst v55  }
0x4c: {  	v58 =	vperm.xlane v24, v32;
	[tilespmem:s16+$0x1380] =	vst v56  }
0x4d: {  	v59 =	vperm.xlane v25, v32;
	[tilespmem:s16+$0x1400] =	vst v57  }
0x4e: {  	v60 =	vperm.xlane v26, v32;
	[tilespmem:s16+$0x2080] =	vst v58  }
0x4f: {  	v61 =	vperm.xlane v27, v32;
	[tilespmem:s16+$0x2100] =	vst v59  }
0x50: {  	v62 =	vperm.xlane v28, v32;
	[tilespmem:s16+$0x2180] =	vst v60  }
0x51: {  	v63 =	vperm.xlane v29, v32;
	[tilespmem:s16+$0x2200] =	vst v61  }
0x52: {  	s12 =	simm.s32 $0x40;
	s11 =	simm.s32 $0x10;
	[tilespmem:s16+$0x2280] =	vst v62;
	v33 =	vperm.xlane v30, v32  }
0x53: {  	s10 =	simm.s32 $0x1;
	s5 =	simm.s32 $0x2;
	s1 =	simm.s32 $0x1;
	v32 =	vperm.xlane v31, v32;
	[tilespmem:s16+$0x2300] =	vst v63  }
.LBB2_3:
0x54: {  	p0 =	sne.s32 s5, $0x1F;
	s30 =	sand.u32 $0x70, s11;
	s12 =	sand.u32 $0x3FFFFE00, s12;
	[tilespmem:s16+$0x2380] =	vst v33  }
0x55: {  	s12 =	sor.u32 s30, s12;
	[tilespmem:s16+$0x2400] =	vst v32  }
0x56: {  	v32 =	vld [tilespmem:s12+$0x80];
	_ =	sdelay $0x4  }
0x57: {  	v33 =	vshrl.u32 v32, $0x1B  }
0x58: {  	v33 =	vand.u32 $0x10, v33  }
0x59: {  	s12 =	sshll.u32 s10, $0x7;
	s10 =	smov.u32 s5;
	v32 =	vadd.s32 v32, v33  }
0x5a: {  	s12 =	sand.u32 $0x3FFFFC00, s12;
	v33 =	vperm.xlane v16, v32;
	v34 =	vperm.xlane v17, v32  }
0x5b: {  	s16 =	sor.u32 s30, s12;
	v35 =	vperm.xlane v18, v32;
	v36 =	vperm.xlane v19, v32  }
0x5c: {  	v37 =	vperm.xlane v21, v32;
	[tilespmem:s16+$0x1080] =	vst v33;
	v33 =	vperm.xlane v20, v32  }
0x5d: {  	v38 =	vperm.xlane v23, v32;
	[tilespmem:s16+$0x1100] =	vst v34;
	v34 =	vperm.xlane v22, v32  }
0x5e: {  	v39 =	vperm.xlane v25, v32;
	[tilespmem:s16+$0x1180] =	vst v35;
	v35 =	vperm.xlane v24, v32  }
0x5f: {  	v40 =	vperm.xlane v27, v32;
	[tilespmem:s16+$0x1200] =	vst v36;
	v36 =	vperm.xlane v26, v32  }
0x60: {  	v41 =	vperm.xlane v28, v32;
	v42 =	vperm.xlane v29, v32;
	[tilespmem:s16+$0x1280] =	vst v33  }
0x61: {  	v33 =	vperm.xlane v30, v32;
	v32 =	vperm.xlane v31, v32;
	[tilespmem:s16+$0x1300] =	vst v37  }
0x62: {  	[tilespmem:s16+$0x1380] =	vst v34  }
0x63: {  	[tilespmem:s16+$0x1400] =	vst v38  }
0x64: {  	[tilespmem:s16+$0x2080] =	vst v35  }
.Ltmp2:
0x65: {  	[tilespmem:s16+$0x2100] =	vst v39;
	(pc) =	sbr.rel @p0 .LBB2_3-.Ltmp2, $4  }
0x66: {  	[tilespmem:s16+$0x2180] =	vst v36  }
0x67: {  	[tilespmem:s16+$0x2200] =	vst v40  }
0x68: {  	[tilespmem:s16+$0x2280] =	vst v41  }
0x69: {  	s11 =	sadd.s32 $0x10, s11;
	s5 =	sadd.s32 $0x1, s5;
	s12 =	sshll.u32 s10, $0x6;
	[tilespmem:s16+$0x2300] =	vst v42  }
0x6a: {  	s5 =	sand.u32 $0x70, s11;
	s31 =	sand.u32 $0x3FFFFE00, s12;
	[tilespmem:s16+$0x2380] =	vst v33  }
0x6b: {  	[tilespmem:s16+$0x2400] =	vst v32;
	s11 =	sor.u32 s5, s31  }
0x6c: {  	v32 =	vld [tilespmem:s11+$0x80];
	_ =	sdelay $0x4  }
0x6d: {  	v37 =	vshrl.u32 v32, $0x1B  }
0x6e: {  	v33 =	vand.u32 $0x10, v37  }
0x6f: {  	s10 =	sshll.u32 s10, $0x7;
	v32 =	vadd.s32 v32, v33  }
0x70: {  	s10 =	sand.u32 $0x3FFFFC00, s10;
	v33 =	vperm.xlane v16, v32  }
0x71: {  	s5 =	sor.u32 s5, s10;
	v34 =	vperm.xlane v17, v32  }
0x72: {  	v35 =	vperm.xlane v18, v32;
	[tilespmem:s5+$0x1080] =	vst v33  }
0x73: {  	v38 =	vperm.xlane v19, v32;
	[tilespmem:s5+$0x1100] =	vst v34  }
0x74: {  	v39 =	vperm.xlane v20, v32;
	[tilespmem:s5+$0x1180] =	vst v35  }
0x75: {  	v40 =	vperm.xlane v21, v32;
	[tilespmem:s5+$0x1200] =	vst v38  }
0x76: {  	v41 =	vperm.xlane v22, v32;
	[tilespmem:s5+$0x1280] =	vst v39  }
0x77: {  	v42 =	vperm.xlane v23, v32;
	[tilespmem:s5+$0x1300] =	vst v40  }
0x78: {  	v43 =	vperm.xlane v24, v32;
	[tilespmem:s5+$0x1380] =	vst v41  }
0x79: {  	v44 =	vperm.xlane v25, v32;
	[tilespmem:s5+$0x1400] =	vst v42  }
0x7a: {  	v45 =	vperm.xlane v26, v32;
	[tilespmem:s5+$0x2080] =	vst v43  }
0x7b: {  	v46 =	vperm.xlane v27, v32;
	[tilespmem:s5+$0x2100] =	vst v44  }
0x7c: {  	v47 =	vperm.xlane v28, v32;
	[tilespmem:s5+$0x2180] =	vst v45  }
0x7d: {  	v48 =	vperm.xlane v29, v32;
	[tilespmem:s5+$0x2200] =	vst v46  }
0x7e: {  	v49 =	vperm.xlane v30, v32;
	[tilespmem:s5+$0x2280] =	vst v47  }
0x7f: {  	v32 =	vperm.xlane v31, v32;
	[tilespmem:s5+$0x2300] =	vst v48  }
0x80: {  	[tilespmem:s5+$0x2380] =	vst v49  }
0x81: {  	[tilespmem:s5+$0x2400] =	vst v32  }
0x82: {  	v32 =	vld [tilespmem:s15+$0x100];
	_ =	sdelay $0x4  }
0x83: {  	v50 =	vshrl.u32 v32, $0x1B  }
0x84: {  	v33 =	vand.u32 $0x10, v50  }
0x85: {  	v32 =	vadd.s32 v32, v33  }
0x86: {  	v33 =	vperm.xlane v16, v32  }
0x87: {  	s4 =	sor.u32 s4, s29;
	v51 =	vperm.xlane v17, v32  }
0x88: {  	v52 =	vperm.xlane v18, v32;
	[tilespmem:s4+$0x3080] =	vst v33  }
0x89: {  	v53 =	vperm.xlane v19, v32;
	[tilespmem:s4+$0x3100] =	vst v51  }
0x8a: {  	v54 =	vperm.xlane v20, v32;
	[tilespmem:s4+$0x3180] =	vst v52  }
0x8b: {  	v55 =	vperm.xlane v21, v32;
	[tilespmem:s4+$0x3200] =	vst v53  }
0x8c: {  	v56 =	vperm.xlane v22, v32;
	[tilespmem:s4+$0x3280] =	vst v54  }
0x8d: {  	v57 =	vperm.xlane v23, v32;
	[tilespmem:s4+$0x3300] =	vst v55  }
0x8e: {  	v58 =	vperm.xlane v24, v32;
	[tilespmem:s4+$0x3380] =	vst v56  }
0x8f: {  	v59 =	vperm.xlane v25, v32;
	[tilespmem:s4+$0x3400] =	vst v57  }
0x90: {  	v60 =	vperm.xlane v26, v32;
	[tilespmem:s4+$0x4080] =	vst v58  }
0x91: {  	v61 =	vperm.xlane v27, v32;
	[tilespmem:s4+$0x4100] =	vst v59  }
0x92: {  	v62 =	vperm.xlane v28, v32;
	[tilespmem:s4+$0x4180] =	vst v60  }
0x93: {  	v63 =	vperm.xlane v29, v32;
	[tilespmem:s4+$0x4200] =	vst v61  }
0x94: {  	[tilespmem:s4+$0x4280] =	vst v62;
	v33 =	vperm.xlane v30, v32  }
0x95: {  	s11 =	simm.s32 $0x40;
	s10 =	simm.s32 $0x10;
	s5 =	simm.s32 $0x2;
	v32 =	vperm.xlane v31, v32;
	[tilespmem:s4+$0x4300] =	vst v63  }
.LBB2_5:
0x96: {  	p0 =	sne.s32 s5, $0x1F;
	s12 =	sand.u32 $0x70, s10;
	s11 =	sand.u32 $0x3FFFFE00, s11;
	[tilespmem:s4+$0x4380] =	vst v33  }
0x97: {  	s11 =	sor.u32 s12, s11;
	[tilespmem:s4+$0x4400] =	vst v32  }
0x98: {  	v32 =	vld [tilespmem:s11+$0x100];
	_ =	sdelay $0x4  }
0x99: {  	v33 =	vshrl.u32 v32, $0x1B  }
0x9a: {  	v33 =	vand.u32 $0x10, v33  }
0x9b: {  	s4 =	sshll.u32 s1, $0x7;
	s1 =	smov.u32 s5;
	v32 =	vadd.s32 v32, v33  }
0x9c: {  	s4 =	sand.u32 $0x3FFFFC00, s4;
	v33 =	vperm.xlane v16, v32;
	v34 =	vperm.xlane v17, v32  }
0x9d: {  	s4 =	sor.u32 s12, s4;
	v35 =	vperm.xlane v18, v32;
	v36 =	vperm.xlane v19, v32  }
0x9e: {  	v37 =	vperm.xlane v21, v32;
	[tilespmem:s4+$0x3080] =	vst v33;
	v33 =	vperm.xlane v20, v32  }
0x9f: {  	v38 =	vperm.xlane v23, v32;
	[tilespmem:s4+$0x3100] =	vst v34;
	v34 =	vperm.xlane v22, v32  }
0xa0: {  	v39 =	vperm.xlane v25, v32;
	[tilespmem:s4+$0x3180] =	vst v35;
	v35 =	vperm.xlane v24, v32  }
0xa1: {  	v40 =	vperm.xlane v27, v32;
	[tilespmem:s4+$0x3200] =	vst v36;
	v36 =	vperm.xlane v26, v32  }
0xa2: {  	v41 =	vperm.xlane v28, v32;
	v42 =	vperm.xlane v29, v32;
	[tilespmem:s4+$0x3280] =	vst v33  }
0xa3: {  	v33 =	vperm.xlane v30, v32;
	v32 =	vperm.xlane v31, v32;
	[tilespmem:s4+$0x3300] =	vst v37  }
0xa4: {  	[tilespmem:s4+$0x3380] =	vst v34  }
0xa5: {  	[tilespmem:s4+$0x3400] =	vst v38  }
0xa6: {  	[tilespmem:s4+$0x4080] =	vst v35  }
.Ltmp3:
0xa7: {  	[tilespmem:s4+$0x4100] =	vst v39;
	(pc) =	sbr.rel @p0 .LBB2_5-.Ltmp3, $4  }
0xa8: {  	[tilespmem:s4+$0x4180] =	vst v36  }
0xa9: {  	[tilespmem:s4+$0x4200] =	vst v40  }
0xaa: {  	[tilespmem:s4+$0x4280] =	vst v41  }
0xab: {  	s10 =	sadd.s32 $0x10, s10;
	s5 =	sadd.s32 $0x1, s5;
	s11 =	sshll.u32 s1, $0x6;
	[tilespmem:s4+$0x4300] =	vst v42  }
0xac: {  	s5 =	sand.u32 $0x70, s10;
	s31 =	sand.u32 $0x3FFFFE00, s11;
	[tilespmem:s4+$0x4380] =	vst v33  }
0xad: {  	[tilespmem:s4+$0x4400] =	vst v32;
	s10 =	sor.u32 s5, s31  }
0xae: {  	v32 =	vld [tilespmem:s10+$0x100];
	_ =	sdelay $0x4  }
0xaf: {  	v51 =	vshrl.u32 v32, $0x1B  }
0xb0: {  	v33 =	vand.u32 $0x10, v51  }
0xb1: {  	s1 =	sshll.u32 s1, $0x7;
	v32 =	vadd.s32 v32, v33  }
0xb2: {  	s1 =	sand.u32 $0x3FFFFC00, s1;
	v33 =	vperm.xlane v16, v32  }
0xb3: {  	s5 =	sor.u32 s5, s1;
	v34 =	vperm.xlane v17, v32  }
0xb4: {  	v35 =	vperm.xlane v18, v32;
	[tilespmem:s5+$0x3080] =	vst v33  }
0xb5: {  	v52 =	vperm.xlane v19, v32;
	[tilespmem:s5+$0x3100] =	vst v34  }
0xb6: {  	v53 =	vperm.xlane v20, v32;
	[tilespmem:s5+$0x3180] =	vst v35  }
0xb7: {  	v54 =	vperm.xlane v21, v32;
	[tilespmem:s5+$0x3200] =	vst v52  }
0xb8: {  	v55 =	vperm.xlane v22, v32;
	[tilespmem:s5+$0x3280] =	vst v53  }
0xb9: {  	v56 =	vperm.xlane v23, v32;
	[tilespmem:s5+$0x3300] =	vst v54  }
0xba: {  	v57 =	vperm.xlane v24, v32;
	[tilespmem:s5+$0x3380] =	vst v55  }
0xbb: {  	v58 =	vperm.xlane v25, v32;
	[tilespmem:s5+$0x3400] =	vst v56  }
0xbc: {  	v59 =	vperm.xlane v26, v32;
	[tilespmem:s5+$0x4080] =	vst v57  }
0xbd: {  	v60 =	vperm.xlane v27, v32;
	[tilespmem:s5+$0x4100] =	vst v58  }
0xbe: {  	p1 =	por $0x1, $0x1;
	v61 =	vperm.xlane v28, v32;
	[tilespmem:s5+$0x4180] =	vst v59  }
.Ltmp4:
0xbf: {  	v62 =	vperm.xlane v29, v32;
	[tilespmem:s5+$0x4200] =	vst v60;
	(pc) =	sbr.rel @!p1 .LBB2_10-.Ltmp4, $4  }
0xc0: {  	v63 =	vperm.xlane v30, v32;
	[tilespmem:s5+$0x4280] =	vst v61  }
0xc1: {  	s30 =	simm.s32 $0x0;
	s29 =	simm.s32 $0x1;
	p0 =	por $0x0, $0x0;
	v32 =	vperm.xlane v31, v32;
	[tilespmem:s5+$0x4300] =	vst v62  }
0xc2: {  	s16 =	simm.s32 $0x0;
	p2 =	por $0x0, $0x0;
	s4 =	sand.u32 $0x70, s30;
	[tilespmem:s5+$0x4380] =	vst v63  }
0xc3: {  	s1 =	simm.s32 $0x0;
	s10 =	simm.s32 $0x0;
	[tilespmem:s5+$0x4400] =	vst v32;
	s5 =	simm.s32 $0x0  }
0xc4: {  	s5 =	sand.u32 $0x3FFFFE00, s1  }
0xc5: {  	s5 =	sor.u32 s4, s5  }
0xc6: {  	v32 =	vld [tilespmem:s5+$0x180];
	_ =	sdelay $0x4  }
0xc7: {  	v33 =	vshrl.u32 v32, $0x1B  }
0xc8: {  	v33 =	vand.u32 $0x10, v33  }
0xc9: {  	s31 =	simm.s32 $0x0;
	v32 =	vadd.s32 v32, v33  }
0xca: {  	s5 =	sand.u32 $0x3FFFFC00, s31;
	v33 =	vperm.xlane v16, v32  }
0xcb: {  	s15 =	sor.u32 s4, s5;
	v34 =	vperm.xlane v17, v32  }
0xcc: {  	v35 =	vperm.xlane v18, v32;
	[tilespmem:s15+$0x5080] =	vst v33  }
0xcd: {  	v53 =	vperm.xlane v19, v32;
	[tilespmem:s15+$0x5100] =	vst v34  }
0xce: {  	v54 =	vperm.xlane v20, v32;
	[tilespmem:s15+$0x5180] =	vst v35  }
0xcf: {  	v55 =	vperm.xlane v21, v32;
	[tilespmem:s15+$0x5200] =	vst v53  }
0xd0: {  	v56 =	vperm.xlane v22, v32;
	[tilespmem:s15+$0x5280] =	vst v54  }
0xd1: {  	v57 =	vperm.xlane v23, v32;
	[tilespmem:s15+$0x5300] =	vst v55  }
0xd2: {  	v58 =	vperm.xlane v24, v32;
	[tilespmem:s15+$0x5380] =	vst v56  }
0xd3: {  	v59 =	vperm.xlane v25, v32;
	[tilespmem:s15+$0x5400] =	vst v57  }
0xd4: {  	p3 =	por $0x1, $0x1;
	v60 =	vperm.xlane v26, v32;
	[tilespmem:s15+$0x6080] =	vst v58  }
.Ltmp5:
0xd5: {  	v61 =	vperm.xlane v27, v32;
	[tilespmem:s15+$0x6100] =	vst v59;
	(pc) =	sbr.rel @!p3 .LBB2_8-.Ltmp5, $4  }
0xd6: {  	v62 =	vperm.xlane v28, v32;
	[tilespmem:s15+$0x6180] =	vst v60  }
0xd7: {  	v63 =	vperm.xlane v29, v32;
	[tilespmem:s15+$0x6200] =	vst v61  }
0xd8: {  	s11 =	simm.s32 $0x2;
	s16 =	simm.s32 $0x10;
	[tilespmem:s15+$0x6280] =	vst v62;
	v33 =	vperm.xlane v30, v32  }
0xd9: {  	p2 =	por $0x1, $0x1;
	s10 =	simm.s32 $0x1;
	s5 =	simm.s32 $0x40;
	v32 =	vperm.xlane v31, v32;
	[tilespmem:s15+$0x6300] =	vst v63  }
.LBB2_9:
0xda: {  	p3 =	sne.s32 s11, $0x1F;
	s12 =	sand.u32 $0x70, s16;
	s5 =	sand.u32 $0x3FFFFE00, s5;
	[tilespmem:s15+$0x6380] =	vst v33  }
0xdb: {  	s5 =	sor.u32 s12, s5;
	[tilespmem:s15+$0x6400] =	vst v32  }
0xdc: {  	v32 =	vld [tilespmem:s5+$0x180];
	_ =	sdelay $0x4  }
0xdd: {  	v33 =	vshrl.u32 v32, $0x1B  }
0xde: {  	v33 =	vand.u32 $0x10, v33  }
0xdf: {  	s5 =	sshll.u32 s10, $0x7;
	s10 =	smov.u32 s11;
	v32 =	vadd.s32 v32, v33  }
0xe0: {  	s5 =	sand.u32 $0x3FFFFC00, s5;
	v33 =	vperm.xlane v16, v32;
	v34 =	vperm.xlane v17, v32  }
0xe1: {  	s15 =	sor.u32 s12, s5;
	v35 =	vperm.xlane v18, v32;
	v36 =	vperm.xlane v19, v32  }
0xe2: {  	v37 =	vperm.xlane v21, v32;
	[tilespmem:s15+$0x5080] =	vst v33;
	v33 =	vperm.xlane v20, v32  }
0xe3: {  	v38 =	vperm.xlane v23, v32;
	[tilespmem:s15+$0x5100] =	vst v34;
	v34 =	vperm.xlane v22, v32  }
0xe4: {  	v39 =	vperm.xlane v25, v32;
	[tilespmem:s15+$0x5180] =	vst v35;
	v35 =	vperm.xlane v24, v32  }
0xe5: {  	v40 =	vperm.xlane v27, v32;
	[tilespmem:s15+$0x5200] =	vst v36;
	v36 =	vperm.xlane v26, v32  }
0xe6: {  	v41 =	vperm.xlane v28, v32;
	v42 =	vperm.xlane v29, v32;
	[tilespmem:s15+$0x5280] =	vst v33  }
0xe7: {  	v33 =	vperm.xlane v30, v32;
	v32 =	vperm.xlane v31, v32;
	[tilespmem:s15+$0x5300] =	vst v37  }
0xe8: {  	[tilespmem:s15+$0x5380] =	vst v34  }
0xe9: {  	[tilespmem:s15+$0x5400] =	vst v38  }
0xea: {  	[tilespmem:s15+$0x6080] =	vst v35  }
.Ltmp6:
0xeb: {  	[tilespmem:s15+$0x6100] =	vst v39;
	(pc) =	sbr.rel @p3 .LBB2_9-.Ltmp6, $4  }
0xec: {  	[tilespmem:s15+$0x6180] =	vst v36  }
0xed: {  	[tilespmem:s15+$0x6200] =	vst v40  }
0xee: {  	[tilespmem:s15+$0x6280] =	vst v41  }
0xef: {  	s16 =	sadd.s32 $0x10, s16;
	s11 =	sadd.s32 $0x1, s11;
	s5 =	sshll.u32 s10, $0x6;
	[tilespmem:s15+$0x6300] =	vst v42  }
.LBB2_10:
0xf0: {  	s11 =	sand.u32 $0x70, s16;
	s5 =	sand.u32 $0x3FFFFE00, s5;
	[tilespmem:s15+$0x6380] =	vst @p2 v33  }
0xf1: {  	[tilespmem:s15+$0x6400] =	vst @p2 v32;
	s5 =	sor.u32 s11, s5  }
0xf2: {  	v32 =	vld [tilespmem:s5+$0x180];
	_ =	sdelay $0x4  }
0xf3: {  	v51 =	vshrl.u32 v32, $0x1B  }
0xf4: {  	v33 =	vand.u32 $0x10, v51  }
0xf5: {  	s31 =	sshll.u32 s10, $0x7;
	v32 =	vadd.s32 v32, v33  }
0xf6: {  	s5 =	sand.u32 $0x3FFFFC00, s31;
	v33 =	vperm.xlane v16, v32  }
0xf7: {  	s5 =	sor.u32 s11, s5;
	v34 =	vperm.xlane v17, v32  }
0xf8: {  	v35 =	vperm.xlane v18, v32;
	[tilespmem:s5+$0x5080] =	vst v33  }
0xf9: {  	v52 =	vperm.xlane v19, v32;
	[tilespmem:s5+$0x5100] =	vst v34  }
0xfa: {  	v53 =	vperm.xlane v20, v32;
	[tilespmem:s5+$0x5180] =	vst v35  }
0xfb: {  	v54 =	vperm.xlane v21, v32;
	[tilespmem:s5+$0x5200] =	vst v52  }
0xfc: {  	v55 =	vperm.xlane v22, v32;
	[tilespmem:s5+$0x5280] =	vst v53  }
0xfd: {  	v56 =	vperm.xlane v23, v32;
	[tilespmem:s5+$0x5300] =	vst v54  }
0xfe: {  	v57 =	vperm.xlane v24, v32;
	[tilespmem:s5+$0x5380] =	vst v55  }
0xff: {  	v58 =	vperm.xlane v25, v32;
	[tilespmem:s5+$0x5400] =	vst v56  }
0x100: {  	v59 =	vperm.xlane v26, v32;
	[tilespmem:s5+$0x6080] =	vst v57  }
0x101: {  	v60 =	vperm.xlane v27, v32;
	[tilespmem:s5+$0x6100] =	vst v58  }
0x102: {  	v61 =	vperm.xlane v28, v32;
	[tilespmem:s5+$0x6180] =	vst v59  }
.Ltmp7:
0x103: {  	v62 =	vperm.xlane v29, v32;
	[tilespmem:s5+$0x6200] =	vst v60;
	(pc) =	sbr.rel @!p1 .LBB2_11-.Ltmp7, $4  }
0x104: {  	v63 =	vperm.xlane v30, v32;
	[tilespmem:s5+$0x6280] =	vst v61  }
0x105: {  	v32 =	vperm.xlane v31, v32;
	[tilespmem:s5+$0x6300] =	vst v62  }
0x106: {  	[tilespmem:s5+$0x6380] =	vst v63  }
0x107: {  	[tilespmem:s5+$0x6400] =	vst v32  }
0x108: {  	s1 =	sand.u32 $0x3FFFFE00, s1  }
0x109: {  	s1 =	sor.u32 s4, s1  }
0x10a: {  	v32 =	vld [tilespmem:s1+$0x200];
	_ =	sdelay $0x4  }
0x10b: {  	v33 =	vshrl.u32 v32, $0x1B  }
0x10c: {  	v33 =	vand.u32 $0x10, v33  }
0x10d: {  	s31 =	simm.s32 $0x0;
	v32 =	vadd.s32 v32, v33  }
0x10e: {  	s1 =	sand.u32 $0x3FFFFC00, s31;
	v33 =	vperm.xlane v16, v32  }
0x10f: {  	s4 =	sor.u32 s4, s1;
	v34 =	vperm.xlane v17, v32  }
0x110: {  	v35 =	vperm.xlane v18, v32;
	[tilespmem:s4+$0x7080] =	vst v33  }
0x111: {  	v53 =	vperm.xlane v19, v32;
	[tilespmem:s4+$0x7100] =	vst v34  }
0x112: {  	v54 =	vperm.xlane v20, v32;
	[tilespmem:s4+$0x7180] =	vst v35  }
0x113: {  	v55 =	vperm.xlane v21, v32;
	[tilespmem:s4+$0x7200] =	vst v53  }
0x114: {  	v56 =	vperm.xlane v22, v32;
	[tilespmem:s4+$0x7280] =	vst v54  }
0x115: {  	v57 =	vperm.xlane v23, v32;
	[tilespmem:s4+$0x7300] =	vst v55  }
0x116: {  	v58 =	vperm.xlane v24, v32;
	[tilespmem:s4+$0x7380] =	vst v56  }
0x117: {  	v59 =	vperm.xlane v25, v32;
	[tilespmem:s4+$0x7400] =	vst v57  }
0x118: {  	p1 =	por $0x1, $0x1;
	v60 =	vperm.xlane v26, v32;
	[tilespmem:s4+$0x8080] =	vst v58  }
.Ltmp8:
0x119: {  	v61 =	vperm.xlane v27, v32;
	[tilespmem:s4+$0x8100] =	vst v59;
	(pc) =	sbr.rel @!p1 .LBB2_14-.Ltmp8, $4  }
0x11a: {  	v62 =	vperm.xlane v28, v32;
	[tilespmem:s4+$0x8180] =	vst v60  }
0x11b: {  	v63 =	vperm.xlane v29, v32;
	[tilespmem:s4+$0x8200] =	vst v61  }
0x11c: {  	s5 =	simm.s32 $0x2;
	[tilespmem:s4+$0x8280] =	vst v62;
	v33 =	vperm.xlane v30, v32  }
0x11d: {  	s30 =	simm.s32 $0x10;
	p0 =	por $0x1, $0x1;
	s1 =	simm.s32 $0x40;
	v32 =	vperm.xlane v31, v32;
	[tilespmem:s4+$0x8300] =	vst v63  }
.LBB2_13:
0x11e: {  	p1 =	sne.s32 s5, $0x1F;
	s10 =	sand.u32 $0x70, s30;
	s1 =	sand.u32 $0x3FFFFE00, s1;
	[tilespmem:s4+$0x8380] =	vst v33  }
0x11f: {  	s1 =	sor.u32 s10, s1;
	[tilespmem:s4+$0x8400] =	vst v32  }
0x120: {  	v32 =	vld [tilespmem:s1+$0x200];
	_ =	sdelay $0x4  }
0x121: {  	v33 =	vshrl.u32 v32, $0x1B  }
0x122: {  	v33 =	vand.u32 $0x10, v33  }
0x123: {  	s1 =	sshll.u32 s29, $0x7;
	s29 =	smov.u32 s5;
	v32 =	vadd.s32 v32, v33  }
0x124: {  	s1 =	sand.u32 $0x3FFFFC00, s1;
	v33 =	vperm.xlane v16, v32;
	v34 =	vperm.xlane v17, v32  }
0x125: {  	s4 =	sor.u32 s10, s1;
	v35 =	vperm.xlane v18, v32;
	v36 =	vperm.xlane v19, v32  }
0x126: {  	v37 =	vperm.xlane v21, v32;
	[tilespmem:s4+$0x7080] =	vst v33;
	v33 =	vperm.xlane v20, v32  }
0x127: {  	v38 =	vperm.xlane v23, v32;
	[tilespmem:s4+$0x7100] =	vst v34;
	v34 =	vperm.xlane v22, v32  }
0x128: {  	v39 =	vperm.xlane v25, v32;
	[tilespmem:s4+$0x7180] =	vst v35;
	v35 =	vperm.xlane v24, v32  }
0x129: {  	v40 =	vperm.xlane v27, v32;
	[tilespmem:s4+$0x7200] =	vst v36;
	v36 =	vperm.xlane v26, v32  }
0x12a: {  	v41 =	vperm.xlane v28, v32;
	v42 =	vperm.xlane v29, v32;
	[tilespmem:s4+$0x7280] =	vst v33  }
0x12b: {  	v33 =	vperm.xlane v30, v32;
	v32 =	vperm.xlane v31, v32;
	[tilespmem:s4+$0x7300] =	vst v37  }
0x12c: {  	[tilespmem:s4+$0x7380] =	vst v34  }
0x12d: {  	[tilespmem:s4+$0x7400] =	vst v38  }
0x12e: {  	[tilespmem:s4+$0x8080] =	vst v35  }
.Ltmp9:
0x12f: {  	[tilespmem:s4+$0x8100] =	vst v39;
	(pc) =	sbr.rel @p1 .LBB2_13-.Ltmp9, $4  }
0x130: {  	[tilespmem:s4+$0x8180] =	vst v36  }
0x131: {  	[tilespmem:s4+$0x8200] =	vst v40  }
0x132: {  	[tilespmem:s4+$0x8280] =	vst v41  }
0x133: {  	s30 =	sadd.s32 $0x10, s30;
	s5 =	sadd.s32 $0x1, s5;
	s1 =	sshll.u32 s29, $0x6;
	[tilespmem:s4+$0x8300] =	vst v42  }
.LBB2_14:
0x134: {  	s5 =	sand.u32 $0x70, s30;
	s1 =	sand.u32 $0x3FFFFE00, s1;
	[tilespmem:s4+$0x8380] =	vst @p0 v33  }
0x135: {  	s1 =	sor.u32 s5, s1;
	[tilespmem:s4+$0x8400] =	vst @p0 v32  }
0x136: {  	v32 =	vld [tilespmem:s1+$0x200];
	_ =	sdelay $0x4  }
0x137: {  	v36 =	vshrl.u32 v32, $0x1B  }
0x138: {  	v33 =	vand.u32 $0x10, v36  }
0x139: {  	s4 =	sshll.u32 s29, $0x7;
	v32 =	vadd.s32 v32, v33  }
0x13a: {  	s1 =	sand.u32 $0x3FFFFC00, s4;
	v33 =	vperm.xlane v16, v32  }
0x13b: {  	s1 =	sor.u32 s5, s1;
	v34 =	vperm.xlane v17, v32  }
0x13c: {  	v35 =	vperm.xlane v18, v32;
	[tilespmem:s1+$0x7080] =	vst v33  }
0x13d: {  	v37 =	vperm.xlane v19, v32;
	[tilespmem:s1+$0x7100] =	vst v34  }
0x13e: {  	v38 =	vperm.xlane v20, v32;
	[tilespmem:s1+$0x7180] =	vst v35  }
0x13f: {  	v39 =	vperm.xlane v21, v32;
	[tilespmem:s1+$0x7200] =	vst v37  }
0x140: {  	v40 =	vperm.xlane v22, v32;
	[tilespmem:s1+$0x7280] =	vst v38  }
0x141: {  	v41 =	vperm.xlane v23, v32;
	[tilespmem:s1+$0x7300] =	vst v39  }
0x142: {  	v42 =	vperm.xlane v24, v32;
	[tilespmem:s1+$0x7380] =	vst v40  }
0x143: {  	v43 =	vperm.xlane v25, v32;
	[tilespmem:s1+$0x7400] =	vst v41  }
0x144: {  	v44 =	vperm.xlane v26, v32;
	[tilespmem:s1+$0x8080] =	vst v42  }
0x145: {  	v45 =	vperm.xlane v27, v32;
	[tilespmem:s1+$0x8100] =	vst v43  }
0x146: {  	v46 =	vperm.xlane v28, v32;
	[tilespmem:s1+$0x8180] =	vst v44  }
0x147: {  	v47 =	vperm.xlane v29, v32;
	[tilespmem:s1+$0x8200] =	vst v45  }
0x148: {  	s10 =	sshll.u32 s28, $0x15;
	v48 =	vperm.xlane v30, v32;
	[tilespmem:s1+$0x8280] =	vst v46  }
0x149: {  	s4 =	sor.u32 s6, s10;
	v32 =	vperm.xlane v31, v32;
	[tilespmem:s1+$0x8300] =	vst v47  }
0x14a: {  	p0 =	seq.s32 s28, $0x18;
	s29 =	sshrl.u32 s4, $0x3;
	[tilespmem:s1+$0x8380] =	vst v48  }
0x14b: {  	s11 =	sadd.s32 s2, s29;
	[tilespmem:s1+$0x8400] =	vst v32;
	s1 =	sshll.u32 @!p0 s28, $0x11  }
0x14c: {  	[hbm4b:s11+s19] =	stream.strided.scatter [tilespmem:s21], [sflag:$0x3], $0x8000, s20, s19, $0x38;
	[tilespmem:$0x11080] =	vst v63  }
0x14d: {  	p1 =	seq.s32 @!p0 s28, $0x0;
	s1 =	sadd.s32 @!p0 s8, s1  }
0x14e: {  	s10 =	simm.s32 @!p0 $0x80;
	s4 =	simm.s32 @!p0 $0x200;
	s30 =	sshrl.u32 @!p0 s1, $0x3  }
0x14f: {  	s5 =	simm.s32 @!p0 $0x400;
	p1 =	por p0, !p1;
	s1 =	sadd.s32 @!p0 s0, s30  }
0x150: {  	[tilespmem:s10], [sflag:$0x1] =	stream.strided.gather @!p0 [hbm4b:s1+s4], $0x800, s5, s4, $0x38;
	[tilespmem:$0x11080] =	vst v63  }
0x151: {  	_ =	swait.ge @p1 [sflag:s25], $0x8000  }
0x152: {  	[sflag:s25] =	ssyncset.done @p1 $0x0  }
0x153: {  	[sflag:s25] =	ssyncadd.s32 @p1 $0xFFFF8000  }
0x154: {  	s12 =	simm.s32 $0x0;
	s13 =	simm.s32 $0x0;
	_ =	swait.ge [sflag:s22], $0x800  }
0x155: {  	s15 =	sand.u32 $0x3FFFFE00, s13;
	s4 =	sand.u32 $0x70, s12;
	[sflag:s22] =	ssyncset.done $0x0  }
0x156: {  	s15 =	sor.u32 s4, s15;
	[sflag:s22] =	ssyncadd.s32 $0xFFFFF800  }
0x157: {  	v49 =	vld [tilespmem:s15+$0x880];
	_ =	sdelay $0x4  }
0x158: {  	v50 =	vshrl.u32 v49, $0x1B  }
0x159: {  	v33 =	vand.u32 $0x10, v50  }
0x15a: {  	s16 =	simm.s32 $0x0;
	v32 =	vadd.s32 v49, v33  }
0x15b: {  	s31 =	sand.u32 $0x3FFFFC00, s16;
	v33 =	vperm.xlane v16, v32  }
0x15c: {  	s16 =	sor.u32 s4, s31;
	v51 =	vperm.xlane v17, v32  }
0x15d: {  	v52 =	vperm.xlane v18, v32;
	[tilespmem:s16+$0x9080] =	vst v33  }
0x15e: {  	v53 =	vperm.xlane v19, v32;
	[tilespmem:s16+$0x9100] =	vst v51  }
0x15f: {  	v54 =	vperm.xlane v20, v32;
	[tilespmem:s16+$0x9180] =	vst v52  }
0x160: {  	v55 =	vperm.xlane v21, v32;
	[tilespmem:s16+$0x9200] =	vst v53  }
0x161: {  	v56 =	vperm.xlane v22, v32;
	[tilespmem:s16+$0x9280] =	vst v54  }
0x162: {  	v57 =	vperm.xlane v23, v32;
	[tilespmem:s16+$0x9300] =	vst v55  }
0x163: {  	v58 =	vperm.xlane v24, v32;
	[tilespmem:s16+$0x9380] =	vst v56  }
0x164: {  	v59 =	vperm.xlane v25, v32;
	[tilespmem:s16+$0x9400] =	vst v57  }
0x165: {  	v60 =	vperm.xlane v26, v32;
	[tilespmem:s16+$0xA080] =	vst v58  }
0x166: {  	v61 =	vperm.xlane v27, v32;
	[tilespmem:s16+$0xA100] =	vst v59  }
0x167: {  	v62 =	vperm.xlane v28, v32;
	[tilespmem:s16+$0xA180] =	vst v60  }
0x168: {  	v63 =	vperm.xlane v29, v32;
	[tilespmem:s16+$0xA200] =	vst v61  }
0x169: {  	s28 =	sadd.s32 $0x1, s28;
	s11 =	simm.s32 $0x10;
	s1 =	simm.s32 $0x1;
	[tilespmem:s16+$0xA280] =	vst v62;
	v33 =	vperm.xlane v30, v32  }
0x16a: {  	s12 =	simm.s32 $0x40;
	s5 =	simm.s32 $0x2;
	s10 =	simm.s32 $0x1;
	v32 =	vperm.xlane v31, v32;
	[tilespmem:s16+$0xA300] =	vst v63  }
.LBB2_15:
0x16b: {  	p1 =	sne.s32 s5, $0x1F;
	s13 =	sand.u32 $0x70, s11;
	s12 =	sand.u32 $0x3FFFFE00, s12;
	[tilespmem:s16+$0xA380] =	vst v33  }
0x16c: {  	s12 =	sor.u32 s13, s12;
	[tilespmem:s16+$0xA400] =	vst v32  }
0x16d: {  	v32 =	vld [tilespmem:s12+$0x880];
	_ =	sdelay $0x4  }
0x16e: {  	v33 =	vshrl.u32 v32, $0x1B  }
0x16f: {  	v33 =	vand.u32 $0x10, v33  }
0x170: {  	s12 =	sshll.u32 s10, $0x7;
	s10 =	smov.u32 s5;
	v32 =	vadd.s32 v32, v33  }
0x171: {  	s12 =	sand.u32 $0x3FFFFC00, s12;
	v33 =	vperm.xlane v16, v32;
	v34 =	vperm.xlane v17, v32  }
0x172: {  	s16 =	sor.u32 s13, s12;
	v35 =	vperm.xlane v18, v32;
	v36 =	vperm.xlane v19, v32  }
0x173: {  	v37 =	vperm.xlane v21, v32;
	[tilespmem:s16+$0x9080] =	vst v33;
	v33 =	vperm.xlane v20, v32  }
0x174: {  	v38 =	vperm.xlane v23, v32;
	[tilespmem:s16+$0x9100] =	vst v34;
	v34 =	vperm.xlane v22, v32  }
0x175: {  	v39 =	vperm.xlane v25, v32;
	[tilespmem:s16+$0x9180] =	vst v35;
	v35 =	vperm.xlane v24, v32  }
0x176: {  	v40 =	vperm.xlane v27, v32;
	[tilespmem:s16+$0x9200] =	vst v36;
	v36 =	vperm.xlane v26, v32  }
0x177: {  	v41 =	vperm.xlane v28, v32;
	v42 =	vperm.xlane v29, v32;
	[tilespmem:s16+$0x9280] =	vst v33  }
0x178: {  	v33 =	vperm.xlane v30, v32;
	v32 =	vperm.xlane v31, v32;
	[tilespmem:s16+$0x9300] =	vst v37  }
0x179: {  	[tilespmem:s16+$0x9380] =	vst v34  }
0x17a: {  	[tilespmem:s16+$0x9400] =	vst v38  }
0x17b: {  	[tilespmem:s16+$0xA080] =	vst v35  }
.Ltmp10:
0x17c: {  	[tilespmem:s16+$0xA100] =	vst v39;
	(pc) =	sbr.rel @p1 .LBB2_15-.Ltmp10, $4  }
0x17d: {  	[tilespmem:s16+$0xA180] =	vst v36  }
0x17e: {  	[tilespmem:s16+$0xA200] =	vst v40  }
0x17f: {  	[tilespmem:s16+$0xA280] =	vst v41  }
0x180: {  	s11 =	sadd.s32 $0x10, s11;
	s5 =	sadd.s32 $0x1, s5;
	s12 =	sshll.u32 s10, $0x6;
	[tilespmem:s16+$0xA300] =	vst v42  }
0x181: {  	s5 =	sand.u32 $0x70, s11;
	s13 =	sand.u32 $0x3FFFFE00, s12;
	[tilespmem:s16+$0xA380] =	vst v33  }
0x182: {  	[tilespmem:s16+$0xA400] =	vst v32;
	s11 =	sor.u32 s5, s13  }
0x183: {  	v32 =	vld [tilespmem:s11+$0x880];
	_ =	sdelay $0x4  }
0x184: {  	v37 =	vshrl.u32 v32, $0x1B  }
0x185: {  	v33 =	vand.u32 $0x10, v37  }
0x186: {  	s10 =	sshll.u32 s10, $0x7;
	v32 =	vadd.s32 v32, v33  }
0x187: {  	s10 =	sand.u32 $0x3FFFFC00, s10;
	v33 =	vperm.xlane v16, v32  }
0x188: {  	s5 =	sor.u32 s5, s10;
	v34 =	vperm.xlane v17, v32  }
0x189: {  	v35 =	vperm.xlane v18, v32;
	[tilespmem:s5+$0x9080] =	vst v33  }
0x18a: {  	v38 =	vperm.xlane v19, v32;
	[tilespmem:s5+$0x9100] =	vst v34  }
0x18b: {  	v39 =	vperm.xlane v20, v32;
	[tilespmem:s5+$0x9180] =	vst v35  }
0x18c: {  	v40 =	vperm.xlane v21, v32;
	[tilespmem:s5+$0x9200] =	vst v38  }
0x18d: {  	v41 =	vperm.xlane v22, v32;
	[tilespmem:s5+$0x9280] =	vst v39  }
0x18e: {  	v42 =	vperm.xlane v23, v32;
	[tilespmem:s5+$0x9300] =	vst v40  }
0x18f: {  	v43 =	vperm.xlane v24, v32;
	[tilespmem:s5+$0x9380] =	vst v41  }
0x190: {  	v44 =	vperm.xlane v25, v32;
	[tilespmem:s5+$0x9400] =	vst v42  }
0x191: {  	v45 =	vperm.xlane v26, v32;
	[tilespmem:s5+$0xA080] =	vst v43  }
0x192: {  	v46 =	vperm.xlane v27, v32;
	[tilespmem:s5+$0xA100] =	vst v44  }
0x193: {  	v47 =	vperm.xlane v28, v32;
	[tilespmem:s5+$0xA180] =	vst v45  }
0x194: {  	v48 =	vperm.xlane v29, v32;
	[tilespmem:s5+$0xA200] =	vst v46  }
0x195: {  	v49 =	vperm.xlane v30, v32;
	[tilespmem:s5+$0xA280] =	vst v47  }
0x196: {  	v32 =	vperm.xlane v31, v32;
	[tilespmem:s5+$0xA300] =	vst v48  }
0x197: {  	[tilespmem:s5+$0xA380] =	vst v49  }
0x198: {  	[tilespmem:s5+$0xA400] =	vst v32  }
0x199: {  	v32 =	vld [tilespmem:s15+$0x900];
	_ =	sdelay $0x4  }
0x19a: {  	v50 =	vshrl.u32 v32, $0x1B  }
0x19b: {  	v33 =	vand.u32 $0x10, v50  }
0x19c: {  	v32 =	vadd.s32 v32, v33  }
0x19d: {  	v33 =	vperm.xlane v16, v32  }
0x19e: {  	s4 =	sor.u32 s4, s31;
	v51 =	vperm.xlane v17, v32  }
0x19f: {  	v52 =	vperm.xlane v18, v32;
	[tilespmem:s4+$0xB080] =	vst v33  }
0x1a0: {  	v53 =	vperm.xlane v19, v32;
	[tilespmem:s4+$0xB100] =	vst v51  }
0x1a1: {  	v54 =	vperm.xlane v20, v32;
	[tilespmem:s4+$0xB180] =	vst v52  }
0x1a2: {  	v55 =	vperm.xlane v21, v32;
	[tilespmem:s4+$0xB200] =	vst v53  }
0x1a3: {  	v56 =	vperm.xlane v22, v32;
	[tilespmem:s4+$0xB280] =	vst v54  }
0x1a4: {  	v57 =	vperm.xlane v23, v32;
	[tilespmem:s4+$0xB300] =	vst v55  }
0x1a5: {  	v58 =	vperm.xlane v24, v32;
	[tilespmem:s4+$0xB380] =	vst v56  }
0x1a6: {  	v59 =	vperm.xlane v25, v32;
	[tilespmem:s4+$0xB400] =	vst v57  }
0x1a7: {  	v60 =	vperm.xlane v26, v32;
	[tilespmem:s4+$0xC080] =	vst v58  }
0x1a8: {  	v61 =	vperm.xlane v27, v32;
	[tilespmem:s4+$0xC100] =	vst v59  }
0x1a9: {  	v62 =	vperm.xlane v28, v32;
	[tilespmem:s4+$0xC180] =	vst v60  }
0x1aa: {  	v63 =	vperm.xlane v29, v32;
	[tilespmem:s4+$0xC200] =	vst v61  }
0x1ab: {  	[tilespmem:s4+$0xC280] =	vst v62;
	v33 =	vperm.xlane v30, v32  }
0x1ac: {  	s11 =	simm.s32 $0x40;
	s10 =	simm.s32 $0x10;
	s5 =	simm.s32 $0x2;
	v32 =	vperm.xlane v31, v32;
	[tilespmem:s4+$0xC300] =	vst v63  }
.LBB2_17:
0x1ad: {  	p1 =	sne.s32 s5, $0x1F;
	s12 =	sand.u32 $0x70, s10;
	s11 =	sand.u32 $0x3FFFFE00, s11;
	[tilespmem:s4+$0xC380] =	vst v33  }
0x1ae: {  	s11 =	sor.u32 s12, s11;
	[tilespmem:s4+$0xC400] =	vst v32  }
0x1af: {  	v32 =	vld [tilespmem:s11+$0x900];
	_ =	sdelay $0x4  }
0x1b0: {  	v33 =	vshrl.u32 v32, $0x1B  }
0x1b1: {  	v33 =	vand.u32 $0x10, v33  }
0x1b2: {  	s4 =	sshll.u32 s1, $0x7;
	s1 =	smov.u32 s5;
	v32 =	vadd.s32 v32, v33  }
0x1b3: {  	s4 =	sand.u32 $0x3FFFFC00, s4;
	v33 =	vperm.xlane v16, v32;
	v34 =	vperm.xlane v17, v32  }
0x1b4: {  	s4 =	sor.u32 s12, s4;
	v35 =	vperm.xlane v18, v32;
	v36 =	vperm.xlane v19, v32  }
0x1b5: {  	v37 =	vperm.xlane v21, v32;
	[tilespmem:s4+$0xB080] =	vst v33;
	v33 =	vperm.xlane v20, v32  }
0x1b6: {  	v38 =	vperm.xlane v23, v32;
	[tilespmem:s4+$0xB100] =	vst v34;
	v34 =	vperm.xlane v22, v32  }
0x1b7: {  	v39 =	vperm.xlane v25, v32;
	[tilespmem:s4+$0xB180] =	vst v35;
	v35 =	vperm.xlane v24, v32  }
0x1b8: {  	v40 =	vperm.xlane v27, v32;
	[tilespmem:s4+$0xB200] =	vst v36;
	v36 =	vperm.xlane v26, v32  }
0x1b9: {  	v41 =	vperm.xlane v28, v32;
	v42 =	vperm.xlane v29, v32;
	[tilespmem:s4+$0xB280] =	vst v33  }
0x1ba: {  	v33 =	vperm.xlane v30, v32;
	v32 =	vperm.xlane v31, v32;
	[tilespmem:s4+$0xB300] =	vst v37  }
0x1bb: {  	[tilespmem:s4+$0xB380] =	vst v34  }
0x1bc: {  	[tilespmem:s4+$0xB400] =	vst v38  }
0x1bd: {  	[tilespmem:s4+$0xC080] =	vst v35  }
.Ltmp11:
0x1be: {  	[tilespmem:s4+$0xC100] =	vst v39;
	(pc) =	sbr.rel @p1 .LBB2_17-.Ltmp11, $4  }
0x1bf: {  	[tilespmem:s4+$0xC180] =	vst v36  }
0x1c0: {  	[tilespmem:s4+$0xC200] =	vst v40  }
0x1c1: {  	[tilespmem:s4+$0xC280] =	vst v41  }
0x1c2: {  	s10 =	sadd.s32 $0x10, s10;
	s5 =	sadd.s32 $0x1, s5;
	s11 =	sshll.u32 s1, $0x6;
	[tilespmem:s4+$0xC300] =	vst v42  }
0x1c3: {  	s5 =	sand.u32 $0x70, s10;
	s16 =	sand.u32 $0x3FFFFE00, s11;
	[tilespmem:s4+$0xC380] =	vst v33  }
0x1c4: {  	[tilespmem:s4+$0xC400] =	vst v32;
	s10 =	sor.u32 s5, s16  }
0x1c5: {  	v32 =	vld [tilespmem:s10+$0x900];
	_ =	sdelay $0x4  }
0x1c6: {  	v51 =	vshrl.u32 v32, $0x1B  }
0x1c7: {  	v33 =	vand.u32 $0x10, v51  }
0x1c8: {  	s1 =	sshll.u32 s1, $0x7;
	v32 =	vadd.s32 v32, v33  }
0x1c9: {  	s1 =	sand.u32 $0x3FFFFC00, s1;
	v33 =	vperm.xlane v16, v32  }
0x1ca: {  	s5 =	sor.u32 s5, s1;
	v34 =	vperm.xlane v17, v32  }
0x1cb: {  	v35 =	vperm.xlane v18, v32;
	[tilespmem:s5+$0xB080] =	vst v33  }
0x1cc: {  	v52 =	vperm.xlane v19, v32;
	[tilespmem:s5+$0xB100] =	vst v34  }
0x1cd: {  	v53 =	vperm.xlane v20, v32;
	[tilespmem:s5+$0xB180] =	vst v35  }
0x1ce: {  	v54 =	vperm.xlane v21, v32;
	[tilespmem:s5+$0xB200] =	vst v52  }
0x1cf: {  	v55 =	vperm.xlane v22, v32;
	[tilespmem:s5+$0xB280] =	vst v53  }
0x1d0: {  	v56 =	vperm.xlane v23, v32;
	[tilespmem:s5+$0xB300] =	vst v54  }
0x1d1: {  	v57 =	vperm.xlane v24, v32;
	[tilespmem:s5+$0xB380] =	vst v55  }
0x1d2: {  	v58 =	vperm.xlane v25, v32;
	[tilespmem:s5+$0xB400] =	vst v56  }
0x1d3: {  	v59 =	vperm.xlane v26, v32;
	[tilespmem:s5+$0xC080] =	vst v57  }
0x1d4: {  	v60 =	vperm.xlane v27, v32;
	[tilespmem:s5+$0xC100] =	vst v58  }
0x1d5: {  	p2 =	por $0x1, $0x1;
	v61 =	vperm.xlane v28, v32;
	[tilespmem:s5+$0xC180] =	vst v59  }
.Ltmp12:
0x1d6: {  	v62 =	vperm.xlane v29, v32;
	[tilespmem:s5+$0xC200] =	vst v60;
	(pc) =	sbr.rel @!p2 .LBB2_22-.Ltmp12, $4  }
0x1d7: {  	v63 =	vperm.xlane v30, v32;
	[tilespmem:s5+$0xC280] =	vst v61  }
0x1d8: {  	s4 =	simm.s32 $0x0;
	s31 =	simm.s32 $0x1;
	p1 =	por $0x0, $0x0;
	v32 =	vperm.xlane v31, v32;
	[tilespmem:s5+$0xC300] =	vst v62  }
0x1d9: {  	s12 =	simm.s32 $0x0;
	s11 =	simm.s32 $0x0;
	s1 =	simm.s32 $0x0;
	[tilespmem:s5+$0xC380] =	vst v63  }
0x1da: {  	p3 =	por $0x0, $0x0;
	s10 =	simm.s32 $0x0;
	s15 =	sand.u32 $0x70, s1;
	[tilespmem:s5+$0xC400] =	vst v32  }
0x1db: {  	s5 =	sand.u32 $0x3FFFFE00, s4  }
0x1dc: {  	s5 =	sor.u32 s15, s5  }
0x1dd: {  	v32 =	vld [tilespmem:s5+$0x980];
	_ =	sdelay $0x4  }
0x1de: {  	v33 =	vshrl.u32 v32, $0x1B  }
0x1df: {  	v33 =	vand.u32 $0x10, v33  }
0x1e0: {  	s16 =	simm.s32 $0x0;
	v32 =	vadd.s32 v32, v33  }
0x1e1: {  	s5 =	sand.u32 $0x3FFFFC00, s16;
	v33 =	vperm.xlane v16, v32  }
0x1e2: {  	s16 =	sor.u32 s15, s5;
	v34 =	vperm.xlane v17, v32  }
0x1e3: {  	v35 =	vperm.xlane v18, v32;
	[tilespmem:s16+$0xD080] =	vst v33  }
0x1e4: {  	v53 =	vperm.xlane v19, v32;
	[tilespmem:s16+$0xD100] =	vst v34  }
0x1e5: {  	v54 =	vperm.xlane v20, v32;
	[tilespmem:s16+$0xD180] =	vst v35  }
0x1e6: {  	v55 =	vperm.xlane v21, v32;
	[tilespmem:s16+$0xD200] =	vst v53  }
0x1e7: {  	v56 =	vperm.xlane v22, v32;
	[tilespmem:s16+$0xD280] =	vst v54  }
0x1e8: {  	v57 =	vperm.xlane v23, v32;
	[tilespmem:s16+$0xD300] =	vst v55  }
0x1e9: {  	v58 =	vperm.xlane v24, v32;
	[tilespmem:s16+$0xD380] =	vst v56  }
0x1ea: {  	v59 =	vperm.xlane v25, v32;
	[tilespmem:s16+$0xD400] =	vst v57  }
0x1eb: {  	p4 =	por $0x1, $0x1;
	v60 =	vperm.xlane v26, v32;
	[tilespmem:s16+$0xE080] =	vst v58  }
.Ltmp13:
0x1ec: {  	v61 =	vperm.xlane v27, v32;
	[tilespmem:s16+$0xE100] =	vst v59;
	(pc) =	sbr.rel @!p4 .LBB2_20-.Ltmp13, $4  }
0x1ed: {  	v62 =	vperm.xlane v28, v32;
	[tilespmem:s16+$0xE180] =	vst v60  }
0x1ee: {  	v63 =	vperm.xlane v29, v32;
	[tilespmem:s16+$0xE200] =	vst v61  }
0x1ef: {  	s12 =	simm.s32 $0x40;
	s10 =	simm.s32 $0x10;
	[tilespmem:s16+$0xE280] =	vst v62;
	v33 =	vperm.xlane v30, v32  }
0x1f0: {  	p3 =	por $0x1, $0x1;
	s11 =	simm.s32 $0x1;
	s5 =	simm.s32 $0x2;
	v32 =	vperm.xlane v31, v32;
	[tilespmem:s16+$0xE300] =	vst v63  }
.LBB2_21:
0x1f1: {  	p4 =	sne.s32 s5, $0x1F;
	s13 =	sand.u32 $0x70, s10;
	s12 =	sand.u32 $0x3FFFFE00, s12;
	[tilespmem:s16+$0xE380] =	vst v33  }
0x1f2: {  	s12 =	sor.u32 s13, s12;
	[tilespmem:s16+$0xE400] =	vst v32  }
0x1f3: {  	v32 =	vld [tilespmem:s12+$0x980];
	_ =	sdelay $0x4  }
0x1f4: {  	v33 =	vshrl.u32 v32, $0x1B  }
0x1f5: {  	v33 =	vand.u32 $0x10, v33  }
0x1f6: {  	s12 =	sshll.u32 s11, $0x7;
	s11 =	smov.u32 s5;
	v32 =	vadd.s32 v32, v33  }
0x1f7: {  	s12 =	sand.u32 $0x3FFFFC00, s12;
	v33 =	vperm.xlane v16, v32;
	v34 =	vperm.xlane v17, v32  }
0x1f8: {  	s16 =	sor.u32 s13, s12;
	v35 =	vperm.xlane v18, v32;
	v36 =	vperm.xlane v19, v32  }
0x1f9: {  	v37 =	vperm.xlane v21, v32;
	[tilespmem:s16+$0xD080] =	vst v33;
	v33 =	vperm.xlane v20, v32  }
0x1fa: {  	v38 =	vperm.xlane v23, v32;
	[tilespmem:s16+$0xD100] =	vst v34;
	v34 =	vperm.xlane v22, v32  }
0x1fb: {  	v39 =	vperm.xlane v25, v32;
	[tilespmem:s16+$0xD180] =	vst v35;
	v35 =	vperm.xlane v24, v32  }
0x1fc: {  	v40 =	vperm.xlane v27, v32;
	[tilespmem:s16+$0xD200] =	vst v36;
	v36 =	vperm.xlane v26, v32  }
0x1fd: {  	v41 =	vperm.xlane v28, v32;
	v42 =	vperm.xlane v29, v32;
	[tilespmem:s16+$0xD280] =	vst v33  }
0x1fe: {  	v33 =	vperm.xlane v30, v32;
	v32 =	vperm.xlane v31, v32;
	[tilespmem:s16+$0xD300] =	vst v37  }
0x1ff: {  	[tilespmem:s16+$0xD380] =	vst v34  }
0x200: {  	[tilespmem:s16+$0xD400] =	vst v38  }
0x201: {  	[tilespmem:s16+$0xE080] =	vst v35  }
.Ltmp14:
0x202: {  	[tilespmem:s16+$0xE100] =	vst v39;
	(pc) =	sbr.rel @p4 .LBB2_21-.Ltmp14, $4  }
0x203: {  	[tilespmem:s16+$0xE180] =	vst v36  }
0x204: {  	[tilespmem:s16+$0xE200] =	vst v40  }
0x205: {  	[tilespmem:s16+$0xE280] =	vst v41  }
0x206: {  	s10 =	sadd.s32 $0x10, s10;
	s5 =	sadd.s32 $0x1, s5;
	s12 =	sshll.u32 s11, $0x6;
	[tilespmem:s16+$0xE300] =	vst v42  }
.LBB2_22:
0x207: {  	s5 =	sand.u32 $0x70, s10;
	s13 =	sand.u32 $0x3FFFFE00, s12;
	[tilespmem:s16+$0xE380] =	vst @p3 v33  }
0x208: {  	[tilespmem:s16+$0xE400] =	vst @p3 v32;
	s10 =	sor.u32 s5, s13  }
0x209: {  	v32 =	vld [tilespmem:s10+$0x980];
	_ =	sdelay $0x4  }
0x20a: {  	v51 =	vshrl.u32 v32, $0x1B  }
0x20b: {  	v33 =	vand.u32 $0x10, v51  }
0x20c: {  	s16 =	sshll.u32 s11, $0x7;
	v32 =	vadd.s32 v32, v33  }
0x20d: {  	s10 =	sand.u32 $0x3FFFFC00, s16;
	v33 =	vperm.xlane v16, v32  }
0x20e: {  	s5 =	sor.u32 s5, s10;
	v34 =	vperm.xlane v17, v32  }
0x20f: {  	v35 =	vperm.xlane v18, v32;
	[tilespmem:s5+$0xD080] =	vst v33  }
0x210: {  	v52 =	vperm.xlane v19, v32;
	[tilespmem:s5+$0xD100] =	vst v34  }
0x211: {  	v53 =	vperm.xlane v20, v32;
	[tilespmem:s5+$0xD180] =	vst v35  }
0x212: {  	v54 =	vperm.xlane v21, v32;
	[tilespmem:s5+$0xD200] =	vst v52  }
0x213: {  	v55 =	vperm.xlane v22, v32;
	[tilespmem:s5+$0xD280] =	vst v53  }
0x214: {  	v56 =	vperm.xlane v23, v32;
	[tilespmem:s5+$0xD300] =	vst v54  }
0x215: {  	v57 =	vperm.xlane v24, v32;
	[tilespmem:s5+$0xD380] =	vst v55  }
0x216: {  	v58 =	vperm.xlane v25, v32;
	[tilespmem:s5+$0xD400] =	vst v56  }
0x217: {  	v59 =	vperm.xlane v26, v32;
	[tilespmem:s5+$0xE080] =	vst v57  }
0x218: {  	v60 =	vperm.xlane v27, v32;
	[tilespmem:s5+$0xE100] =	vst v58  }
0x219: {  	v61 =	vperm.xlane v28, v32;
	[tilespmem:s5+$0xE180] =	vst v59  }
.Ltmp15:
0x21a: {  	v62 =	vperm.xlane v29, v32;
	[tilespmem:s5+$0xE200] =	vst v60;
	(pc) =	sbr.rel @!p2 .LBB2_23-.Ltmp15, $4  }
0x21b: {  	v63 =	vperm.xlane v30, v32;
	[tilespmem:s5+$0xE280] =	vst v61  }
0x21c: {  	v32 =	vperm.xlane v31, v32;
	[tilespmem:s5+$0xE300] =	vst v62  }
0x21d: {  	[tilespmem:s5+$0xE380] =	vst v63  }
0x21e: {  	[tilespmem:s5+$0xE400] =	vst v32  }
0x21f: {  	s1 =	sand.u32 $0x3FFFFE00, s4  }
0x220: {  	s1 =	sor.u32 s15, s1  }
0x221: {  	v32 =	vld [tilespmem:s1+$0xA00];
	_ =	sdelay $0x4  }
0x222: {  	v33 =	vshrl.u32 v32, $0x1B  }
0x223: {  	v33 =	vand.u32 $0x10, v33  }
0x224: {  	s16 =	simm.s32 $0x0;
	v32 =	vadd.s32 v32, v33  }
0x225: {  	s1 =	sand.u32 $0x3FFFFC00, s16;
	v33 =	vperm.xlane v16, v32  }
0x226: {  	s15 =	sor.u32 s15, s1;
	v34 =	vperm.xlane v17, v32  }
0x227: {  	v35 =	vperm.xlane v18, v32;
	[tilespmem:s15+$0xF080] =	vst v33  }
0x228: {  	v53 =	vperm.xlane v19, v32;
	[tilespmem:s15+$0xF100] =	vst v34  }
0x229: {  	v54 =	vperm.xlane v20, v32;
	[tilespmem:s15+$0xF180] =	vst v35  }
0x22a: {  	v55 =	vperm.xlane v21, v32;
	[tilespmem:s15+$0xF200] =	vst v53  }
0x22b: {  	v56 =	vperm.xlane v22, v32;
	[tilespmem:s15+$0xF280] =	vst v54  }
0x22c: {  	v57 =	vperm.xlane v23, v32;
	[tilespmem:s15+$0xF300] =	vst v55  }
0x22d: {  	v58 =	vperm.xlane v24, v32;
	[tilespmem:s15+$0xF380] =	vst v56  }
0x22e: {  	v59 =	vperm.xlane v25, v32;
	[tilespmem:s15+$0xF400] =	vst v57  }
0x22f: {  	p2 =	por $0x1, $0x1;
	v60 =	vperm.xlane v26, v32;
	[tilespmem:s15+$0x10080] =	vst v58  }
.Ltmp16:
0x230: {  	v61 =	vperm.xlane v27, v32;
	[tilespmem:s15+$0x10100] =	vst v59;
	(pc) =	sbr.rel @!p2 .LBB2_26-.Ltmp16, $4  }
0x231: {  	v62 =	vperm.xlane v28, v32;
	[tilespmem:s15+$0x10180] =	vst v60  }
0x232: {  	v63 =	vperm.xlane v29, v32;
	[tilespmem:s15+$0x10200] =	vst v61  }
0x233: {  	s4 =	simm.s32 $0x40;
	[tilespmem:s15+$0x10280] =	vst v62;
	v33 =	vperm.xlane v30, v32  }
0x234: {  	s5 =	simm.s32 $0x2;
	p1 =	por $0x1, $0x1;
	s1 =	simm.s32 $0x10;
	v32 =	vperm.xlane v31, v32;
	[tilespmem:s15+$0x10300] =	vst v63  }
.LBB2_25:
0x235: {  	p2 =	sne.s32 s5, $0x1F;
	s10 =	sand.u32 $0x70, s1;
	s4 =	sand.u32 $0x3FFFFE00, s4;
	[tilespmem:s15+$0x10380] =	vst v33  }
0x236: {  	s4 =	sor.u32 s10, s4;
	[tilespmem:s15+$0x10400] =	vst v32  }
0x237: {  	v32 =	vld [tilespmem:s4+$0xA00];
	_ =	sdelay $0x4  }
0x238: {  	v33 =	vshrl.u32 v32, $0x1B  }
0x239: {  	v33 =	vand.u32 $0x10, v33  }
0x23a: {  	s4 =	sshll.u32 s31, $0x7;
	s31 =	smov.u32 s5;
	v32 =	vadd.s32 v32, v33  }
0x23b: {  	s4 =	sand.u32 $0x3FFFFC00, s4;
	v33 =	vperm.xlane v16, v32;
	v34 =	vperm.xlane v17, v32  }
0x23c: {  	s15 =	sor.u32 s10, s4;
	v35 =	vperm.xlane v18, v32;
	v36 =	vperm.xlane v19, v32  }
0x23d: {  	v37 =	vperm.xlane v21, v32;
	[tilespmem:s15+$0xF080] =	vst v33;
	v33 =	vperm.xlane v20, v32  }
0x23e: {  	v38 =	vperm.xlane v23, v32;
	[tilespmem:s15+$0xF100] =	vst v34;
	v34 =	vperm.xlane v22, v32  }
0x23f: {  	v39 =	vperm.xlane v25, v32;
	[tilespmem:s15+$0xF180] =	vst v35;
	v35 =	vperm.xlane v24, v32  }
0x240: {  	v40 =	vperm.xlane v27, v32;
	[tilespmem:s15+$0xF200] =	vst v36;
	v36 =	vperm.xlane v26, v32  }
0x241: {  	v41 =	vperm.xlane v28, v32;
	v42 =	vperm.xlane v29, v32;
	[tilespmem:s15+$0xF280] =	vst v33  }
0x242: {  	v33 =	vperm.xlane v30, v32;
	v32 =	vperm.xlane v31, v32;
	[tilespmem:s15+$0xF300] =	vst v37  }
0x243: {  	[tilespmem:s15+$0xF380] =	vst v34  }
0x244: {  	[tilespmem:s15+$0xF400] =	vst v38  }
0x245: {  	[tilespmem:s15+$0x10080] =	vst v35  }
.Ltmp17:
0x246: {  	[tilespmem:s15+$0x10100] =	vst v39;
	(pc) =	sbr.rel @p2 .LBB2_25-.Ltmp17, $4  }
0x247: {  	[tilespmem:s15+$0x10180] =	vst v36  }
0x248: {  	[tilespmem:s15+$0x10200] =	vst v40  }
0x249: {  	[tilespmem:s15+$0x10280] =	vst v41  }
0x24a: {  	s1 =	sadd.s32 $0x10, s1;
	s5 =	sadd.s32 $0x1, s5;
	s4 =	sshll.u32 s31, $0x6;
	[tilespmem:s15+$0x10300] =	vst v42  }
.LBB2_26:
0x24b: {  	s1 =	sand.u32 $0x70, s1;
	s4 =	sand.u32 $0x3FFFFE00, s4;
	[tilespmem:s15+$0x10380] =	vst @p1 v33  }
0x24c: {  	s4 =	sor.u32 s1, s4;
	[tilespmem:s15+$0x10400] =	vst @p1 v32  }
0x24d: {  	v32 =	vld [tilespmem:s4+$0xA00];
	_ =	sdelay $0x4  }
0x24e: {  	v51 =	vshrl.u32 v32, $0x1B  }
0x24f: {  	v33 =	vand.u32 $0x10, v51  }
0x250: {  	s16 =	sshll.u32 s31, $0x7;
	v32 =	vadd.s32 v32, v33  }
0x251: {  	s4 =	sand.u32 $0x3FFFFC00, s16;
	v33 =	vperm.xlane v16, v32  }
0x252: {  	s1 =	sor.u32 s1, s4;
	v34 =	vperm.xlane v17, v32  }
0x253: {  	v35 =	vperm.xlane v18, v32;
	[tilespmem:s1+$0xF080] =	vst v33  }
0x254: {  	v52 =	vperm.xlane v19, v32;
	[tilespmem:s1+$0xF100] =	vst v34  }
0x255: {  	v53 =	vperm.xlane v20, v32;
	[tilespmem:s1+$0xF180] =	vst v35  }
0x256: {  	v54 =	vperm.xlane v21, v32;
	[tilespmem:s1+$0xF200] =	vst v52  }
0x257: {  	v55 =	vperm.xlane v22, v32;
	[tilespmem:s1+$0xF280] =	vst v53  }
0x258: {  	v56 =	vperm.xlane v23, v32;
	[tilespmem:s1+$0xF300] =	vst v54  }
0x259: {  	v57 =	vperm.xlane v24, v32;
	[tilespmem:s1+$0xF380] =	vst v55  }
0x25a: {  	v58 =	vperm.xlane v25, v32;
	[tilespmem:s1+$0xF400] =	vst v56  }
0x25b: {  	v59 =	vperm.xlane v26, v32;
	[tilespmem:s1+$0x10080] =	vst v57  }
0x25c: {  	v60 =	vperm.xlane v27, v32;
	[tilespmem:s1+$0x10100] =	vst v58  }
0x25d: {  	v61 =	vperm.xlane v28, v32;
	[tilespmem:s1+$0x10180] =	vst v59  }
0x25e: {  	v62 =	vperm.xlane v29, v32;
	[tilespmem:s1+$0x10200] =	vst v60  }
0x25f: {  	v63 =	vperm.xlane v30, v32;
	[tilespmem:s1+$0x10280] =	vst v61  }
0x260: {  	v32 =	vperm.xlane v31, v32;
	[tilespmem:s1+$0x10300] =	vst v62  }
0x261: {  	[tilespmem:s1+$0x10380] =	vst v63  }
0x262: {  	s31 =	sadd.s32 s29, s9;
	s5 =	simm.s32 @!p0 $0x400;
	s10 =	simm.s32 @!p0 $0x880;
	[tilespmem:s1+$0x10400] =	vst v32  }
0x263: {  	[hbm4b:s31+s19] =	stream.strided.scatter [tilespmem:s23], [sflag:$0x4], $0x8000, s20, s19, $0x38;
	[tilespmem:$0x11080] =	vst v63  }
0x264: {  	p1 =	sne.s32 @!p0 s28, $0x19;
	s4 =	simm.s32 @!p0 $0x200;
	s1 =	sadd.s32 @!p0 s30, s7  }
0x265: {  	[tilespmem:s10], [sflag:$0x2] =	stream.strided.gather @!p0 [hbm4b:s1+s4], $0x800, s5, s4, $0x38;
	[tilespmem:$0x11080] =	vst v63  }
0x266: {  	p0 =	por p0, !p1  }
.Ltmp18:
0x267: {  	_ = 	snop;
	(pc) =	sbr.rel @!p0 .LBB2_2-.Ltmp18, $4  }
.Ltmp19:
0x268: {  	_ = 	snop;
	(pc) =	sbr.rel @p0 .LBB2_27-.Ltmp19, $4  }
0x269: {  	_ = 	snop  }
0x26a: {  	_ = 	snop  }
0x26b: {  	_ = 	snop  }
0x26c: {  	_ = 	snop  }
.LBB2_11:
.Ltmp20:
0x26d: {  	(pc) =	sbr.rel .LBB2_14-.Ltmp20, $2  }
0x26e: {  	_ =	sdelay $0x2  }
0x26f: {  	s29 =	simm.s32 $0x0  }
.LBB2_23:
.Ltmp21:
0x270: {  	(pc) =	sbr.rel .LBB2_26-.Ltmp21, $2  }
0x271: {  	_ =	sdelay $0x2  }
0x272: {  	s31 =	simm.s32 $0x0  }
.LBB2_8:
.Ltmp22:
0x273: {  	(pc) =	sbr.rel .LBB2_10-.Ltmp22, $2  }
0x274: {  	_ =	sdelay $0x2  }
0x275: {  	s10 =	simm.s32 $0x1  }
.LBB2_20:
.Ltmp23:
0x276: {  	(pc) =	sbr.rel .LBB2_22-.Ltmp23, $2  }
0x277: {  	_ =	sdelay $0x2  }
0x278: {  	s11 =	simm.s32 $0x1  }
.LBB2_28:
0x279: {  	_ =	sfence.sel $0x180000  }
0x27a: {  	[bflag:$0x0] =	sbarrier.arrive $0xFFFF  }
0x27b: {  	_ =	strace $0x90000047  }
0x27c: {  	s0 =	stileid.u32;
	[bflag:$0x2] =	sbarrier.arrive $0xFFFF  }
0x27d: {  	p0 =	sne.s32 s0, $0x0;
	s0 =	rddreg [dreg:$0x3]  }
0x27e: {  	s0 =	sadd.s32 @!p0 $0x100000, s0  }
0x27f: {  	[sflag:s0] =	ssyncadd.tile.s32 @!p0 $0x1;
	_ =	shalt  }
.Lfunc_end2:
_tile_overlayer_lowered:
.L_overlay_start_2:
0x280: {  	(tag) =	ssettag $0x2  }
0x281: {  	s0 =	rddreg [dreg:$0x0];
	s2 =	stileid.u32  }
0x282: {  	s1 =	rddreg [dreg:$0x1];
	p0 =	sne.s32 s2, $0x0  }
0x283: {  	s3 =	rddreg [dreg:$0x2];
	[bflag:$0x3] =	sbarrier.arrive $0xFFFF;
	s2 =	simm.s32 @!p0 $0x1C05  }
0x284: {  	[timem:s3], [sflag:s2] =	dma.local @!p0 [hbm:s0], s1  }
0x285: {  	s0 =	simm.s32 @!p0 $0x5  }
0x286: {  	_ =	swait.ge @!p0 [sflag:s0], s1  }
0x287: {  	s1 =	ssub.s32 @!p0 $0x0, s1;
	[sflag:s0] =	ssyncset.done @!p0 $0x0  }
0x288: {  	[sflag:s0] =	ssyncadd.s32 @!p0 s1  }
0x289: {  	[bflag:$0x3] =	sbarrier.arrive $0xFFFF  }
0x28a: {  	_ =	shalt  }

</sc_bundles>
